<compile_context>
chip_gen: v7x
topology: tpu7x:2x2x1
jax: 0.10.2.dev20260603
libtpu: 0.0.44.dev20260713+nightly
codegen_flags: <defaults>
</compile_context>

<pallas_src>
import functools

import jax
import jax.numpy as jnp
from jax import lax
from jax.experimental import pallas as pl
from jax.experimental.pallas import tpu as pltpu
from jax.experimental.pallas import tpu_sc as plsc

NW = 32
IB = 128
CH = 128
LANES = 16
UNROLL = 8



def _rsqrt_vec(v):
    i = lax.bitcast_convert_type(v, jnp.int32)
    i = jnp.int32(0x5F3759DF) - lax.shift_right_logical(i, 1)
    y = lax.bitcast_convert_type(i, jnp.float32)
    for _ in range(3):
        y = y * (1.5 - 0.5 * v * y * y)
    return y


def _make_sc_embed(B, L, D, PS):
    nj = D // LANES
    N = B * L
    per_w = N // NW
    n_chunks_w = per_w // CH
    nib = per_w // IB
    chunks_per_b = L // CH
    mesh = plsc.VectorSubcoreMesh(core_axis_name="c", subcore_axis_name="s")

    @functools.partial(
        pl.kernel,
        mesh=mesh,
        out_type=jax.ShapeDtypeStruct((B, L, D), jnp.float32),
        compiler_params=pltpu.CompilerParams(use_tc_tiling_on_sc=False),
        scratch_types=[
            pltpu.VMEM((nib, IB), jnp.int32),
            pltpu.VMEM((nib, IB), jnp.int32),
            pltpu.VMEM((CH, D), jnp.float32),
            pltpu.VMEM((CH, D), jnp.float32),
            pltpu.VMEM((CH, D), jnp.float32),
            pltpu.VMEM((CH, D), jnp.float32),
            pltpu.VMEM((D,), jnp.float32),
            pltpu.VMEM((D,), jnp.float32),
            pltpu.VMEM((CH, 32), jnp.float32),
            pltpu.VMEM((CH, 32), jnp.float32),
            pltpu.SemaphoreType.DMA,
            pltpu.SemaphoreType.DMA,
            pltpu.SemaphoreType.DMA,
            pltpu.SemaphoreType.DMA,
        ],
    )
    def sc_embed(src_hbm, q_hbm, word_hbm, posseg_hbm, gamma_hbm, beta_hbm,
                 out_hbm, idx_v, q_v, rows0, rows1, prows0, prows1,
                 gamma_v, beta_v, scr_s, scr_q, sg0, sg1, ss0, ss1):
        sid = lax.axis_index("s")
        wid = sid * 2 + lax.axis_index("c")
        wb0 = wid * (per_w // L)
        rows = (rows0, rows1)
        prows = (prows0, prows1)
        sg = (sg0, sg1)
        ss = (ss0, ss1)

        pltpu.sync_copy(src_hbm.at[wid], idx_v)
        pltpu.sync_copy(q_hbm.at[wid], q_v)
        pltpu.sync_copy(gamma_hbm, gamma_v)
        pltpu.sync_copy(beta_hbm, beta_v)

        g = [gamma_v[pl.ds(LANES * j, LANES)] for j in range(nj)]
        bt = [beta_v[pl.ds(LANES * j, LANES)] for j in range(nj)]

        def dmas(c, b):
            out = []
            for k in range(CH // IB):
                dst = rows[b].at[pl.ds(k * IB, IB)]
                out.append((word_hbm.at[idx_v.at[c * (CH // IB) + k]], dst))
                pdst = prows[b].at[pl.ds(k * IB, IB)]
                out.append((posseg_hbm.at[q_v.at[c * (CH // IB) + k]], pdst))
            return out

        def gather(c, b):
            for s_, d_ in dmas(c, b):
                pltpu.async_copy(s_, d_, sg[b])

        def wait_gather(c, b):
            for s_, d_ in dmas(c, b):
                pltpu.make_async_copy(s_, d_, sg[b]).wait()

        def out_slot(c):
            bb = wb0 + c // chunks_per_b
            l0 = (c % chunks_per_b) * CH
            return out_hbm.at[bb, pl.ds(l0, CH)]

        def scatter(c, b):
            pltpu.async_copy(rows[b], out_slot(c), ss[b])

        def wait_scatter(c, b):
            pltpu.make_async_copy(rows[b], out_slot(c), ss[b]).wait()

        def rotate_chain(vs, scrs):
            vs = list(vs)
            for sh in (8, 4, 2, 1):
                for v, scr in zip(vs, scrs):
                    scr[pl.ds(0, LANES)] = v
                    scr[pl.ds(LANES, LANES)] = v
                vs = [v + scr[pl.ds(sh, LANES)] for v, scr in zip(vs, scrs)]
            return vs

        def compute(b):
            @plsc.parallel_loop(0, CH, 1, unroll=UNROLL)
            def rbody(r):
                x = [rows[b][r, pl.ds(LANES * j, LANES)] +
                     prows[b][r, pl.ds(LANES * j, LANES)]
                     for j in range(nj)]
                s = functools.reduce(lambda a, c_: a + c_, x)
                q = functools.reduce(lambda a, c_: a + c_,
                                     [xj * xj for xj in x])
                s, q = rotate_chain([s, q], [scr_s.at[r], scr_q.at[r]])
                meanv = s * (1.0 / D)
                varv = q * (1.0 / D) - meanv * meanv + 1e-12
                rstd = _rsqrt_vec(varv)
                for j in range(nj):
                    rows[b][r, pl.ds(LANES * j, LANES)] = (
                        (x[j] - meanv) * rstd * g[j] + bt[j])

        gather(0, 0)

        def gbody(gi, carry):
            for b in range(2):
                c = 2 * gi + b

                @pl.when(c >= 1)
                def _w():
                    wait_scatter(c - 1, 1 - b)

                @pl.when(c + 1 < n_chunks_w)
                def _g():
                    gather(c + 1, 1 - b)

                wait_gather(c, b)
                compute(b)
                scatter(c, b)
            return carry

        lax.fori_loop(0, n_chunks_w // 2, gbody, 0)
        wait_scatter(n_chunks_w - 1, 1)

    return sc_embed


def kernel(src, seg, word_table, pos_table, seg_table, gamma, beta):
    B, L = src.shape
    _, D = word_table.shape
    S = seg_table.shape[0]
    N = B * L
    per_w = N // NW
    nib = per_w // IB

    posseg = (pos_table[:L, None, :] + seg_table[None, :, :]).reshape(L * S, D)
    qidx = (jnp.arange(L, dtype=jnp.int32) * S)[None, :] + seg.astype(jnp.int32)
    src_w = src.astype(jnp.int32).reshape(NW, nib, IB)
    q_w = qidx.reshape(NW, nib, IB)

    return _make_sc_embed(B, L, D, L * S)(
        src_w, q_w, word_table.astype(jnp.float32), posseg,
        gamma.astype(jnp.float32), beta.astype(jnp.float32))

# --- scband reference (transcript-rebuilt; emitter-appended) ---
"""Pipeline reference for scband-bert-embedding-10462540333137 (READ-ONLY COPY).

The authoritative reference and input builder live on the scoring server;
editing this copy changes nothing except your own understanding.
"""

import jax, jax.numpy as jnp
import numpy as np

B, L, D, V, P, S = 1024, 512, 64, 1000000, 512, 3

def setup_inputs(seed: int = 0):
    key = jax.random.key(seed)
    ks = jax.random.split(key, 5)
    src = jax.random.randint(ks[0], (B, L), 0, V)
    seg = jax.random.randint(ks[1], (B, L), 0, S)
    word_table = jax.random.normal(ks[2], (V, D), dtype=jnp.float32) * 0.02
    pos_table = jax.random.normal(ks[3], (P, D), dtype=jnp.float32) * 0.02
    seg_table = jax.random.normal(ks[4], (S, D), dtype=jnp.float32) * 0.02
    gamma = jnp.ones((D,), dtype=jnp.float32)
    beta = jnp.zeros((D,), dtype=jnp.float32)
    return {"src": src, "seg": seg, "word_table": word_table, "pos_table": pos_table, "seg_table": seg_table, "gamma": gamma, "beta": beta}

def reference(src, seg, word_table, pos_table, seg_table, gamma, beta):
    # word embedding lookup
    word_emb = jnp.take(word_table, src, axis=0)            # [B, L, D]
    # position embedding: pos is None -> arange(L) repeated over batch
    pos_ids = jnp.arange(src.shape[1], dtype=jnp.int32)
    pos_emb = jnp.take(pos_table, pos_ids, axis=0)[None, :, :]  # [1, L, D] broadcasts over batch
    # segment embedding lookup
    seg_emb = jnp.take(seg_table, seg, axis=0)              # [B, L, D]
    emb = word_emb + pos_emb + seg_emb
    # LayerNorm over last dim
    mean = jnp.mean(emb, axis=-1, keepdims=True)
    var = jnp.mean(jnp.square(emb - mean), axis=-1, keepdims=True)
    normed = (emb - mean) / jnp.sqrt(var + 1e-12)
    out = normed * gamma + beta
    # dropout is identity in eval mode
    return out

if __name__ == "__main__":
    import jax
    _d = setup_inputs()
    print(jax.jit(kernel)(*tuple(_d.values())))

</pallas_src>

<mosaic_0001>
#map = affine_map<(d0, d1) -> (0, 0, 0)>
#map1 = affine_map<(d0, d1) -> (0, 0)>
#map2 = affine_map<(d0, d1) -> (0)>
module attributes {stable_mosaic.version = 14 : i64} {
  func.func @sc_embed(%arg0: i32, %arg1: i32, %arg2: memref<32x128x128xi32, #tpu.memory_space<hbm>>, %arg3: memref<32x128x128xi32, #tpu.memory_space<hbm>>, %arg4: memref<1000000x64xf32, #tpu.memory_space<hbm>>, %arg5: memref<1536x64xf32, #tpu.memory_space<hbm>>, %arg6: memref<64xf32, #tpu.memory_space<hbm>>, %arg7: memref<64xf32, #tpu.memory_space<hbm>>, %arg8: memref<1024x512x64xf32, #tpu.memory_space<hbm>>, %arg9: memref<128x128xi32, #tpu.memory_space<vmem>>, %arg10: memref<128x128xi32, #tpu.memory_space<vmem>>, %arg11: memref<128x64xf32, #tpu.memory_space<vmem>>, %arg12: memref<128x64xf32, #tpu.memory_space<vmem>>, %arg13: memref<128x64xf32, #tpu.memory_space<vmem>>, %arg14: memref<128x64xf32, #tpu.memory_space<vmem>>, %arg15: memref<64xf32, #tpu.memory_space<vmem>>, %arg16: memref<64xf32, #tpu.memory_space<vmem>>, %arg17: memref<128x32xf32, #tpu.memory_space<vmem>>, %arg18: memref<128x32xf32, #tpu.memory_space<vmem>>, %arg19: memref<!tpu.dma_semaphore, #tpu.memory_space<semaphore_mem>>, %arg20: memref<!tpu.dma_semaphore, #tpu.memory_space<semaphore_mem>>, %arg21: memref<!tpu.dma_semaphore, #tpu.memory_space<semaphore_mem>>, %arg22: memref<!tpu.dma_semaphore, #tpu.memory_space<semaphore_mem>>) attributes {dimension_semantics = [#tpu.dimension_semantics<core_parallel>, #tpu.dimension_semantics<subcore_parallel>], iteration_bounds = array<i64: 2, 16>, scalar_prefetch = 0 : i64, scratch_operands = 14 : i64, tpu.core_type = #tpu.core_type<sc_vector_subcore>, window_params = [{transform_indices = #map}, {transform_indices = #map}, {transform_indices = #map1}, {transform_indices = #map1}, {transform_indices = #map2}, {transform_indices = #map2}, {transform_indices = #map}]} {
    %mul3A = arith.constant 2 : i32
    %mul3A_0 = arith.muli %arg1, %mul3A : i32
    %add3A = arith.addi %mul3A_0, %arg0 : i32
    %mul3A_1 = arith.constant 32 : i32
    %mul3A_2 = arith.muli %add3A, %mul3A_1 : i32
    "tpu.region"() ({
      %run_scoped3A = tpu.sem_alloc : memref<!tpu.dma_semaphore, #tpu.memory_space<semaphore_mem>>
      %dma_start3A_59 = arith.constant 0 : i32
      %dma_start3A_60 = arith.constant 0 : i32
      %dma_start3A_61 = tpu.memref_slice %arg2[%add3A, %dma_start3A_59, %dma_start3A_60] : memref<32x128x128xi32, #tpu.memory_space<hbm>> -> memref<1x128x128xi32, #tpu.memory_space<hbm>>
      %dma_start3A_62 = tpu.memref_squeeze %dma_start3A_61 : memref<1x128x128xi32, #tpu.memory_space<hbm>> -> memref<128x128xi32, #tpu.memory_space<hbm>>
      %dma_start3A_63 = arith.constant 0 : i32
      %dma_start3A_64 = arith.constant 0 : i32
      %dma_start3A_65 = tpu.memref_slice %arg2[%add3A, %dma_start3A_63, %dma_start3A_64] : memref<32x128x128xi32, #tpu.memory_space<hbm>> -> memref<1x128x128xi32, #tpu.memory_space<hbm>>
      %dma_start3A_66 = tpu.memref_squeeze %dma_start3A_65 : memref<1x128x128xi32, #tpu.memory_space<hbm>> -> memref<128x128xi32, #tpu.memory_space<hbm>>
      tpu.enqueue_dma source(%dma_start3A_66 : memref<128x128xi32, #tpu.memory_space<hbm>>) target(%arg9 : memref<128x128xi32, #tpu.memory_space<vmem>>) target_semaphore(%run_scoped3A : memref<!tpu.dma_semaphore, #tpu.memory_space<semaphore_mem>>)
      %dma_wait3A_67 = arith.constant 0 : i32
      %dma_wait3A_68 = arith.constant 0 : i32
      %dma_wait3A_69 = tpu.memref_slice %arg2[%add3A, %dma_wait3A_67, %dma_wait3A_68] : memref<32x128x128xi32, #tpu.memory_space<hbm>> -> memref<1x128x128xi32, #tpu.memory_space<hbm>>
      %dma_wait3A_70 = tpu.memref_squeeze %dma_wait3A_69 : memref<1x128x128xi32, #tpu.memory_space<hbm>> -> memref<128x128xi32, #tpu.memory_space<hbm>>
      %dma_wait3A_71 = arith.constant 0 : i32
      %dma_wait3A_72 = arith.constant 0 : i32
      %dma_wait3A_73 = tpu.memref_slice %arg2[%add3A, %dma_wait3A_71, %dma_wait3A_72] : memref<32x128x128xi32, #tpu.memory_space<hbm>> -> memref<1x128x128xi32, #tpu.memory_space<hbm>>
      %dma_wait3A_74 = tpu.memref_squeeze %dma_wait3A_73 : memref<1x128x128xi32, #tpu.memory_space<hbm>> -> memref<128x128xi32, #tpu.memory_space<hbm>>
      tpu.wait_dma2 semaphore(%run_scoped3A : memref<!tpu.dma_semaphore, #tpu.memory_space<semaphore_mem>>) src(%dma_wait3A_74 : memref<128x128xi32, #tpu.memory_space<hbm>>) dst(%arg9 : memref<128x128xi32, #tpu.memory_space<vmem>>)
      tpu.yield
    }) : () -> ()
    "tpu.region"() ({
      %run_scoped3A = tpu.sem_alloc : memref<!tpu.dma_semaphore, #tpu.memory_space<semaphore_mem>>
      %dma_start3A_59 = arith.constant 0 : i32
      %dma_start3A_60 = arith.constant 0 : i32
      %dma_start3A_61 = tpu.memref_slice %arg3[%add3A, %dma_start3A_59, %dma_start3A_60] : memref<32x128x128xi32, #tpu.memory_space<hbm>> -> memref<1x128x128xi32, #tpu.memory_space<hbm>>
      %dma_start3A_62 = tpu.memref_squeeze %dma_start3A_61 : memref<1x128x128xi32, #tpu.memory_space<hbm>> -> memref<128x128xi32, #tpu.memory_space<hbm>>
      %dma_start3A_63 = arith.constant 0 : i32
      %dma_start3A_64 = arith.constant 0 : i32
      %dma_start3A_65 = tpu.memref_slice %arg3[%add3A, %dma_start3A_63, %dma_start3A_64] : memref<32x128x128xi32, #tpu.memory_space<hbm>> -> memref<1x128x128xi32, #tpu.memory_space<hbm>>
      %dma_start3A_66 = tpu.memref_squeeze %dma_start3A_65 : memref<1x128x128xi32, #tpu.memory_space<hbm>> -> memref<128x128xi32, #tpu.memory_space<hbm>>
      tpu.enqueue_dma source(%dma_start3A_66 : memref<128x128xi32, #tpu.memory_space<hbm>>) target(%arg10 : memref<128x128xi32, #tpu.memory_space<vmem>>) target_semaphore(%run_scoped3A : memref<!tpu.dma_semaphore, #tpu.memory_space<semaphore_mem>>)
      %dma_wait3A_67 = arith.constant 0 : i32
      %dma_wait3A_68 = arith.constant 0 : i32
      %dma_wait3A_69 = tpu.memref_slice %arg3[%add3A, %dma_wait3A_67, %dma_wait3A_68] : memref<32x128x128xi32, #tpu.memory_space<hbm>> -> memref<1x128x128xi32, #tpu.memory_space<hbm>>
      %dma_wait3A_70 = tpu.memref_squeeze %dma_wait3A_69 : memref<1x128x128xi32, #tpu.memory_space<hbm>> -> memref<128x128xi32, #tpu.memory_space<hbm>>
      %dma_wait3A_71 = arith.constant 0 : i32
      %dma_wait3A_72 = arith.constant 0 : i32
      %dma_wait3A_73 = tpu.memref_slice %arg3[%add3A, %dma_wait3A_71, %dma_wait3A_72] : memref<32x128x128xi32, #tpu.memory_space<hbm>> -> memref<1x128x128xi32, #tpu.memory_space<hbm>>
      %dma_wait3A_74 = tpu.memref_squeeze %dma_wait3A_73 : memref<1x128x128xi32, #tpu.memory_space<hbm>> -> memref<128x128xi32, #tpu.memory_space<hbm>>
      tpu.wait_dma2 semaphore(%run_scoped3A : memref<!tpu.dma_semaphore, #tpu.memory_space<semaphore_mem>>) src(%dma_wait3A_74 : memref<128x128xi32, #tpu.memory_space<hbm>>) dst(%arg10 : memref<128x128xi32, #tpu.memory_space<vmem>>)
      tpu.yield
    }) : () -> ()
    "tpu.region"() ({
      %run_scoped3A = tpu.sem_alloc : memref<!tpu.dma_semaphore, #tpu.memory_space<semaphore_mem>>
      tpu.enqueue_dma source(%arg6 : memref<64xf32, #tpu.memory_space<hbm>>) target(%arg15 : memref<64xf32, #tpu.memory_space<vmem>>) target_semaphore(%run_scoped3A : memref<!tpu.dma_semaphore, #tpu.memory_space<semaphore_mem>>)
      tpu.wait_dma2 semaphore(%run_scoped3A : memref<!tpu.dma_semaphore, #tpu.memory_space<semaphore_mem>>) src(%arg6 : memref<64xf32, #tpu.memory_space<hbm>>) dst(%arg15 : memref<64xf32, #tpu.memory_space<vmem>>)
      tpu.yield
    }) : () -> ()
    "tpu.region"() ({
      %run_scoped3A = tpu.sem_alloc : memref<!tpu.dma_semaphore, #tpu.memory_space<semaphore_mem>>
      tpu.enqueue_dma source(%arg7 : memref<64xf32, #tpu.memory_space<hbm>>) target(%arg16 : memref<64xf32, #tpu.memory_space<vmem>>) target_semaphore(%run_scoped3A : memref<!tpu.dma_semaphore, #tpu.memory_space<semaphore_mem>>)
      tpu.wait_dma2 semaphore(%run_scoped3A : memref<!tpu.dma_semaphore, #tpu.memory_space<semaphore_mem>>) src(%arg7 : memref<64xf32, #tpu.memory_space<hbm>>) dst(%arg16 : memref<64xf32, #tpu.memory_space<vmem>>)
      tpu.yield
    }) : () -> ()
    %get3A = arith.constant 0 : index
    %get3A_3 = tpu.vector_load %arg15[%get3A] {strides = array<i32>} : memref<64xf32, #tpu.memory_space<vmem>>, vector<16xf32>,
    %get3A_4 = vector.shape_cast %get3A_3 : vector<16xf32> to vector<16xf32>
    %get3A_5 = arith.constant 16 : index
    %get3A_6 = tpu.vector_load %arg15[%get3A_5] {strides = array<i32>} : memref<64xf32, #tpu.memory_space<vmem>>, vector<16xf32>,
    %get3A_7 = vector.shape_cast %get3A_6 : vector<16xf32> to vector<16xf32>
    %get3A_8 = arith.constant 32 : index
    %get3A_9 = tpu.vector_load %arg15[%get3A_8] {strides = array<i32>} : memref<64xf32, #tpu.memory_space<vmem>>, vector<16xf32>,
    %get3A_10 = vector.shape_cast %get3A_9 : vector<16xf32> to vector<16xf32>
    %get3A_11 = arith.constant 48 : index
    %get3A_12 = tpu.vector_load %arg15[%get3A_11] {strides = array<i32>} : memref<64xf32, #tpu.memory_space<vmem>>, vector<16xf32>,
    %get3A_13 = vector.shape_cast %get3A_12 : vector<16xf32> to vector<16xf32>
    %get3A_14 = arith.constant 0 : index
    %get3A_15 = tpu.vector_load %arg16[%get3A_14] {strides = array<i32>} : memref<64xf32, #tpu.memory_space<vmem>>, vector<16xf32>,
    %get3A_16 = vector.shape_cast %get3A_15 : vector<16xf32> to vector<16xf32>
    %get3A_17 = arith.constant 16 : index
    %get3A_18 = tpu.vector_load %arg16[%get3A_17] {strides = array<i32>} : memref<64xf32, #tpu.memory_space<vmem>>, vector<16xf32>,
    %get3A_19 = vector.shape_cast %get3A_18 : vector<16xf32> to vector<16xf32>
    %get3A_20 = arith.constant 32 : index
    %get3A_21 = tpu.vector_load %arg16[%get3A_20] {strides = array<i32>} : memref<64xf32, #tpu.memory_space<vmem>>, vector<16xf32>,
    %get3A_22 = vector.shape_cast %get3A_21 : vector<16xf32> to vector<16xf32>
    %get3A_23 = arith.constant 48 : index
    %get3A_24 = tpu.vector_load %arg16[%get3A_23] {strides = array<i32>} : memref<64xf32, #tpu.memory_space<vmem>>, vector<16xf32>,
    %get3A_25 = vector.shape_cast %get3A_24 : vector<16xf32> to vector<16xf32>
    %dma_start3A = arith.constant 0 : i32
    %dma_start3A_26 = arith.constant 0 : i32
    %dma_start3A_27 = arith.constant 0 : i32
    %dma_start3A_28 = tpu.memref_slice %arg11[%dma_start3A_26, %dma_start3A_27] : memref<128x64xf32, #tpu.memory_space<vmem>> -> memref<128x64xf32, #tpu.memory_space<vmem>>
    %dma_start3A_29 = arith.constant 0 : i32
    %dma_start3A_30 = tpu.memref_slice %arg9[%dma_start3A, %dma_start3A_29] : memref<128x128xi32, #tpu.memory_space<vmem>> -> memref<1x128xi32, #tpu.memory_space<vmem>>
    %dma_start3A_31 = tpu.memref_squeeze %dma_start3A_30 : memref<1x128xi32, #tpu.memory_space<vmem>> -> memref<128xi32, #tpu.memory_space<vmem>>
    %dma_start3A_32 = arith.constant 0 : i32
    %dma_start3A_33 = arith.constant 0 : i32
    %dma_start3A_34 = tpu.memref_slice %arg4[%dma_start3A_32, %dma_start3A_33] : memref<1000000x64xf32, #tpu.memory_space<hbm>> -> memref<1000000x64xf32, #tpu.memory_space<hbm>>
    tpu.enqueue_indirect_dma source(%dma_start3A_34 : memref<1000000x64xf32, #tpu.memory_space<hbm>>) target(%dma_start3A_28 : memref<128x64xf32, #tpu.memory_space<vmem>>) offsets(%dma_start3A_31 : memref<128xi32, #tpu.memory_space<vmem>>) semaphore(%arg19 : memref<!tpu.dma_semaphore, #tpu.memory_space<semaphore_mem>>)
    %dma_start3A_35 = arith.constant 0 : i32
    %dma_start3A_36 = arith.constant 0 : i32
    %dma_start3A_37 = arith.constant 0 : i32
    %dma_start3A_38 = tpu.memref_slice %arg13[%dma_start3A_36, %dma_start3A_37] : memref<128x64xf32, #tpu.memory_space<vmem>> -> memref<128x64xf32, #tpu.memory_space<vmem>>
    %dma_start3A_39 = arith.constant 0 : i32
    %dma_start3A_40 = tpu.memref_slice %arg10[%dma_start3A_35, %dma_start3A_39] : memref<128x128xi32, #tpu.memory_space<vmem>> -> memref<1x128xi32, #tpu.memory_space<vmem>>
    %dma_start3A_41 = tpu.memref_squeeze %dma_start3A_40 : memref<1x128xi32, #tpu.memory_space<vmem>> -> memref<128xi32, #tpu.memory_space<vmem>>
    %dma_start3A_42 = arith.constant 0 : i32
    %dma_start3A_43 = arith.constant 0 : i32
    %dma_start3A_44 = tpu.memref_slice %arg5[%dma_start3A_42, %dma_start3A_43] : memref<1536x64xf32, #tpu.memory_space<hbm>> -> memref<1536x64xf32, #tpu.memory_space<hbm>>
    tpu.enqueue_indirect_dma source(%dma_start3A_44 : memref<1536x64xf32, #tpu.memory_space<hbm>>) target(%dma_start3A_38 : memref<128x64xf32, #tpu.memory_space<vmem>>) offsets(%dma_start3A_41 : memref<128xi32, #tpu.memory_space<vmem>>) semaphore(%arg19 : memref<!tpu.dma_semaphore, #tpu.memory_space<semaphore_mem>>)
    %scan3A = arith.constant 0 : i32
    %scan3A_45 = arith.constant 0 : i32
    %scan3A_46 = arith.constant 64 : i32
    %scan3A_47 = arith.addi %scan3A_45, %scan3A_46 : i32
    %scan3A_48 = arith.constant 1 : i32
    scf.for %scan3A_59 = %scan3A_45 to %scan3A_47 step %scan3A_48  : i32 {
      %mul3A_60 = arith.constant 2 : i32
      %mul3A_61 = arith.muli %mul3A_60, %scan3A_59 : i32
      %add3A_62 = arith.constant 0 : i32
      %add3A_63 = arith.addi %mul3A_61, %add3A_62 : i32
      %ge3A = arith.constant 1 : i32
      %ge3A_64 = arith.cmpi sge, %add3A_63, %ge3A : i32
      %convert_element_type3A = arith.extui %ge3A_64 : i1 to i32
      %cond3A = arith.constant 0 : i32
      %cond3A_65 = arith.cmpi ne, %convert_element_type3A, %cond3A : i32
      scf.if %cond3A_65 {
        %sub3A_234 = arith.constant 1 : i32
        %sub3A_235 = arith.subi %add3A_63, %sub3A_234 : i32
        %jit3A_236 = arith.constant 4 : i32
        %div3A_237 = arith.divsi %sub3A_235, %jit3A_236 : i32
        %sign3A_238 = arith.constant 0 : i32
        %sign3A_239 = arith.cmpi sgt, %sub3A_235, %sign3A_238 : i32
        %sign3A_240 = arith.extui %sign3A_239 : i1 to i32
        %sign3A_241 = arith.constant 0 : i32
        %sign3A_242 = arith.cmpi slt, %sub3A_235, %sign3A_241 : i32
        %sign3A_243 = arith.extui %sign3A_242 : i1 to i32
        %sign3A_244 = arith.subi %sign3A_240, %sign3A_243 : i32
        %sign3A_245 = arith.constant 0 : i32
        %sign3A_246 = arith.cmpi sgt, %jit3A_236, %sign3A_245 : i32
        %sign3A_247 = arith.extui %sign3A_246 : i1 to i32
        %sign3A_248 = arith.constant 0 : i32
        %sign3A_249 = arith.cmpi slt, %jit3A_236, %sign3A_248 : i32
        %sign3A_250 = arith.extui %sign3A_249 : i1 to i32
        %sign3A_251 = arith.subi %sign3A_247, %sign3A_250 : i32
        %ne3A_252 = arith.cmpi ne, %sign3A_244, %sign3A_251 : i32
        %rem3A_253 = arith.remsi %sub3A_235, %jit3A_236 : i32
        %ne3A_254 = arith.constant 0 : i32
        %ne3A_255 = arith.cmpi ne, %rem3A_253, %ne3A_254 : i32
        %and3A_256 = arith.andi %ne3A_252, %ne3A_255 : i1
        %sub3A_257 = arith.constant 1 : i32
        %sub3A_258 = arith.subi %div3A_237, %sub3A_257 : i32
        %select_n3A_259 = arith.select %and3A_256, %sub3A_258, %div3A_237 : i32
        %add3A_260 = arith.addi %mul3A_2, %select_n3A_259 : i32
        %jit3A_261 = arith.constant 4 : i32
        %eq3A_262 = arith.constant 0 : i32
        %eq3A_263 = arith.cmpi eq, %jit3A_261, %eq3A_262 : i32
        %jit3A_264 = arith.constant 1 : i32
        %select_n3A_265 = arith.select %eq3A_263, %jit3A_264, %jit3A_261 : i32
        %rem3A_266 = arith.remsi %sub3A_235, %select_n3A_265 : i32
        %ne3A_267 = arith.constant 0 : i32
        %ne3A_268 = arith.cmpi ne, %rem3A_266, %ne3A_267 : i32
        %lt3A_269 = arith.constant 0 : i32
        %lt3A_270 = arith.cmpi slt, %rem3A_266, %lt3A_269 : i32
        %lt3A_271 = arith.constant 0 : i32
        %lt3A_272 = arith.cmpi slt, %select_n3A_265, %lt3A_271 : i32
        %ne3A_273 = arith.xori %lt3A_270, %lt3A_272 : i1
        %and3A_274 = arith.andi %ne3A_273, %ne3A_268 : i1
        %add3A_275 = arith.addi %rem3A_266, %select_n3A_265 : i32
        %select_n3A_276 = arith.select %and3A_274, %add3A_275, %rem3A_266 : i32
        %mul3A_277 = arith.constant 128 : i32
        %mul3A_278 = arith.muli %select_n3A_276, %mul3A_277 : i32
        %dma_wait3A_279 = arith.constant 0 : i32
        %dma_wait3A_280 = tpu.memref_slice %arg8[%add3A_260, %mul3A_278, %dma_wait3A_279] : memref<1024x512x64xf32, #tpu.memory_space<hbm>> -> memref<1x128x64xf32, #tpu.memory_space<hbm>>
        %dma_wait3A_281 = tpu.memref_squeeze %dma_wait3A_280 : memref<1x128x64xf32, #tpu.memory_space<hbm>> -> memref<128x64xf32, #tpu.memory_space<hbm>>
        %dma_wait3A_282 = arith.constant 0 : i32
        %dma_wait3A_283 = tpu.memref_slice %arg8[%add3A_260, %mul3A_278, %dma_wait3A_282] : memref<1024x512x64xf32, #tpu.memory_space<hbm>> -> memref<1x128x64xf32, #tpu.memory_space<hbm>>
        %dma_wait3A_284 = tpu.memref_squeeze %dma_wait3A_283 : memref<1x128x64xf32, #tpu.memory_space<hbm>> -> memref<128x64xf32, #tpu.memory_space<hbm>>
        tpu.wait_dma2 semaphore(%arg22 : memref<!tpu.dma_semaphore, #tpu.memory_space<semaphore_mem>>) src(%arg12 : memref<128x64xf32, #tpu.memory_space<vmem>>) dst(%dma_wait3A_284 : memref<128x64xf32, #tpu.memory_space<hbm>>)
      } else {
      }
      %add3A_66 = arith.constant 1 : i32
      %add3A_67 = arith.addi %add3A_63, %add3A_66 : i32
      %lt3A = arith.constant 128 : i32
      %lt3A_68 = arith.cmpi slt, %add3A_67, %lt3A : i32
      %convert_element_type3A_69 = arith.extui %lt3A_68 : i1 to i32
      %cond3A_70 = arith.constant 0 : i32
      %cond3A_71 = arith.cmpi ne, %convert_element_type3A_69, %cond3A_70 : i32
      scf.if %cond3A_71 {
        %add3A_234 = arith.constant 1 : i32
        %add3A_235 = arith.addi %add3A_63, %add3A_234 : i32
        %mul3A_236 = arith.constant 1 : i32
        %mul3A_237 = arith.muli %add3A_235, %mul3A_236 : i32
        %add3A_238 = arith.constant 0 : i32
        %add3A_239 = arith.addi %mul3A_237, %add3A_238 : i32
        %mul3A_240 = arith.constant 1 : i32
        %mul3A_241 = arith.muli %add3A_235, %mul3A_240 : i32
        %add3A_242 = arith.constant 0 : i32
        %add3A_243 = arith.addi %mul3A_241, %add3A_242 : i32
        %dma_start3A_244 = arith.constant 0 : i32
        %dma_start3A_245 = arith.constant 0 : i32
        %dma_start3A_246 = tpu.memref_slice %arg12[%dma_start3A_244, %dma_start3A_245] : memref<128x64xf32, #tpu.memory_space<vmem>> -> memref<128x64xf32, #tpu.memory_space<vmem>>
        %dma_start3A_247 = arith.constant 0 : i32
        %dma_start3A_248 = tpu.memref_slice %arg9[%add3A_239, %dma_start3A_247] : memref<128x128xi32, #tpu.memory_space<vmem>> -> memref<1x128xi32, #tpu.memory_space<vmem>>
        %dma_start3A_249 = tpu.memref_squeeze %dma_start3A_248 : memref<1x128xi32, #tpu.memory_space<vmem>> -> memref<128xi32, #tpu.memory_space<vmem>>
        %dma_start3A_250 = arith.constant 0 : i32
        %dma_start3A_251 = arith.constant 0 : i32
        %dma_start3A_252 = tpu.memref_slice %arg4[%dma_start3A_250, %dma_start3A_251] : memref<1000000x64xf32, #tpu.memory_space<hbm>> -> memref<1000000x64xf32, #tpu.memory_space<hbm>>
        tpu.enqueue_indirect_dma source(%dma_start3A_252 : memref<1000000x64xf32, #tpu.memory_space<hbm>>) target(%dma_start3A_246 : memref<128x64xf32, #tpu.memory_space<vmem>>) offsets(%dma_start3A_249 : memref<128xi32, #tpu.memory_space<vmem>>) semaphore(%arg20 : memref<!tpu.dma_semaphore, #tpu.memory_space<semaphore_mem>>)
        %dma_start3A_253 = arith.constant 0 : i32
        %dma_start3A_254 = arith.constant 0 : i32
        %dma_start3A_255 = tpu.memref_slice %arg14[%dma_start3A_253, %dma_start3A_254] : memref<128x64xf32, #tpu.memory_space<vmem>> -> memref<128x64xf32, #tpu.memory_space<vmem>>
        %dma_start3A_256 = arith.constant 0 : i32
        %dma_start3A_257 = tpu.memref_slice %arg10[%add3A_243, %dma_start3A_256] : memref<128x128xi32, #tpu.memory_space<vmem>> -> memref<1x128xi32, #tpu.memory_space<vmem>>
        %dma_start3A_258 = tpu.memref_squeeze %dma_start3A_257 : memref<1x128xi32, #tpu.memory_space<vmem>> -> memref<128xi32, #tpu.memory_space<vmem>>
        %dma_start3A_259 = arith.constant 0 : i32
        %dma_start3A_260 = arith.constant 0 : i32
        %dma_start3A_261 = tpu.memref_slice %arg5[%dma_start3A_259, %dma_start3A_260] : memref<1536x64xf32, #tpu.memory_space<hbm>> -> memref<1536x64xf32, #tpu.memory_space<hbm>>
        tpu.enqueue_indirect_dma source(%dma_start3A_261 : memref<1536x64xf32, #tpu.memory_space<hbm>>) target(%dma_start3A_255 : memref<128x64xf32, #tpu.memory_space<vmem>>) offsets(%dma_start3A_258 : memref<128xi32, #tpu.memory_space<vmem>>) semaphore(%arg20 : memref<!tpu.dma_semaphore, #tpu.memory_space<semaphore_mem>>)
      } else {
      }
      %mul3A_72 = arith.constant 1 : i32
      %mul3A_73 = arith.muli %add3A_63, %mul3A_72 : i32
      %add3A_74 = arith.constant 0 : i32
      %add3A_75 = arith.addi %mul3A_73, %add3A_74 : i32
      %mul3A_76 = arith.constant 1 : i32
      %mul3A_77 = arith.muli %add3A_63, %mul3A_76 : i32
      %add3A_78 = arith.constant 0 : i32
      %add3A_79 = arith.addi %mul3A_77, %add3A_78 : i32
      %dma_wait3A_80 = arith.constant 0 : i32
      %dma_wait3A_81 = arith.constant 0 : i32
      %dma_wait3A_82 = tpu.memref_slice %arg11[%dma_wait3A_80, %dma_wait3A_81] : memref<128x64xf32, #tpu.memory_space<vmem>> -> memref<128x64xf32, #tpu.memory_space<vmem>>
      %dma_wait3A_83 = arith.constant 0 : i32
      %dma_wait3A_84 = tpu.memref_slice %arg9[%add3A_75, %dma_wait3A_83] : memref<128x128xi32, #tpu.memory_space<vmem>> -> memref<1x128xi32, #tpu.memory_space<vmem>>
      %dma_wait3A_85 = tpu.memref_squeeze %dma_wait3A_84 : memref<1x128xi32, #tpu.memory_space<vmem>> -> memref<128xi32, #tpu.memory_space<vmem>>
      %dma_wait3A_86 = arith.constant 0 : i32
      %dma_wait3A_87 = arith.constant 0 : i32
      %dma_wait3A_88 = tpu.memref_slice %arg4[%dma_wait3A_86, %dma_wait3A_87] : memref<1000000x64xf32, #tpu.memory_space<hbm>> -> memref<1000000x64xf32, #tpu.memory_space<hbm>>
      tpu.wait_indirect_dma semaphore(%arg19 : memref<!tpu.dma_semaphore, #tpu.memory_space<semaphore_mem>>) src(%dma_wait3A_88 : memref<1000000x64xf32, #tpu.memory_space<hbm>>) dst(%dma_wait3A_82 : memref<128x64xf32, #tpu.memory_space<vmem>>)
      %dma_wait3A_89 = arith.constant 0 : i32
      %dma_wait3A_90 = arith.constant 0 : i32
      %dma_wait3A_91 = tpu.memref_slice %arg13[%dma_wait3A_89, %dma_wait3A_90] : memref<128x64xf32, #tpu.memory_space<vmem>> -> memref<128x64xf32, #tpu.memory_space<vmem>>
      %dma_wait3A_92 = arith.constant 0 : i32
      %dma_wait3A_93 = tpu.memref_slice %arg10[%add3A_79, %dma_wait3A_92] : memref<128x128xi32, #tpu.memory_space<vmem>> -> memref<1x128xi32, #tpu.memory_space<vmem>>
      %dma_wait3A_94 = tpu.memref_squeeze %dma_wait3A_93 : memref<1x128xi32, #tpu.memory_space<vmem>> -> memref<128xi32, #tpu.memory_space<vmem>>
      %dma_wait3A_95 = arith.constant 0 : i32
      %dma_wait3A_96 = arith.constant 0 : i32
      %dma_wait3A_97 = tpu.memref_slice %arg5[%dma_wait3A_95, %dma_wait3A_96] : memref<1536x64xf32, #tpu.memory_space<hbm>> -> memref<1536x64xf32, #tpu.memory_space<hbm>>
      tpu.wait_indirect_dma semaphore(%arg19 : memref<!tpu.dma_semaphore, #tpu.memory_space<semaphore_mem>>) src(%dma_wait3A_97 : memref<1536x64xf32, #tpu.memory_space<hbm>>) dst(%dma_wait3A_91 : memref<128x64xf32, #tpu.memory_space<vmem>>)
      %parallel_loop3A = arith.constant 0 : i32
      %parallel_loop3A_98 = arith.constant 128 : i32
      %parallel_loop3A_99 = arith.constant 1 : i32
      scf.for %parallel_loop3A_234 = %parallel_loop3A to %parallel_loop3A_98 step %parallel_loop3A_99  : i32 {
        %parallel_loop3A_235 = arith.index_cast %parallel_loop3A_234 : i32 to index
        %parallel_loop3A_236 = arith.constant 0 : index
        %parallel_loop3A_237 = tpu.vector_load %arg11[%parallel_loop3A_235, %parallel_loop3A_236] {strides = array<i32>} : memref<128x64xf32, #tpu.memory_space<vmem>>, vector<1x16xf32>,
        %parallel_loop3A_238 = vector.shape_cast %parallel_loop3A_237 : vector<1x16xf32> to vector<16xf32>
        %parallel_loop3A_239 = arith.index_cast %parallel_loop3A_234 : i32 to index
        %parallel_loop3A_240 = arith.constant 0 : index
        %parallel_loop3A_241 = tpu.vector_load %arg13[%parallel_loop3A_239, %parallel_loop3A_240] {strides = array<i32>} : memref<128x64xf32, #tpu.memory_space<vmem>>, vector<1x16xf32>,
        %parallel_loop3A_242 = vector.shape_cast %parallel_loop3A_241 : vector<1x16xf32> to vector<16xf32>
        %parallel_loop3A_243 = arith.addf %parallel_loop3A_238, %parallel_loop3A_242 : vector<16xf32>
        %parallel_loop3A_244 = arith.index_cast %parallel_loop3A_234 : i32 to index
        %parallel_loop3A_245 = arith.constant 16 : index
        %parallel_loop3A_246 = tpu.vector_load %arg11[%parallel_loop3A_244, %parallel_loop3A_245] {strides = array<i32>} : memref<128x64xf32, #tpu.memory_space<vmem>>, vector<1x16xf32>,
        %parallel_loop3A_247 = vector.shape_cast %parallel_loop3A_246 : vector<1x16xf32> to vector<16xf32>
        %parallel_loop3A_248 = arith.index_cast %parallel_loop3A_234 : i32 to index
        %parallel_loop3A_249 = arith.constant 16 : index
        %parallel_loop3A_250 = tpu.vector_load %arg13[%parallel_loop3A_248, %parallel_loop3A_249] {strides = array<i32>} : memref<128x64xf32, #tpu.memory_space<vmem>>, vector<1x16xf32>,
        %parallel_loop3A_251 = vector.shape_cast %parallel_loop3A_250 : vector<1x16xf32> to vector<16xf32>
        %parallel_loop3A_252 = arith.addf %parallel_loop3A_247, %parallel_loop3A_251 : vector<16xf32>
        %parallel_loop3A_253 = arith.index_cast %parallel_loop3A_234 : i32 to index
        %parallel_loop3A_254 = arith.constant 32 : index
        %parallel_loop3A_255 = tpu.vector_load %arg11[%parallel_loop3A_253, %parallel_loop3A_254] {strides = array<i32>} : memref<128x64xf32, #tpu.memory_space<vmem>>, vector<1x16xf32>,
        %parallel_loop3A_256 = vector.shape_cast %parallel_loop3A_255 : vector<1x16xf32> to vector<16xf32>
        %parallel_loop3A_257 = arith.index_cast %parallel_loop3A_234 : i32 to index
        %parallel_loop3A_258 = arith.constant 32 : index
        %parallel_loop3A_259 = tpu.vector_load %arg13[%parallel_loop3A_257, %parallel_loop3A_258] {strides = array<i32>} : memref<128x64xf32, #tpu.memory_space<vmem>>, vector<1x16xf32>,
        %parallel_loop3A_260 = vector.shape_cast %parallel_loop3A_259 : vector<1x16xf32> to vector<16xf32>
        %parallel_loop3A_261 = arith.addf %parallel_loop3A_256, %parallel_loop3A_260 : vector<16xf32>
        %parallel_loop3A_262 = arith.index_cast %parallel_loop3A_234 : i32 to index
        %parallel_loop3A_263 = arith.constant 48 : index
        %parallel_loop3A_264 = tpu.vector_load %arg11[%parallel_loop3A_262, %parallel_loop3A_263] {strides = array<i32>} : memref<128x64xf32, #tpu.memory_space<vmem>>, vector<1x16xf32>,
        %parallel_loop3A_265 = vector.shape_cast %parallel_loop3A_264 : vector<1x16xf32> to vector<16xf32>
        %parallel_loop3A_266 = arith.index_cast %parallel_loop3A_234 : i32 to index
        %parallel_loop3A_267 = arith.constant 48 : index
        %parallel_loop3A_268 = tpu.vector_load %arg13[%parallel_loop3A_266, %parallel_loop3A_267] {strides = array<i32>} : memref<128x64xf32, #tpu.memory_space<vmem>>, vector<1x16xf32>,
        %parallel_loop3A_269 = vector.shape_cast %parallel_loop3A_268 : vector<1x16xf32> to vector<16xf32>
        %parallel_loop3A_270 = arith.addf %parallel_loop3A_265, %parallel_loop3A_269 : vector<16xf32>
        %parallel_loop3A_271 = arith.addf %parallel_loop3A_243, %parallel_loop3A_252 : vector<16xf32>
        %parallel_loop3A_272 = arith.addf %parallel_loop3A_271, %parallel_loop3A_261 : vector<16xf32>
        %parallel_loop3A_273 = arith.addf %parallel_loop3A_272, %parallel_loop3A_270 : vector<16xf32>
        %parallel_loop3A_274 = arith.mulf %parallel_loop3A_243, %parallel_loop3A_243 : vector<16xf32>
        %parallel_loop3A_275 = arith.mulf %parallel_loop3A_252, %parallel_loop3A_252 : vector<16xf32>
        %parallel_loop3A_276 = arith.mulf %parallel_loop3A_261, %parallel_loop3A_261 : vector<16xf32>
        %parallel_loop3A_277 = arith.mulf %parallel_loop3A_270, %parallel_loop3A_270 : vector<16xf32>
        %parallel_loop3A_278 = arith.addf %parallel_loop3A_274, %parallel_loop3A_275 : vector<16xf32>
        %parallel_loop3A_279 = arith.addf %parallel_loop3A_278, %parallel_loop3A_276 : vector<16xf32>
        %parallel_loop3A_280 = arith.addf %parallel_loop3A_279, %parallel_loop3A_277 : vector<16xf32>
        %parallel_loop3A_281 = arith.constant 0 : i32
        %parallel_loop3A_282 = tpu.memref_slice %arg17[%parallel_loop3A_234, %parallel_loop3A_281] : memref<128x32xf32, #tpu.memory_space<vmem>> -> memref<1x32xf32, #tpu.memory_space<vmem>>
        %parallel_loop3A_283 = tpu.memref_squeeze %parallel_loop3A_282 : memref<1x32xf32, #tpu.memory_space<vmem>> -> memref<32xf32, #tpu.memory_space<vmem>>
        %parallel_loop3A_284 = arith.constant 0 : index
        %parallel_loop3A_285 = tpu.vector_load %parallel_loop3A_283[%parallel_loop3A_284] {strides = array<i32>} : memref<32xf32, #tpu.memory_space<vmem>>, vector<16xf32>,
        %parallel_loop3A_286 = vector.shape_cast %parallel_loop3A_285 : vector<16xf32> to vector<16xf32>
        %parallel_loop3A_287 = vector.shape_cast %parallel_loop3A_273 : vector<16xf32> to vector<16xf32>
        tpu.vector_store %parallel_loop3A_283[%parallel_loop3A_284], %parallel_loop3A_287 {strides = array<i32>} : memref<32xf32, #tpu.memory_space<vmem>>, vector<16xf32>,
        %parallel_loop3A_288 = arith.constant 0 : i32
        %parallel_loop3A_289 = tpu.memref_slice %arg17[%parallel_loop3A_234, %parallel_loop3A_288] : memref<128x32xf32, #tpu.memory_space<vmem>> -> memref<1x32xf32, #tpu.memory_space<vmem>>
        %parallel_loop3A_290 = tpu.memref_squeeze %parallel_loop3A_289 : memref<1x32xf32, #tpu.memory_space<vmem>> -> memref<32xf32, #tpu.memory_space<vmem>>
        %parallel_loop3A_291 = arith.constant 16 : index
        %parallel_loop3A_292 = tpu.vector_load %parallel_loop3A_290[%parallel_loop3A_291] {strides = array<i32>} : memref<32xf32, #tpu.memory_space<vmem>>, vector<16xf32>,
        %parallel_loop3A_293 = vector.shape_cast %parallel_loop3A_292 : vector<16xf32> to vector<16xf32>
        %parallel_loop3A_294 = vector.shape_cast %parallel_loop3A_273 : vector<16xf32> to vector<16xf32>
        tpu.vector_store %parallel_loop3A_290[%parallel_loop3A_291], %parallel_loop3A_294 {strides = array<i32>} : memref<32xf32, #tpu.memory_space<vmem>>, vector<16xf32>,
        %parallel_loop3A_295 = arith.constant 0 : i32
        %parallel_loop3A_296 = tpu.memref_slice %arg18[%parallel_loop3A_234, %parallel_loop3A_295] : memref<128x32xf32, #tpu.memory_space<vmem>> -> memref<1x32xf32, #tpu.memory_space<vmem>>
        %parallel_loop3A_297 = tpu.memref_squeeze %parallel_loop3A_296 : memref<1x32xf32, #tpu.memory_space<vmem>> -> memref<32xf32, #tpu.memory_space<vmem>>
        %parallel_loop3A_298 = arith.constant 0 : index
        %parallel_loop3A_299 = tpu.vector_load %parallel_loop3A_297[%parallel_loop3A_298] {strides = array<i32>} : memref<32xf32, #tpu.memory_space<vmem>>, vector<16xf32>,
        %parallel_loop3A_300 = vector.shape_cast %parallel_loop3A_299 : vector<16xf32> to vector<16xf32>
        %parallel_loop3A_301 = vector.shape_cast %parallel_loop3A_280 : vector<16xf32> to vector<16xf32>
        tpu.vector_store %parallel_loop3A_297[%parallel_loop3A_298], %parallel_loop3A_301 {strides = array<i32>} : memref<32xf32, #tpu.memory_space<vmem>>, vector<16xf32>,
        %parallel_loop3A_302 = arith.constant 0 : i32
        %parallel_loop3A_303 = tpu.memref_slice %arg18[%parallel_loop3A_234, %parallel_loop3A_302] : memref<128x32xf32, #tpu.memory_space<vmem>> -> memref<1x32xf32, #tpu.memory_space<vmem>>
        %parallel_loop3A_304 = tpu.memref_squeeze %parallel_loop3A_303 : memref<1x32xf32, #tpu.memory_space<vmem>> -> memref<32xf32, #tpu.memory_space<vmem>>
        %parallel_loop3A_305 = arith.constant 16 : index
        %parallel_loop3A_306 = tpu.vector_load %parallel_loop3A_304[%parallel_loop3A_305] {strides = array<i32>} : memref<32xf32, #tpu.memory_space<vmem>>, vector<16xf32>,
        %parallel_loop3A_307 = vector.shape_cast %parallel_loop3A_306 : vector<16xf32> to vector<16xf32>
        %parallel_loop3A_308 = vector.shape_cast %parallel_loop3A_280 : vector<16xf32> to vector<16xf32>
        tpu.vector_store %parallel_loop3A_304[%parallel_loop3A_305], %parallel_loop3A_308 {strides = array<i32>} : memref<32xf32, #tpu.memory_space<vmem>>, vector<16xf32>,
        %parallel_loop3A_309 = arith.constant 0 : i32
        %parallel_loop3A_310 = tpu.memref_slice %arg17[%parallel_loop3A_234, %parallel_loop3A_309] : memref<128x32xf32, #tpu.memory_space<vmem>> -> memref<1x32xf32, #tpu.memory_space<vmem>>
        %parallel_loop3A_311 = tpu.memref_squeeze %parallel_loop3A_310 : memref<1x32xf32, #tpu.memory_space<vmem>> -> memref<32xf32, #tpu.memory_space<vmem>>
        %parallel_loop3A_312 = arith.constant 8 : index
        %parallel_loop3A_313 = tpu.vector_load %parallel_loop3A_311[%parallel_loop3A_312] {strides = array<i32>} : memref<32xf32, #tpu.memory_space<vmem>>, vector<16xf32>,
        %parallel_loop3A_314 = vector.shape_cast %parallel_loop3A_313 : vector<16xf32> to vector<16xf32>
        %parallel_loop3A_315 = arith.addf %parallel_loop3A_273, %parallel_loop3A_314 : vector<16xf32>
        %parallel_loop3A_316 = arith.constant 0 : i32
        %parallel_loop3A_317 = tpu.memref_slice %arg18[%parallel_loop3A_234, %parallel_loop3A_316] : memref<128x32xf32, #tpu.memory_space<vmem>> -> memref<1x32xf32, #tpu.memory_space<vmem>>
        %parallel_loop3A_318 = tpu.memref_squeeze %parallel_loop3A_317 : memref<1x32xf32, #tpu.memory_space<vmem>> -> memref<32xf32, #tpu.memory_space<vmem>>
        %parallel_loop3A_319 = arith.constant 8 : index
        %parallel_loop3A_320 = tpu.vector_load %parallel_loop3A_318[%parallel_loop3A_319] {strides = array<i32>} : memref<32xf32, #tpu.memory_space<vmem>>, vector<16xf32>,
        %parallel_loop3A_321 = vector.shape_cast %parallel_loop3A_320 : vector<16xf32> to vector<16xf32>
        %parallel_loop3A_322 = arith.addf %parallel_loop3A_280, %parallel_loop3A_321 : vector<16xf32>
        %parallel_loop3A_323 = arith.constant 0 : i32
        %parallel_loop3A_324 = tpu.memref_slice %arg17[%parallel_loop3A_234, %parallel_loop3A_323] : memref<128x32xf32, #tpu.memory_space<vmem>> -> memref<1x32xf32, #tpu.memory_space<vmem>>
        %parallel_loop3A_325 = tpu.memref_squeeze %parallel_loop3A_324 : memref<1x32xf32, #tpu.memory_space<vmem>> -> memref<32xf32, #tpu.memory_space<vmem>>
        %parallel_loop3A_326 = arith.constant 0 : index
        %parallel_loop3A_327 = tpu.vector_load %parallel_loop3A_325[%parallel_loop3A_326] {strides = array<i32>} : memref<32xf32, #tpu.memory_space<vmem>>, vector<16xf32>,
        %parallel_loop3A_328 = vector.shape_cast %parallel_loop3A_327 : vector<16xf32> to vector<16xf32>
        %parallel_loop3A_329 = vector.shape_cast %parallel_loop3A_315 : vector<16xf32> to vector<16xf32>
        tpu.vector_store %parallel_loop3A_325[%parallel_loop3A_326], %parallel_loop3A_329 {strides = array<i32>} : memref<32xf32, #tpu.memory_space<vmem>>, vector<16xf32>,
        %parallel_loop3A_330 = arith.constant 0 : i32
        %parallel_loop3A_331 = tpu.memref_slice %arg17[%parallel_loop3A_234, %parallel_loop3A_330] : memref<128x32xf32, #tpu.memory_space<vmem>> -> memref<1x32xf32, #tpu.memory_space<vmem>>
        %parallel_loop3A_332 = tpu.memref_squeeze %parallel_loop3A_331 : memref<1x32xf32, #tpu.memory_space<vmem>> -> memref<32xf32, #tpu.memory_space<vmem>>
        %parallel_loop3A_333 = arith.constant 16 : index
        %parallel_loop3A_334 = tpu.vector_load %parallel_loop3A_332[%parallel_loop3A_333] {strides = array<i32>} : memref<32xf32, #tpu.memory_space<vmem>>, vector<16xf32>,
        %parallel_loop3A_335 = vector.shape_cast %parallel_loop3A_334 : vector<16xf32> to vector<16xf32>
        %parallel_loop3A_336 = vector.shape_cast %parallel_loop3A_315 : vector<16xf32> to vector<16xf32>
        tpu.vector_store %parallel_loop3A_332[%parallel_loop3A_333], %parallel_loop3A_336 {strides = array<i32>} : memref<32xf32, #tpu.memory_space<vmem>>, vector<16xf32>,
        %parallel_loop3A_337 = arith.constant 0 : i32
        %parallel_loop3A_338 = tpu.memref_slice %arg18[%parallel_loop3A_234, %parallel_loop3A_337] : memref<128x32xf32, #tpu.memory_space<vmem>> -> memref<1x32xf32, #tpu.memory_space<vmem>>
        %parallel_loop3A_339 = tpu.memref_squeeze %parallel_loop3A_338 : memref<1x32xf32, #tpu.memory_space<vmem>> -> memref<32xf32, #tpu.memory_space<vmem>>
        %parallel_loop3A_340 = arith.constant 0 : index
        %parallel_loop3A_341 = tpu.vector_load %parallel_loop3A_339[%parallel_loop3A_340] {strides = array<i32>} : memref<32xf32, #tpu.memory_space<vmem>>, vector<16xf32>,
        %parallel_loop3A_342 = vector.shape_cast %parallel_loop3A_341 : vector<16xf32> to vector<16xf32>
        %parallel_loop3A_343 = vector.shape_cast %parallel_loop3A_322 : vector<16xf32> to vector<16xf32>
        tpu.vector_store %parallel_loop3A_339[%parallel_loop3A_340], %parallel_loop3A_343 {strides = array<i32>} : memref<32xf32, #tpu.memory_space<vmem>>, vector<16xf32>,
        %parallel_loop3A_344 = arith.constant 0 : i32
        %parallel_loop3A_345 = tpu.memref_slice %arg18[%parallel_loop3A_234, %parallel_loop3A_344] : memref<128x32xf32, #tpu.memory_space<vmem>> -> memref<1x32xf32, #tpu.memory_space<vmem>>
        %parallel_loop3A_346 = tpu.memref_squeeze %parallel_loop3A_345 : memref<1x32xf32, #tpu.memory_space<vmem>> -> memref<32xf32, #tpu.memory_space<vmem>>
        %parallel_loop3A_347 = arith.constant 16 : index
        %parallel_loop3A_348 = tpu.vector_load %parallel_loop3A_346[%parallel_loop3A_347] {strides = array<i32>} : memref<32xf32, #tpu.memory_space<vmem>>, vector<16xf32>,
        %parallel_loop3A_349 = vector.shape_cast %parallel_loop3A_348 : vector<16xf32> to vector<16xf32>
        %parallel_loop3A_350 = vector.shape_cast %parallel_loop3A_322 : vector<16xf32> to vector<16xf32>
        tpu.vector_store %parallel_loop3A_346[%parallel_loop3A_347], %parallel_loop3A_350 {strides = array<i32>} : memref<32xf32, #tpu.memory_space<vmem>>, vector<16xf32>,
        %parallel_loop3A_351 = arith.constant 0 : i32
        %parallel_loop3A_352 = tpu.memref_slice %arg17[%parallel_loop3A_234, %parallel_loop3A_351] : memref<128x32xf32, #tpu.memory_space<vmem>> -> memref<1x32xf32, #tpu.memory_space<vmem>>
        %parallel_loop3A_353 = tpu.memref_squeeze %parallel_loop3A_352 : memref<1x32xf32, #tpu.memory_space<vmem>> -> memref<32xf32, #tpu.memory_space<vmem>>
        %parallel_loop3A_354 = arith.constant 4 : index
        %parallel_loop3A_355 = tpu.vector_load %parallel_loop3A_353[%parallel_loop3A_354] {strides = array<i32>} : memref<32xf32, #tpu.memory_space<vmem>>, vector<16xf32>,
        %parallel_loop3A_356 = vector.shape_cast %parallel_loop3A_355 : vector<16xf32> to vector<16xf32>
        %parallel_loop3A_357 = arith.addf %parallel_loop3A_315, %parallel_loop3A_356 : vector<16xf32>
        %parallel_loop3A_358 = arith.constant 0 : i32
        %parallel_loop3A_359 = tpu.memref_slice %arg18[%parallel_loop3A_234, %parallel_loop3A_358] : memref<128x32xf32, #tpu.memory_space<vmem>> -> memref<1x32xf32, #tpu.memory_space<vmem>>
        %parallel_loop3A_360 = tpu.memref_squeeze %parallel_loop3A_359 : memref<1x32xf32, #tpu.memory_space<vmem>> -> memref<32xf32, #tpu.memory_space<vmem>>
        %parallel_loop3A_361 = arith.constant 4 : index
        %parallel_loop3A_362 = tpu.vector_load %parallel_loop3A_360[%parallel_loop3A_361] {strides = array<i32>} : memref<32xf32, #tpu.memory_space<vmem>>, vector<16xf32>,
        %parallel_loop3A_363 = vector.shape_cast %parallel_loop3A_362 : vector<16xf32> to vector<16xf32>
        %parallel_loop3A_364 = arith.addf %parallel_loop3A_322, %parallel_loop3A_363 : vector<16xf32>
        %parallel_loop3A_365 = arith.constant 0 : i32
        %parallel_loop3A_366 = tpu.memref_slice %arg17[%parallel_loop3A_234, %parallel_loop3A_365] : memref<128x32xf32, #tpu.memory_space<vmem>> -> memref<1x32xf32, #tpu.memory_space<vmem>>
        %parallel_loop3A_367 = tpu.memref_squeeze %parallel_loop3A_366 : memref<1x32xf32, #tpu.memory_space<vmem>> -> memref<32xf32, #tpu.memory_space<vmem>>
        %parallel_loop3A_368 = arith.constant 0 : index
        %parallel_loop3A_369 = tpu.vector_load %parallel_loop3A_367[%parallel_loop3A_368] {strides = array<i32>} : memref<32xf32, #tpu.memory_space<vmem>>, vector<16xf32>,
        %parallel_loop3A_370 = vector.shape_cast %parallel_loop3A_369 : vector<16xf32> to vector<16xf32>
        %parallel_loop3A_371 = vector.shape_cast %parallel_loop3A_357 : vector<16xf32> to vector<16xf32>
        tpu.vector_store %parallel_loop3A_367[%parallel_loop3A_368], %parallel_loop3A_371 {strides = array<i32>} : memref<32xf32, #tpu.memory_space<vmem>>, vector<16xf32>,
        %parallel_loop3A_372 = arith.constant 0 : i32
        %parallel_loop3A_373 = tpu.memref_slice %arg17[%parallel_loop3A_234, %parallel_loop3A_372] : memref<128x32xf32, #tpu.memory_space<vmem>> -> memref<1x32xf32, #tpu.memory_space<vmem>>
        %parallel_loop3A_374 = tpu.memref_squeeze %parallel_loop3A_373 : memref<1x32xf32, #tpu.memory_space<vmem>> -> memref<32xf32, #tpu.memory_space<vmem>>
        %parallel_loop3A_375 = arith.constant 16 : index
        %parallel_loop3A_376 = tpu.vector_load %parallel_loop3A_374[%parallel_loop3A_375] {strides = array<i32>} : memref<32xf32, #tpu.memory_space<vmem>>, vector<16xf32>,
        %parallel_loop3A_377 = vector.shape_cast %parallel_loop3A_376 : vector<16xf32> to vector<16xf32>
        %parallel_loop3A_378 = vector.shape_cast %parallel_loop3A_357 : vector<16xf32> to vector<16xf32>
        tpu.vector_store %parallel_loop3A_374[%parallel_loop3A_375], %parallel_loop3A_378 {strides = array<i32>} : memref<32xf32, #tpu.memory_space<vmem>>, vector<16xf32>,
        %parallel_loop3A_379 = arith.constant 0 : i32
        %parallel_loop3A_380 = tpu.memref_slice %arg18[%parallel_loop3A_234, %parallel_loop3A_379] : memref<128x32xf32, #tpu.memory_space<vmem>> -> memref<1x32xf32, #tpu.memory_space<vmem>>
        %parallel_loop3A_381 = tpu.memref_squeeze %parallel_loop3A_380 : memref<1x32xf32, #tpu.memory_space<vmem>> -> memref<32xf32, #tpu.memory_space<vmem>>
        %parallel_loop3A_382 = arith.constant 0 : index
        %parallel_loop3A_383 = tpu.vector_load %parallel_loop3A_381[%parallel_loop3A_382] {strides = array<i32>} : memref<32xf32, #tpu.memory_space<vmem>>, vector<16xf32>,
        %parallel_loop3A_384 = vector.shape_cast %parallel_loop3A_383 : vector<16xf32> to vector<16xf32>
        %parallel_loop3A_385 = vector.shape_cast %parallel_loop3A_364 : vector<16xf32> to vector<16xf32>
        tpu.vector_store %parallel_loop3A_381[%parallel_loop3A_382], %parallel_loop3A_385 {strides = array<i32>} : memref<32xf32, #tpu.memory_space<vmem>>, vector<16xf32>,
        %parallel_loop3A_386 = arith.constant 0 : i32
        %parallel_loop3A_387 = tpu.memref_slice %arg18[%parallel_loop3A_234, %parallel_loop3A_386] : memref<128x32xf32, #tpu.memory_space<vmem>> -> memref<1x32xf32, #tpu.memory_space<vmem>>
        %parallel_loop3A_388 = tpu.memref_squeeze %parallel_loop3A_387 : memref<1x32xf32, #tpu.memory_space<vmem>> -> memref<32xf32, #tpu.memory_space<vmem>>
        %parallel_loop3A_389 = arith.constant 16 : index
        %parallel_loop3A_390 = tpu.vector_load %parallel_loop3A_388[%parallel_loop3A_389] {strides = array<i32>} : memref<32xf32, #tpu.memory_space<vmem>>, vector<16xf32>,
        %parallel_loop3A_391 = vector.shape_cast %parallel_loop3A_390 : vector<16xf32> to vector<16xf32>
        %parallel_loop3A_392 = vector.shape_cast %parallel_loop3A_364 : vector<16xf32> to vector<16xf32>
        tpu.vector_store %parallel_loop3A_388[%parallel_loop3A_389], %parallel_loop3A_392 {strides = array<i32>} : memref<32xf32, #tpu.memory_space<vmem>>, vector<16xf32>,
        %parallel_loop3A_393 = arith.constant 0 : i32
        %parallel_loop3A_394 = tpu.memref_slice %arg17[%parallel_loop3A_234, %parallel_loop3A_393] : memref<128x32xf32, #tpu.memory_space<vmem>> -> memref<1x32xf32, #tpu.memory_space<vmem>>
        %parallel_loop3A_395 = tpu.memref_squeeze %parallel_loop3A_394 : memref<1x32xf32, #tpu.memory_space<vmem>> -> memref<32xf32, #tpu.memory_space<vmem>>
        %parallel_loop3A_396 = arith.constant 2 : index
        %parallel_loop3A_397 = tpu.vector_load %parallel_loop3A_395[%parallel_loop3A_396] {strides = array<i32>} : memref<32xf32, #tpu.memory_space<vmem>>, vector<16xf32>,
        %parallel_loop3A_398 = vector.shape_cast %parallel_loop3A_397 : vector<16xf32> to vector<16xf32>
        %parallel_loop3A_399 = arith.addf %parallel_loop3A_357, %parallel_loop3A_398 : vector<16xf32>
        %parallel_loop3A_400 = arith.constant 0 : i32
        %parallel_loop3A_401 = tpu.memref_slice %arg18[%parallel_loop3A_234, %parallel_loop3A_400] : memref<128x32xf32, #tpu.memory_space<vmem>> -> memref<1x32xf32, #tpu.memory_space<vmem>>
        %parallel_loop3A_402 = tpu.memref_squeeze %parallel_loop3A_401 : memref<1x32xf32, #tpu.memory_space<vmem>> -> memref<32xf32, #tpu.memory_space<vmem>>
        %parallel_loop3A_403 = arith.constant 2 : index
        %parallel_loop3A_404 = tpu.vector_load %parallel_loop3A_402[%parallel_loop3A_403] {strides = array<i32>} : memref<32xf32, #tpu.memory_space<vmem>>, vector<16xf32>,
        %parallel_loop3A_405 = vector.shape_cast %parallel_loop3A_404 : vector<16xf32> to vector<16xf32>
        %parallel_loop3A_406 = arith.addf %parallel_loop3A_364, %parallel_loop3A_405 : vector<16xf32>
        %parallel_loop3A_407 = arith.constant 0 : i32
        %parallel_loop3A_408 = tpu.memref_slice %arg17[%parallel_loop3A_234, %parallel_loop3A_407] : memref<128x32xf32, #tpu.memory_space<vmem>> -> memref<1x32xf32, #tpu.memory_space<vmem>>
        %parallel_loop3A_409 = tpu.memref_squeeze %parallel_loop3A_408 : memref<1x32xf32, #tpu.memory_space<vmem>> -> memref<32xf32, #tpu.memory_space<vmem>>
        %parallel_loop3A_410 = arith.constant 0 : index
        %parallel_loop3A_411 = tpu.vector_load %parallel_loop3A_409[%parallel_loop3A_410] {strides = array<i32>} : memref<32xf32, #tpu.memory_space<vmem>>, vector<16xf32>,
        %parallel_loop3A_412 = vector.shape_cast %parallel_loop3A_411 : vector<16xf32> to vector<16xf32>
        %parallel_loop3A_413 = vector.shape_cast %parallel_loop3A_399 : vector<16xf32> to vector<16xf32>
        tpu.vector_store %parallel_loop3A_409[%parallel_loop3A_410], %parallel_loop3A_413 {strides = array<i32>} : memref<32xf32, #tpu.memory_space<vmem>>, vector<16xf32>,
        %parallel_loop3A_414 = arith.constant 0 : i32
        %parallel_loop3A_415 = tpu.memref_slice %arg17[%parallel_loop3A_234, %parallel_loop3A_414] : memref<128x32xf32, #tpu.memory_space<vmem>> -> memref<1x32xf32, #tpu.memory_space<vmem>>
        %parallel_loop3A_416 = tpu.memref_squeeze %parallel_loop3A_415 : memref<1x32xf32, #tpu.memory_space<vmem>> -> memref<32xf32, #tpu.memory_space<vmem>>
        %parallel_loop3A_417 = arith.constant 16 : index
        %parallel_loop3A_418 = tpu.vector_load %parallel_loop3A_416[%parallel_loop3A_417] {strides = array<i32>} : memref<32xf32, #tpu.memory_space<vmem>>, vector<16xf32>,
        %parallel_loop3A_419 = vector.shape_cast %parallel_loop3A_418 : vector<16xf32> to vector<16xf32>
        %parallel_loop3A_420 = vector.shape_cast %parallel_loop3A_399 : vector<16xf32> to vector<16xf32>
        tpu.vector_store %parallel_loop3A_416[%parallel_loop3A_417], %parallel_loop3A_420 {strides = array<i32>} : memref<32xf32, #tpu.memory_space<vmem>>, vector<16xf32>,
        %parallel_loop3A_421 = arith.constant 0 : i32
        %parallel_loop3A_422 = tpu.memref_slice %arg18[%parallel_loop3A_234, %parallel_loop3A_421] : memref<128x32xf32, #tpu.memory_space<vmem>> -> memref<1x32xf32, #tpu.memory_space<vmem>>
        %parallel_loop3A_423 = tpu.memref_squeeze %parallel_loop3A_422 : memref<1x32xf32, #tpu.memory_space<vmem>> -> memref<32xf32, #tpu.memory_space<vmem>>
        %parallel_loop3A_424 = arith.constant 0 : index
        %parallel_loop3A_425 = tpu.vector_load %parallel_loop3A_423[%parallel_loop3A_424] {strides = array<i32>} : memref<32xf32, #tpu.memory_space<vmem>>, vector<16xf32>,
        %parallel_loop3A_426 = vector.shape_cast %parallel_loop3A_425 : vector<16xf32> to vector<16xf32>
        %parallel_loop3A_427 = vector.shape_cast %parallel_loop3A_406 : vector<16xf32> to vector<16xf32>
        tpu.vector_store %parallel_loop3A_423[%parallel_loop3A_424], %parallel_loop3A_427 {strides = array<i32>} : memref<32xf32, #tpu.memory_space<vmem>>, vector<16xf32>,
        %parallel_loop3A_428 = arith.constant 0 : i32
        %parallel_loop3A_429 = tpu.memref_slice %arg18[%parallel_loop3A_234, %parallel_loop3A_428] : memref<128x32xf32, #tpu.memory_space<vmem>> -> memref<1x32xf32, #tpu.memory_space<vmem>>
        %parallel_loop3A_430 = tpu.memref_squeeze %parallel_loop3A_429 : memref<1x32xf32, #tpu.memory_space<vmem>> -> memref<32xf32, #tpu.memory_space<vmem>>
        %parallel_loop3A_431 = arith.constant 16 : index
        %parallel_loop3A_432 = tpu.vector_load %parallel_loop3A_430[%parallel_loop3A_431] {strides = array<i32>} : memref<32xf32, #tpu.memory_space<vmem>>, vector<16xf32>,
        %parallel_loop3A_433 = vector.shape_cast %parallel_loop3A_432 : vector<16xf32> to vector<16xf32>
        %parallel_loop3A_434 = vector.shape_cast %parallel_loop3A_406 : vector<16xf32> to vector<16xf32>
        tpu.vector_store %parallel_loop3A_430[%parallel_loop3A_431], %parallel_loop3A_434 {strides = array<i32>} : memref<32xf32, #tpu.memory_space<vmem>>, vector<16xf32>,
        %parallel_loop3A_435 = arith.constant 0 : i32
        %parallel_loop3A_436 = tpu.memref_slice %arg17[%parallel_loop3A_234, %parallel_loop3A_435] : memref<128x32xf32, #tpu.memory_space<vmem>> -> memref<1x32xf32, #tpu.memory_space<vmem>>
        %parallel_loop3A_437 = tpu.memref_squeeze %parallel_loop3A_436 : memref<1x32xf32, #tpu.memory_space<vmem>> -> memref<32xf32, #tpu.memory_space<vmem>>
        %parallel_loop3A_438 = arith.constant 1 : index
        %parallel_loop3A_439 = tpu.vector_load %parallel_loop3A_437[%parallel_loop3A_438] {strides = array<i32>} : memref<32xf32, #tpu.memory_space<vmem>>, vector<16xf32>,
        %parallel_loop3A_440 = vector.shape_cast %parallel_loop3A_439 : vector<16xf32> to vector<16xf32>
        %parallel_loop3A_441 = arith.addf %parallel_loop3A_399, %parallel_loop3A_440 : vector<16xf32>
        %parallel_loop3A_442 = arith.constant 0 : i32
        %parallel_loop3A_443 = tpu.memref_slice %arg18[%parallel_loop3A_234, %parallel_loop3A_442] : memref<128x32xf32, #tpu.memory_space<vmem>> -> memref<1x32xf32, #tpu.memory_space<vmem>>
        %parallel_loop3A_444 = tpu.memref_squeeze %parallel_loop3A_443 : memref<1x32xf32, #tpu.memory_space<vmem>> -> memref<32xf32, #tpu.memory_space<vmem>>
        %parallel_loop3A_445 = arith.constant 1 : index
        %parallel_loop3A_446 = tpu.vector_load %parallel_loop3A_444[%parallel_loop3A_445] {strides = array<i32>} : memref<32xf32, #tpu.memory_space<vmem>>, vector<16xf32>,
        %parallel_loop3A_447 = vector.shape_cast %parallel_loop3A_446 : vector<16xf32> to vector<16xf32>
        %parallel_loop3A_448 = arith.addf %parallel_loop3A_406, %parallel_loop3A_447 : vector<16xf32>
        %parallel_loop3A_449 = arith.constant 1.562500e-02 : f32
        %parallel_loop3A_450 = vector.broadcast %parallel_loop3A_449 : f32 to vector<16xf32>
        %parallel_loop3A_451 = arith.mulf %parallel_loop3A_441, %parallel_loop3A_450 : vector<16xf32>
        %parallel_loop3A_452 = arith.constant 1.562500e-02 : f32
        %parallel_loop3A_453 = vector.broadcast %parallel_loop3A_452 : f32 to vector<16xf32>
        %parallel_loop3A_454 = arith.mulf %parallel_loop3A_448, %parallel_loop3A_453 : vector<16xf32>
        %parallel_loop3A_455 = arith.mulf %parallel_loop3A_451, %parallel_loop3A_451 : vector<16xf32>
        %parallel_loop3A_456 = arith.subf %parallel_loop3A_454, %parallel_loop3A_455 : vector<16xf32>
        %parallel_loop3A_457 = arith.constant 9.99999996E-13 : f32
        %parallel_loop3A_458 = vector.broadcast %parallel_loop3A_457 : f32 to vector<16xf32>
        %parallel_loop3A_459 = arith.addf %parallel_loop3A_456, %parallel_loop3A_458 : vector<16xf32>
        %parallel_loop3A_460 = tpu.bitcast %parallel_loop3A_459 : vector<16xf32> -> vector<16xi32>
        %parallel_loop3A_461 = arith.constant 1 : i32
        %parallel_loop3A_462 = vector.broadcast %parallel_loop3A_461 : i32 to vector<16xi32>
        %parallel_loop3A_463 = arith.shrui %parallel_loop3A_460, %parallel_loop3A_462 : vector<16xi32>
        %parallel_loop3A_464 = arith.constant 1597463007 : i32
        %parallel_loop3A_465 = vector.broadcast %parallel_loop3A_464 : i32 to vector<16xi32>
        %parallel_loop3A_466 = arith.subi %parallel_loop3A_465, %parallel_loop3A_463 : vector<16xi32>
        %parallel_loop3A_467 = tpu.bitcast %parallel_loop3A_466 : vector<16xi32> -> vector<16xf32>
        %parallel_loop3A_468 = arith.constant 5.000000e-01 : f32
        %parallel_loop3A_469 = vector.broadcast %parallel_loop3A_468 : f32 to vector<16xf32>
        %parallel_loop3A_470 = arith.mulf %parallel_loop3A_469, %parallel_loop3A_459 : vector<16xf32>
        %parallel_loop3A_471 = arith.mulf %parallel_loop3A_470, %parallel_loop3A_467 : vector<16xf32>
        %parallel_loop3A_472 = arith.mulf %parallel_loop3A_471, %parallel_loop3A_467 : vector<16xf32>
        %parallel_loop3A_473 = arith.constant 1.500000e+00 : f32
        %parallel_loop3A_474 = vector.broadcast %parallel_loop3A_473 : f32 to vector<16xf32>
        %parallel_loop3A_475 = arith.subf %parallel_loop3A_474, %parallel_loop3A_472 : vector<16xf32>
        %parallel_loop3A_476 = arith.mulf %parallel_loop3A_467, %parallel_loop3A_475 : vector<16xf32>
        %parallel_loop3A_477 = arith.constant 5.000000e-01 : f32
        %parallel_loop3A_478 = vector.broadcast %parallel_loop3A_477 : f32 to vector<16xf32>
        %parallel_loop3A_479 = arith.mulf %parallel_loop3A_478, %parallel_loop3A_459 : vector<16xf32>
        %parallel_loop3A_480 = arith.mulf %parallel_loop3A_479, %parallel_loop3A_476 : vector<16xf32>
        %parallel_loop3A_481 = arith.mulf %parallel_loop3A_480, %parallel_loop3A_476 : vector<16xf32>
        %parallel_loop3A_482 = arith.constant 1.500000e+00 : f32
        %parallel_loop3A_483 = vector.broadcast %parallel_loop3A_482 : f32 to vector<16xf32>
        %parallel_loop3A_484 = arith.subf %parallel_loop3A_483, %parallel_loop3A_481 : vector<16xf32>
        %parallel_loop3A_485 = arith.mulf %parallel_loop3A_476, %parallel_loop3A_484 : vector<16xf32>
        %parallel_loop3A_486 = arith.constant 5.000000e-01 : f32
        %parallel_loop3A_487 = vector.broadcast %parallel_loop3A_486 : f32 to vector<16xf32>
        %parallel_loop3A_488 = arith.mulf %parallel_loop3A_487, %parallel_loop3A_459 : vector<16xf32>
        %parallel_loop3A_489 = arith.mulf %parallel_loop3A_488, %parallel_loop3A_485 : vector<16xf32>
        %parallel_loop3A_490 = arith.mulf %parallel_loop3A_489, %parallel_loop3A_485 : vector<16xf32>
        %parallel_loop3A_491 = arith.constant 1.500000e+00 : f32
        %parallel_loop3A_492 = vector.broadcast %parallel_loop3A_491 : f32 to vector<16xf32>
        %parallel_loop3A_493 = arith.subf %parallel_loop3A_492, %parallel_loop3A_490 : vector<16xf32>
        %parallel_loop3A_494 = arith.mulf %parallel_loop3A_485, %parallel_loop3A_493 : vector<16xf32>
        %parallel_loop3A_495 = arith.subf %parallel_loop3A_243, %parallel_loop3A_451 : vector<16xf32>
        %parallel_loop3A_496 = arith.mulf %parallel_loop3A_495, %parallel_loop3A_494 : vector<16xf32>
        %parallel_loop3A_497 = arith.mulf %parallel_loop3A_496, %get3A_4 : vector<16xf32>
        %parallel_loop3A_498 = arith.addf %parallel_loop3A_497, %get3A_16 : vector<16xf32>
        %parallel_loop3A_499 = arith.index_cast %parallel_loop3A_234 : i32 to index
        %parallel_loop3A_500 = arith.constant 0 : index
        %parallel_loop3A_501 = tpu.vector_load %arg11[%parallel_loop3A_499, %parallel_loop3A_500] {strides = array<i32>} : memref<128x64xf32, #tpu.memory_space<vmem>>, vector<1x16xf32>,
        %parallel_loop3A_502 = vector.shape_cast %parallel_loop3A_501 : vector<1x16xf32> to vector<16xf32>
        %parallel_loop3A_503 = vector.shape_cast %parallel_loop3A_498 : vector<16xf32> to vector<1x16xf32>
        tpu.vector_store %arg11[%parallel_loop3A_499, %parallel_loop3A_500], %parallel_loop3A_503 {strides = array<i32>} : memref<128x64xf32, #tpu.memory_space<vmem>>, vector<1x16xf32>,
        %parallel_loop3A_504 = arith.subf %parallel_loop3A_252, %parallel_loop3A_451 : vector<16xf32>
        %parallel_loop3A_505 = arith.mulf %parallel_loop3A_504, %parallel_loop3A_494 : vector<16xf32>
        %parallel_loop3A_506 = arith.mulf %parallel_loop3A_505, %get3A_7 : vector<16xf32>
        %parallel_loop3A_507 = arith.addf %parallel_loop3A_506, %get3A_19 : vector<16xf32>
        %parallel_loop3A_508 = arith.index_cast %parallel_loop3A_234 : i32 to index
        %parallel_loop3A_509 = arith.constant 16 : index
        %parallel_loop3A_510 = tpu.vector_load %arg11[%parallel_loop3A_508, %parallel_loop3A_509] {strides = array<i32>} : memref<128x64xf32, #tpu.memory_space<vmem>>, vector<1x16xf32>,
        %parallel_loop3A_511 = vector.shape_cast %parallel_loop3A_510 : vector<1x16xf32> to vector<16xf32>
        %parallel_loop3A_512 = vector.shape_cast %parallel_loop3A_507 : vector<16xf32> to vector<1x16xf32>
        tpu.vector_store %arg11[%parallel_loop3A_508, %parallel_loop3A_509], %parallel_loop3A_512 {strides = array<i32>} : memref<128x64xf32, #tpu.memory_space<vmem>>, vector<1x16xf32>,
        %parallel_loop3A_513 = arith.subf %parallel_loop3A_261, %parallel_loop3A_451 : vector<16xf32>
        %parallel_loop3A_514 = arith.mulf %parallel_loop3A_513, %parallel_loop3A_494 : vector<16xf32>
        %parallel_loop3A_515 = arith.mulf %parallel_loop3A_514, %get3A_10 : vector<16xf32>
        %parallel_loop3A_516 = arith.addf %parallel_loop3A_515, %get3A_22 : vector<16xf32>
        %parallel_loop3A_517 = arith.index_cast %parallel_loop3A_234 : i32 to index
        %parallel_loop3A_518 = arith.constant 32 : index
        %parallel_loop3A_519 = tpu.vector_load %arg11[%parallel_loop3A_517, %parallel_loop3A_518] {strides = array<i32>} : memref<128x64xf32, #tpu.memory_space<vmem>>, vector<1x16xf32>,
        %parallel_loop3A_520 = vector.shape_cast %parallel_loop3A_519 : vector<1x16xf32> to vector<16xf32>
        %parallel_loop3A_521 = vector.shape_cast %parallel_loop3A_516 : vector<16xf32> to vector<1x16xf32>
        tpu.vector_store %arg11[%parallel_loop3A_517, %parallel_loop3A_518], %parallel_loop3A_521 {strides = array<i32>} : memref<128x64xf32, #tpu.memory_space<vmem>>, vector<1x16xf32>,
        %parallel_loop3A_522 = arith.subf %parallel_loop3A_270, %parallel_loop3A_451 : vector<16xf32>
        %parallel_loop3A_523 = arith.mulf %parallel_loop3A_522, %parallel_loop3A_494 : vector<16xf32>
        %parallel_loop3A_524 = arith.mulf %parallel_loop3A_523, %get3A_13 : vector<16xf32>
        %parallel_loop3A_525 = arith.addf %parallel_loop3A_524, %get3A_25 : vector<16xf32>
        %parallel_loop3A_526 = arith.index_cast %parallel_loop3A_234 : i32 to index
        %parallel_loop3A_527 = arith.constant 48 : index
        %parallel_loop3A_528 = tpu.vector_load %arg11[%parallel_loop3A_526, %parallel_loop3A_527] {strides = array<i32>} : memref<128x64xf32, #tpu.memory_space<vmem>>, vector<1x16xf32>,
        %parallel_loop3A_529 = vector.shape_cast %parallel_loop3A_528 : vector<1x16xf32> to vector<16xf32>
        %parallel_loop3A_530 = vector.shape_cast %parallel_loop3A_525 : vector<16xf32> to vector<1x16xf32>
        tpu.vector_store %arg11[%parallel_loop3A_526, %parallel_loop3A_527], %parallel_loop3A_530 {strides = array<i32>} : memref<128x64xf32, #tpu.memory_space<vmem>>, vector<1x16xf32>,
      } {sc.loop_unroll_factor = 8 : i64, sc.parallel_access}
      %jit3A = arith.constant 4 : i32
      %div3A = arith.divsi %add3A_63, %jit3A : i32
      %sign3A = arith.constant 0 : i32
      %sign3A_100 = arith.cmpi sgt, %add3A_63, %sign3A : i32
      %sign3A_101 = arith.extui %sign3A_100 : i1 to i32
      %sign3A_102 = arith.constant 0 : i32
      %sign3A_103 = arith.cmpi slt, %add3A_63, %sign3A_102 : i32
      %sign3A_104 = arith.extui %sign3A_103 : i1 to i32
      %sign3A_105 = arith.subi %sign3A_101, %sign3A_104 : i32
      %sign3A_106 = arith.constant 0 : i32
      %sign3A_107 = arith.cmpi sgt, %jit3A, %sign3A_106 : i32
      %sign3A_108 = arith.extui %sign3A_107 : i1 to i32
      %sign3A_109 = arith.constant 0 : i32
      %sign3A_110 = arith.cmpi slt, %jit3A, %sign3A_109 : i32
      %sign3A_111 = arith.extui %sign3A_110 : i1 to i32
      %sign3A_112 = arith.subi %sign3A_108, %sign3A_111 : i32
      %ne3A = arith.cmpi ne, %sign3A_105, %sign3A_112 : i32
      %rem3A = arith.remsi %add3A_63, %jit3A : i32
      %ne3A_113 = arith.constant 0 : i32
      %ne3A_114 = arith.cmpi ne, %rem3A, %ne3A_113 : i32
      %and3A = arith.andi %ne3A, %ne3A_114 : i1
      %sub3A = arith.constant 1 : i32
      %sub3A_115 = arith.subi %div3A, %sub3A : i32
      %select_n3A = arith.select %and3A, %sub3A_115, %div3A : i32
      %add3A_116 = arith.addi %mul3A_2, %select_n3A : i32
      %jit3A_117 = arith.constant 4 : i32
      %eq3A = arith.constant 0 : i32
      %eq3A_118 = arith.cmpi eq, %jit3A_117, %eq3A : i32
      %jit3A_119 = arith.constant 1 : i32
      %select_n3A_120 = arith.select %eq3A_118, %jit3A_119, %jit3A_117 : i32
      %rem3A_121 = arith.remsi %add3A_63, %select_n3A_120 : i32
      %ne3A_122 = arith.constant 0 : i32
      %ne3A_123 = arith.cmpi ne, %rem3A_121, %ne3A_122 : i32
      %lt3A_124 = arith.constant 0 : i32
      %lt3A_125 = arith.cmpi slt, %rem3A_121, %lt3A_124 : i32
      %lt3A_126 = arith.constant 0 : i32
      %lt3A_127 = arith.cmpi slt, %select_n3A_120, %lt3A_126 : i32
      %ne3A_128 = arith.xori %lt3A_125, %lt3A_127 : i1
      %and3A_129 = arith.andi %ne3A_128, %ne3A_123 : i1
      %add3A_130 = arith.addi %rem3A_121, %select_n3A_120 : i32
      %select_n3A_131 = arith.select %and3A_129, %add3A_130, %rem3A_121 : i32
      %mul3A_132 = arith.constant 128 : i32
      %mul3A_133 = arith.muli %select_n3A_131, %mul3A_132 : i32
      %dma_start3A_134 = arith.constant 0 : i32
      %dma_start3A_135 = tpu.memref_slice %arg8[%add3A_116, %mul3A_133, %dma_start3A_134] : memref<1024x512x64xf32, #tpu.memory_space<hbm>> -> memref<1x128x64xf32, #tpu.memory_space<hbm>>
      %dma_start3A_136 = tpu.memref_squeeze %dma_start3A_135 : memref<1x128x64xf32, #tpu.memory_space<hbm>> -> memref<128x64xf32, #tpu.memory_space<hbm>>
      %dma_start3A_137 = arith.constant 0 : i32
      %dma_start3A_138 = tpu.memref_slice %arg8[%add3A_116, %mul3A_133, %dma_start3A_137] : memref<1024x512x64xf32, #tpu.memory_space<hbm>> -> memref<1x128x64xf32, #tpu.memory_space<hbm>>
      %dma_start3A_139 = tpu.memref_squeeze %dma_start3A_138 : memref<1x128x64xf32, #tpu.memory_space<hbm>> -> memref<128x64xf32, #tpu.memory_space<hbm>>
      tpu.enqueue_dma source(%arg11 : memref<128x64xf32, #tpu.memory_space<vmem>>) target(%dma_start3A_139 : memref<128x64xf32, #tpu.memory_space<hbm>>) target_semaphore(%arg21 : memref<!tpu.dma_semaphore, #tpu.memory_space<semaphore_mem>>)
      %mul3A_140 = arith.constant 2 : i32
      %mul3A_141 = arith.muli %mul3A_140, %scan3A_59 : i32
      %add3A_142 = arith.constant 1 : i32
      %add3A_143 = arith.addi %mul3A_141, %add3A_142 : i32
      %ge3A_144 = arith.constant 1 : i32
      %ge3A_145 = arith.cmpi sge, %add3A_143, %ge3A_144 : i32
      %convert_element_type3A_146 = arith.extui %ge3A_145 : i1 to i32
      %cond3A_147 = arith.constant 0 : i32
      %cond3A_148 = arith.cmpi ne, %convert_element_type3A_146, %cond3A_147 : i32
      scf.if %cond3A_148 {
        %sub3A_234 = arith.constant 1 : i32
        %sub3A_235 = arith.subi %add3A_143, %sub3A_234 : i32
        %jit3A_236 = arith.constant 4 : i32
        %div3A_237 = arith.divsi %sub3A_235, %jit3A_236 : i32
        %sign3A_238 = arith.constant 0 : i32
        %sign3A_239 = arith.cmpi sgt, %sub3A_235, %sign3A_238 : i32
        %sign3A_240 = arith.extui %sign3A_239 : i1 to i32
        %sign3A_241 = arith.constant 0 : i32
        %sign3A_242 = arith.cmpi slt, %sub3A_235, %sign3A_241 : i32
        %sign3A_243 = arith.extui %sign3A_242 : i1 to i32
        %sign3A_244 = arith.subi %sign3A_240, %sign3A_243 : i32
        %sign3A_245 = arith.constant 0 : i32
        %sign3A_246 = arith.cmpi sgt, %jit3A_236, %sign3A_245 : i32
        %sign3A_247 = arith.extui %sign3A_246 : i1 to i32
        %sign3A_248 = arith.constant 0 : i32
        %sign3A_249 = arith.cmpi slt, %jit3A_236, %sign3A_248 : i32
        %sign3A_250 = arith.extui %sign3A_249 : i1 to i32
        %sign3A_251 = arith.subi %sign3A_247, %sign3A_250 : i32
        %ne3A_252 = arith.cmpi ne, %sign3A_244, %sign3A_251 : i32
        %rem3A_253 = arith.remsi %sub3A_235, %jit3A_236 : i32
        %ne3A_254 = arith.constant 0 : i32
        %ne3A_255 = arith.cmpi ne, %rem3A_253, %ne3A_254 : i32
        %and3A_256 = arith.andi %ne3A_252, %ne3A_255 : i1
        %sub3A_257 = arith.constant 1 : i32
        %sub3A_258 = arith.subi %div3A_237, %sub3A_257 : i32
        %select_n3A_259 = arith.select %and3A_256, %sub3A_258, %div3A_237 : i32
        %add3A_260 = arith.addi %mul3A_2, %select_n3A_259 : i32
        %jit3A_261 = arith.constant 4 : i32
        %eq3A_262 = arith.constant 0 : i32
        %eq3A_263 = arith.cmpi eq, %jit3A_261, %eq3A_262 : i32
        %jit3A_264 = arith.constant 1 : i32
        %select_n3A_265 = arith.select %eq3A_263, %jit3A_264, %jit3A_261 : i32
        %rem3A_266 = arith.remsi %sub3A_235, %select_n3A_265 : i32
        %ne3A_267 = arith.constant 0 : i32
        %ne3A_268 = arith.cmpi ne, %rem3A_266, %ne3A_267 : i32
        %lt3A_269 = arith.constant 0 : i32
        %lt3A_270 = arith.cmpi slt, %rem3A_266, %lt3A_269 : i32
        %lt3A_271 = arith.constant 0 : i32
        %lt3A_272 = arith.cmpi slt, %select_n3A_265, %lt3A_271 : i32
        %ne3A_273 = arith.xori %lt3A_270, %lt3A_272 : i1
        %and3A_274 = arith.andi %ne3A_273, %ne3A_268 : i1
        %add3A_275 = arith.addi %rem3A_266, %select_n3A_265 : i32
        %select_n3A_276 = arith.select %and3A_274, %add3A_275, %rem3A_266 : i32
        %mul3A_277 = arith.constant 128 : i32
        %mul3A_278 = arith.muli %select_n3A_276, %mul3A_277 : i32
        %dma_wait3A_279 = arith.constant 0 : i32
        %dma_wait3A_280 = tpu.memref_slice %arg8[%add3A_260, %mul3A_278, %dma_wait3A_279] : memref<1024x512x64xf32, #tpu.memory_space<hbm>> -> memref<1x128x64xf32, #tpu.memory_space<hbm>>
        %dma_wait3A_281 = tpu.memref_squeeze %dma_wait3A_280 : memref<1x128x64xf32, #tpu.memory_space<hbm>> -> memref<128x64xf32, #tpu.memory_space<hbm>>
        %dma_wait3A_282 = arith.constant 0 : i32
        %dma_wait3A_283 = tpu.memref_slice %arg8[%add3A_260, %mul3A_278, %dma_wait3A_282] : memref<1024x512x64xf32, #tpu.memory_space<hbm>> -> memref<1x128x64xf32, #tpu.memory_space<hbm>>
        %dma_wait3A_284 = tpu.memref_squeeze %dma_wait3A_283 : memref<1x128x64xf32, #tpu.memory_space<hbm>> -> memref<128x64xf32, #tpu.memory_space<hbm>>
        tpu.wait_dma2 semaphore(%arg21 : memref<!tpu.dma_semaphore, #tpu.memory_space<semaphore_mem>>) src(%arg11 : memref<128x64xf32, #tpu.memory_space<vmem>>) dst(%dma_wait3A_284 : memref<128x64xf32, #tpu.memory_space<hbm>>)
      } else {
      }
      %add3A_149 = arith.constant 1 : i32
      %add3A_150 = arith.addi %add3A_143, %add3A_149 : i32
      %lt3A_151 = arith.constant 128 : i32
      %lt3A_152 = arith.cmpi slt, %add3A_150, %lt3A_151 : i32
      %convert_element_type3A_153 = arith.extui %lt3A_152 : i1 to i32
      %cond3A_154 = arith.constant 0 : i32
      %cond3A_155 = arith.cmpi ne, %convert_element_type3A_153, %cond3A_154 : i32
      scf.if %cond3A_155 {
        %add3A_234 = arith.constant 1 : i32
        %add3A_235 = arith.addi %add3A_143, %add3A_234 : i32
        %mul3A_236 = arith.constant 1 : i32
        %mul3A_237 = arith.muli %add3A_235, %mul3A_236 : i32
        %add3A_238 = arith.constant 0 : i32
        %add3A_239 = arith.addi %mul3A_237, %add3A_238 : i32
        %mul3A_240 = arith.constant 1 : i32
        %mul3A_241 = arith.muli %add3A_235, %mul3A_240 : i32
        %add3A_242 = arith.constant 0 : i32
        %add3A_243 = arith.addi %mul3A_241, %add3A_242 : i32
        %dma_start3A_244 = arith.constant 0 : i32
        %dma_start3A_245 = arith.constant 0 : i32
        %dma_start3A_246 = tpu.memref_slice %arg11[%dma_start3A_244, %dma_start3A_245] : memref<128x64xf32, #tpu.memory_space<vmem>> -> memref<128x64xf32, #tpu.memory_space<vmem>>
        %dma_start3A_247 = arith.constant 0 : i32
        %dma_start3A_248 = tpu.memref_slice %arg9[%add3A_239, %dma_start3A_247] : memref<128x128xi32, #tpu.memory_space<vmem>> -> memref<1x128xi32, #tpu.memory_space<vmem>>
        %dma_start3A_249 = tpu.memref_squeeze %dma_start3A_248 : memref<1x128xi32, #tpu.memory_space<vmem>> -> memref<128xi32, #tpu.memory_space<vmem>>
        %dma_start3A_250 = arith.constant 0 : i32
        %dma_start3A_251 = arith.constant 0 : i32
        %dma_start3A_252 = tpu.memref_slice %arg4[%dma_start3A_250, %dma_start3A_251] : memref<1000000x64xf32, #tpu.memory_space<hbm>> -> memref<1000000x64xf32, #tpu.memory_space<hbm>>
        tpu.enqueue_indirect_dma source(%dma_start3A_252 : memref<1000000x64xf32, #tpu.memory_space<hbm>>) target(%dma_start3A_246 : memref<128x64xf32, #tpu.memory_space<vmem>>) offsets(%dma_start3A_249 : memref<128xi32, #tpu.memory_space<vmem>>) semaphore(%arg19 : memref<!tpu.dma_semaphore, #tpu.memory_space<semaphore_mem>>)
        %dma_start3A_253 = arith.constant 0 : i32
        %dma_start3A_254 = arith.constant 0 : i32
        %dma_start3A_255 = tpu.memref_slice %arg13[%dma_start3A_253, %dma_start3A_254] : memref<128x64xf32, #tpu.memory_space<vmem>> -> memref<128x64xf32, #tpu.memory_space<vmem>>
        %dma_start3A_256 = arith.constant 0 : i32
        %dma_start3A_257 = tpu.memref_slice %arg10[%add3A_243, %dma_start3A_256] : memref<128x128xi32, #tpu.memory_space<vmem>> -> memref<1x128xi32, #tpu.memory_space<vmem>>
        %dma_start3A_258 = tpu.memref_squeeze %dma_start3A_257 : memref<1x128xi32, #tpu.memory_space<vmem>> -> memref<128xi32, #tpu.memory_space<vmem>>
        %dma_start3A_259 = arith.constant 0 : i32
        %dma_start3A_260 = arith.constant 0 : i32
        %dma_start3A_261 = tpu.memref_slice %arg5[%dma_start3A_259, %dma_start3A_260] : memref<1536x64xf32, #tpu.memory_space<hbm>> -> memref<1536x64xf32, #tpu.memory_space<hbm>>
        tpu.enqueue_indirect_dma source(%dma_start3A_261 : memref<1536x64xf32, #tpu.memory_space<hbm>>) target(%dma_start3A_255 : memref<128x64xf32, #tpu.memory_space<vmem>>) offsets(%dma_start3A_258 : memref<128xi32, #tpu.memory_space<vmem>>) semaphore(%arg19 : memref<!tpu.dma_semaphore, #tpu.memory_space<semaphore_mem>>)
      } else {
      }
      %mul3A_156 = arith.constant 1 : i32
      %mul3A_157 = arith.muli %add3A_143, %mul3A_156 : i32
      %add3A_158 = arith.constant 0 : i32
      %add3A_159 = arith.addi %mul3A_157, %add3A_158 : i32
      %mul3A_160 = arith.constant 1 : i32
      %mul3A_161 = arith.muli %add3A_143, %mul3A_160 : i32
      %add3A_162 = arith.constant 0 : i32
      %add3A_163 = arith.addi %mul3A_161, %add3A_162 : i32
      %dma_wait3A_164 = arith.constant 0 : i32
      %dma_wait3A_165 = arith.constant 0 : i32
      %dma_wait3A_166 = tpu.memref_slice %arg12[%dma_wait3A_164, %dma_wait3A_165] : memref<128x64xf32, #tpu.memory_space<vmem>> -> memref<128x64xf32, #tpu.memory_space<vmem>>
      %dma_wait3A_167 = arith.constant 0 : i32
      %dma_wait3A_168 = tpu.memref_slice %arg9[%add3A_159, %dma_wait3A_167] : memref<128x128xi32, #tpu.memory_space<vmem>> -> memref<1x128xi32, #tpu.memory_space<vmem>>
      %dma_wait3A_169 = tpu.memref_squeeze %dma_wait3A_168 : memref<1x128xi32, #tpu.memory_space<vmem>> -> memref<128xi32, #tpu.memory_space<vmem>>
      %dma_wait3A_170 = arith.constant 0 : i32
      %dma_wait3A_171 = arith.constant 0 : i32
      %dma_wait3A_172 = tpu.memref_slice %arg4[%dma_wait3A_170, %dma_wait3A_171] : memref<1000000x64xf32, #tpu.memory_space<hbm>> -> memref<1000000x64xf32, #tpu.memory_space<hbm>>
      tpu.wait_indirect_dma semaphore(%arg20 : memref<!tpu.dma_semaphore, #tpu.memory_space<semaphore_mem>>) src(%dma_wait3A_172 : memref<1000000x64xf32, #tpu.memory_space<hbm>>) dst(%dma_wait3A_166 : memref<128x64xf32, #tpu.memory_space<vmem>>)
      %dma_wait3A_173 = arith.constant 0 : i32
      %dma_wait3A_174 = arith.constant 0 : i32
      %dma_wait3A_175 = tpu.memref_slice %arg14[%dma_wait3A_173, %dma_wait3A_174] : memref<128x64xf32, #tpu.memory_space<vmem>> -> memref<128x64xf32, #tpu.memory_space<vmem>>
      %dma_wait3A_176 = arith.constant 0 : i32
      %dma_wait3A_177 = tpu.memref_slice %arg10[%add3A_163, %dma_wait3A_176] : memref<128x128xi32, #tpu.memory_space<vmem>> -> memref<1x128xi32, #tpu.memory_space<vmem>>
      %dma_wait3A_178 = tpu.memref_squeeze %dma_wait3A_177 : memref<1x128xi32, #tpu.memory_space<vmem>> -> memref<128xi32, #tpu.memory_space<vmem>>
      %dma_wait3A_179 = arith.constant 0 : i32
      %dma_wait3A_180 = arith.constant 0 : i32
      %dma_wait3A_181 = tpu.memref_slice %arg5[%dma_wait3A_179, %dma_wait3A_180] : memref<1536x64xf32, #tpu.memory_space<hbm>> -> memref<1536x64xf32, #tpu.memory_space<hbm>>
      tpu.wait_indirect_dma semaphore(%arg20 : memref<!tpu.dma_semaphore, #tpu.memory_space<semaphore_mem>>) src(%dma_wait3A_181 : memref<1536x64xf32, #tpu.memory_space<hbm>>) dst(%dma_wait3A_175 : memref<128x64xf32, #tpu.memory_space<vmem>>)
      %parallel_loop3A_182 = arith.constant 0 : i32
      %parallel_loop3A_183 = arith.constant 128 : i32
      %parallel_loop3A_184 = arith.constant 1 : i32
      scf.for %parallel_loop3A_234 = %parallel_loop3A_182 to %parallel_loop3A_183 step %parallel_loop3A_184  : i32 {
        %parallel_loop3A_235 = arith.index_cast %parallel_loop3A_234 : i32 to index
        %parallel_loop3A_236 = arith.constant 0 : index
        %parallel_loop3A_237 = tpu.vector_load %arg12[%parallel_loop3A_235, %parallel_loop3A_236] {strides = array<i32>} : memref<128x64xf32, #tpu.memory_space<vmem>>, vector<1x16xf32>,
        %parallel_loop3A_238 = vector.shape_cast %parallel_loop3A_237 : vector<1x16xf32> to vector<16xf32>
        %parallel_loop3A_239 = arith.index_cast %parallel_loop3A_234 : i32 to index
        %parallel_loop3A_240 = arith.constant 0 : index
        %parallel_loop3A_241 = tpu.vector_load %arg14[%parallel_loop3A_239, %parallel_loop3A_240] {strides = array<i32>} : memref<128x64xf32, #tpu.memory_space<vmem>>, vector<1x16xf32>,
        %parallel_loop3A_242 = vector.shape_cast %parallel_loop3A_241 : vector<1x16xf32> to vector<16xf32>
        %parallel_loop3A_243 = arith.addf %parallel_loop3A_238, %parallel_loop3A_242 : vector<16xf32>
        %parallel_loop3A_244 = arith.index_cast %parallel_loop3A_234 : i32 to index
        %parallel_loop3A_245 = arith.constant 16 : index
        %parallel_loop3A_246 = tpu.vector_load %arg12[%parallel_loop3A_244, %parallel_loop3A_245] {strides = array<i32>} : memref<128x64xf32, #tpu.memory_space<vmem>>, vector<1x16xf32>,
        %parallel_loop3A_247 = vector.shape_cast %parallel_loop3A_246 : vector<1x16xf32> to vector<16xf32>
        %parallel_loop3A_248 = arith.index_cast %parallel_loop3A_234 : i32 to index
        %parallel_loop3A_249 = arith.constant 16 : index
        %parallel_loop3A_250 = tpu.vector_load %arg14[%parallel_loop3A_248, %parallel_loop3A_249] {strides = array<i32>} : memref<128x64xf32, #tpu.memory_space<vmem>>, vector<1x16xf32>,
        %parallel_loop3A_251 = vector.shape_cast %parallel_loop3A_250 : vector<1x16xf32> to vector<16xf32>
        %parallel_loop3A_252 = arith.addf %parallel_loop3A_247, %parallel_loop3A_251 : vector<16xf32>
        %parallel_loop3A_253 = arith.index_cast %parallel_loop3A_234 : i32 to index
        %parallel_loop3A_254 = arith.constant 32 : index
        %parallel_loop3A_255 = tpu.vector_load %arg12[%parallel_loop3A_253, %parallel_loop3A_254] {strides = array<i32>} : memref<128x64xf32, #tpu.memory_space<vmem>>, vector<1x16xf32>,
        %parallel_loop3A_256 = vector.shape_cast %parallel_loop3A_255 : vector<1x16xf32> to vector<16xf32>
        %parallel_loop3A_257 = arith.index_cast %parallel_loop3A_234 : i32 to index
        %parallel_loop3A_258 = arith.constant 32 : index
        %parallel_loop3A_259 = tpu.vector_load %arg14[%parallel_loop3A_257, %parallel_loop3A_258] {strides = array<i32>} : memref<128x64xf32, #tpu.memory_space<vmem>>, vector<1x16xf32>,
        %parallel_loop3A_260 = vector.shape_cast %parallel_loop3A_259 : vector<1x16xf32> to vector<16xf32>
        %parallel_loop3A_261 = arith.addf %parallel_loop3A_256, %parallel_loop3A_260 : vector<16xf32>
        %parallel_loop3A_262 = arith.index_cast %parallel_loop3A_234 : i32 to index
        %parallel_loop3A_263 = arith.constant 48 : index
        %parallel_loop3A_264 = tpu.vector_load %arg12[%parallel_loop3A_262, %parallel_loop3A_263] {strides = array<i32>} : memref<128x64xf32, #tpu.memory_space<vmem>>, vector<1x16xf32>,
        %parallel_loop3A_265 = vector.shape_cast %parallel_loop3A_264 : vector<1x16xf32> to vector<16xf32>
        %parallel_loop3A_266 = arith.index_cast %parallel_loop3A_234 : i32 to index
        %parallel_loop3A_267 = arith.constant 48 : index
        %parallel_loop3A_268 = tpu.vector_load %arg14[%parallel_loop3A_266, %parallel_loop3A_267] {strides = array<i32>} : memref<128x64xf32, #tpu.memory_space<vmem>>, vector<1x16xf32>,
        %parallel_loop3A_269 = vector.shape_cast %parallel_loop3A_268 : vector<1x16xf32> to vector<16xf32>
        %parallel_loop3A_270 = arith.addf %parallel_loop3A_265, %parallel_loop3A_269 : vector<16xf32>
        %parallel_loop3A_271 = arith.addf %parallel_loop3A_243, %parallel_loop3A_252 : vector<16xf32>
        %parallel_loop3A_272 = arith.addf %parallel_loop3A_271, %parallel_loop3A_261 : vector<16xf32>
        %parallel_loop3A_273 = arith.addf %parallel_loop3A_272, %parallel_loop3A_270 : vector<16xf32>
        %parallel_loop3A_274 = arith.mulf %parallel_loop3A_243, %parallel_loop3A_243 : vector<16xf32>
        %parallel_loop3A_275 = arith.mulf %parallel_loop3A_252, %parallel_loop3A_252 : vector<16xf32>
        %parallel_loop3A_276 = arith.mulf %parallel_loop3A_261, %parallel_loop3A_261 : vector<16xf32>
        %parallel_loop3A_277 = arith.mulf %parallel_loop3A_270, %parallel_loop3A_270 : vector<16xf32>
        %parallel_loop3A_278 = arith.addf %parallel_loop3A_274, %parallel_loop3A_275 : vector<16xf32>
        %parallel_loop3A_279 = arith.addf %parallel_loop3A_278, %parallel_loop3A_276 : vector<16xf32>
        %parallel_loop3A_280 = arith.addf %parallel_loop3A_279, %parallel_loop3A_277 : vector<16xf32>
        %parallel_loop3A_281 = arith.constant 0 : i32
        %parallel_loop3A_282 = tpu.memref_slice %arg17[%parallel_loop3A_234, %parallel_loop3A_281] : memref<128x32xf32, #tpu.memory_space<vmem>> -> memref<1x32xf32, #tpu.memory_space<vmem>>
        %parallel_loop3A_283 = tpu.memref_squeeze %parallel_loop3A_282 : memref<1x32xf32, #tpu.memory_space<vmem>> -> memref<32xf32, #tpu.memory_space<vmem>>
        %parallel_loop3A_284 = arith.constant 0 : index
        %parallel_loop3A_285 = tpu.vector_load %parallel_loop3A_283[%parallel_loop3A_284] {strides = array<i32>} : memref<32xf32, #tpu.memory_space<vmem>>, vector<16xf32>,
        %parallel_loop3A_286 = vector.shape_cast %parallel_loop3A_285 : vector<16xf32> to vector<16xf32>
        %parallel_loop3A_287 = vector.shape_cast %parallel_loop3A_273 : vector<16xf32> to vector<16xf32>
        tpu.vector_store %parallel_loop3A_283[%parallel_loop3A_284], %parallel_loop3A_287 {strides = array<i32>} : memref<32xf32, #tpu.memory_space<vmem>>, vector<16xf32>,
        %parallel_loop3A_288 = arith.constant 0 : i32
        %parallel_loop3A_289 = tpu.memref_slice %arg17[%parallel_loop3A_234, %parallel_loop3A_288] : memref<128x32xf32, #tpu.memory_space<vmem>> -> memref<1x32xf32, #tpu.memory_space<vmem>>
        %parallel_loop3A_290 = tpu.memref_squeeze %parallel_loop3A_289 : memref<1x32xf32, #tpu.memory_space<vmem>> -> memref<32xf32, #tpu.memory_space<vmem>>
        %parallel_loop3A_291 = arith.constant 16 : index
        %parallel_loop3A_292 = tpu.vector_load %parallel_loop3A_290[%parallel_loop3A_291] {strides = array<i32>} : memref<32xf32, #tpu.memory_space<vmem>>, vector<16xf32>,
        %parallel_loop3A_293 = vector.shape_cast %parallel_loop3A_292 : vector<16xf32> to vector<16xf32>
        %parallel_loop3A_294 = vector.shape_cast %parallel_loop3A_273 : vector<16xf32> to vector<16xf32>
        tpu.vector_store %parallel_loop3A_290[%parallel_loop3A_291], %parallel_loop3A_294 {strides = array<i32>} : memref<32xf32, #tpu.memory_space<vmem>>, vector<16xf32>,
        %parallel_loop3A_295 = arith.constant 0 : i32
        %parallel_loop3A_296 = tpu.memref_slice %arg18[%parallel_loop3A_234, %parallel_loop3A_295] : memref<128x32xf32, #tpu.memory_space<vmem>> -> memref<1x32xf32, #tpu.memory_space<vmem>>
        %parallel_loop3A_297 = tpu.memref_squeeze %parallel_loop3A_296 : memref<1x32xf32, #tpu.memory_space<vmem>> -> memref<32xf32, #tpu.memory_space<vmem>>
        %parallel_loop3A_298 = arith.constant 0 : index
        %parallel_loop3A_299 = tpu.vector_load %parallel_loop3A_297[%parallel_loop3A_298] {strides = array<i32>} : memref<32xf32, #tpu.memory_space<vmem>>, vector<16xf32>,
        %parallel_loop3A_300 = vector.shape_cast %parallel_loop3A_299 : vector<16xf32> to vector<16xf32>
        %parallel_loop3A_301 = vector.shape_cast %parallel_loop3A_280 : vector<16xf32> to vector<16xf32>
        tpu.vector_store %parallel_loop3A_297[%parallel_loop3A_298], %parallel_loop3A_301 {strides = array<i32>} : memref<32xf32, #tpu.memory_space<vmem>>, vector<16xf32>,
        %parallel_loop3A_302 = arith.constant 0 : i32
        %parallel_loop3A_303 = tpu.memref_slice %arg18[%parallel_loop3A_234, %parallel_loop3A_302] : memref<128x32xf32, #tpu.memory_space<vmem>> -> memref<1x32xf32, #tpu.memory_space<vmem>>
        %parallel_loop3A_304 = tpu.memref_squeeze %parallel_loop3A_303 : memref<1x32xf32, #tpu.memory_space<vmem>> -> memref<32xf32, #tpu.memory_space<vmem>>
        %parallel_loop3A_305 = arith.constant 16 : index
        %parallel_loop3A_306 = tpu.vector_load %parallel_loop3A_304[%parallel_loop3A_305] {strides = array<i32>} : memref<32xf32, #tpu.memory_space<vmem>>, vector<16xf32>,
        %parallel_loop3A_307 = vector.shape_cast %parallel_loop3A_306 : vector<16xf32> to vector<16xf32>
        %parallel_loop3A_308 = vector.shape_cast %parallel_loop3A_280 : vector<16xf32> to vector<16xf32>
        tpu.vector_store %parallel_loop3A_304[%parallel_loop3A_305], %parallel_loop3A_308 {strides = array<i32>} : memref<32xf32, #tpu.memory_space<vmem>>, vector<16xf32>,
        %parallel_loop3A_309 = arith.constant 0 : i32
        %parallel_loop3A_310 = tpu.memref_slice %arg17[%parallel_loop3A_234, %parallel_loop3A_309] : memref<128x32xf32, #tpu.memory_space<vmem>> -> memref<1x32xf32, #tpu.memory_space<vmem>>
        %parallel_loop3A_311 = tpu.memref_squeeze %parallel_loop3A_310 : memref<1x32xf32, #tpu.memory_space<vmem>> -> memref<32xf32, #tpu.memory_space<vmem>>
        %parallel_loop3A_312 = arith.constant 8 : index
        %parallel_loop3A_313 = tpu.vector_load %parallel_loop3A_311[%parallel_loop3A_312] {strides = array<i32>} : memref<32xf32, #tpu.memory_space<vmem>>, vector<16xf32>,
        %parallel_loop3A_314 = vector.shape_cast %parallel_loop3A_313 : vector<16xf32> to vector<16xf32>
        %parallel_loop3A_315 = arith.addf %parallel_loop3A_273, %parallel_loop3A_314 : vector<16xf32>
        %parallel_loop3A_316 = arith.constant 0 : i32
        %parallel_loop3A_317 = tpu.memref_slice %arg18[%parallel_loop3A_234, %parallel_loop3A_316] : memref<128x32xf32, #tpu.memory_space<vmem>> -> memref<1x32xf32, #tpu.memory_space<vmem>>
        %parallel_loop3A_318 = tpu.memref_squeeze %parallel_loop3A_317 : memref<1x32xf32, #tpu.memory_space<vmem>> -> memref<32xf32, #tpu.memory_space<vmem>>
        %parallel_loop3A_319 = arith.constant 8 : index
        %parallel_loop3A_320 = tpu.vector_load %parallel_loop3A_318[%parallel_loop3A_319] {strides = array<i32>} : memref<32xf32, #tpu.memory_space<vmem>>, vector<16xf32>,
        %parallel_loop3A_321 = vector.shape_cast %parallel_loop3A_320 : vector<16xf32> to vector<16xf32>
        %parallel_loop3A_322 = arith.addf %parallel_loop3A_280, %parallel_loop3A_321 : vector<16xf32>
        %parallel_loop3A_323 = arith.constant 0 : i32
        %parallel_loop3A_324 = tpu.memref_slice %arg17[%parallel_loop3A_234, %parallel_loop3A_323] : memref<128x32xf32, #tpu.memory_space<vmem>> -> memref<1x32xf32, #tpu.memory_space<vmem>>
        %parallel_loop3A_325 = tpu.memref_squeeze %parallel_loop3A_324 : memref<1x32xf32, #tpu.memory_space<vmem>> -> memref<32xf32, #tpu.memory_space<vmem>>
        %parallel_loop3A_326 = arith.constant 0 : index
        %parallel_loop3A_327 = tpu.vector_load %parallel_loop3A_325[%parallel_loop3A_326] {strides = array<i32>} : memref<32xf32, #tpu.memory_space<vmem>>, vector<16xf32>,
        %parallel_loop3A_328 = vector.shape_cast %parallel_loop3A_327 : vector<16xf32> to vector<16xf32>
        %parallel_loop3A_329 = vector.shape_cast %parallel_loop3A_315 : vector<16xf32> to vector<16xf32>
        tpu.vector_store %parallel_loop3A_325[%parallel_loop3A_326], %parallel_loop3A_329 {strides = array<i32>} : memref<32xf32, #tpu.memory_space<vmem>>, vector<16xf32>,
        %parallel_loop3A_330 = arith.constant 0 : i32
        %parallel_loop3A_331 = tpu.memref_slice %arg17[%parallel_loop3A_234, %parallel_loop3A_330] : memref<128x32xf32, #tpu.memory_space<vmem>> -> memref<1x32xf32, #tpu.memory_space<vmem>>
        %parallel_loop3A_332 = tpu.memref_squeeze %parallel_loop3A_331 : memref<1x32xf32, #tpu.memory_space<vmem>> -> memref<32xf32, #tpu.memory_space<vmem>>
        %parallel_loop3A_333 = arith.constant 16 : index
        %parallel_loop3A_334 = tpu.vector_load %parallel_loop3A_332[%parallel_loop3A_333] {strides = array<i32>} : memref<32xf32, #tpu.memory_space<vmem>>, vector<16xf32>,
        %parallel_loop3A_335 = vector.shape_cast %parallel_loop3A_334 : vector<16xf32> to vector<16xf32>
        %parallel_loop3A_336 = vector.shape_cast %parallel_loop3A_315 : vector<16xf32> to vector<16xf32>
        tpu.vector_store %parallel_loop3A_332[%parallel_loop3A_333], %parallel_loop3A_336 {strides = array<i32>} : memref<32xf32, #tpu.memory_space<vmem>>, vector<16xf32>,
        %parallel_loop3A_337 = arith.constant 0 : i32
        %parallel_loop3A_338 = tpu.memref_slice %arg18[%parallel_loop3A_234, %parallel_loop3A_337] : memref<128x32xf32, #tpu.memory_space<vmem>> -> memref<1x32xf32, #tpu.memory_space<vmem>>
        %parallel_loop3A_339 = tpu.memref_squeeze %parallel_loop3A_338 : memref<1x32xf32, #tpu.memory_space<vmem>> -> memref<32xf32, #tpu.memory_space<vmem>>
        %parallel_loop3A_340 = arith.constant 0 : index
        %parallel_loop3A_341 = tpu.vector_load %parallel_loop3A_339[%parallel_loop3A_340] {strides = array<i32>} : memref<32xf32, #tpu.memory_space<vmem>>, vector<16xf32>,
        %parallel_loop3A_342 = vector.shape_cast %parallel_loop3A_341 : vector<16xf32> to vector<16xf32>
        %parallel_loop3A_343 = vector.shape_cast %parallel_loop3A_322 : vector<16xf32> to vector<16xf32>
        tpu.vector_store %parallel_loop3A_339[%parallel_loop3A_340], %parallel_loop3A_343 {strides = array<i32>} : memref<32xf32, #tpu.memory_space<vmem>>, vector<16xf32>,
        %parallel_loop3A_344 = arith.constant 0 : i32
        %parallel_loop3A_345 = tpu.memref_slice %arg18[%parallel_loop3A_234, %parallel_loop3A_344] : memref<128x32xf32, #tpu.memory_space<vmem>> -> memref<1x32xf32, #tpu.memory_space<vmem>>
        %parallel_loop3A_346 = tpu.memref_squeeze %parallel_loop3A_345 : memref<1x32xf32, #tpu.memory_space<vmem>> -> memref<32xf32, #tpu.memory_space<vmem>>
        %parallel_loop3A_347 = arith.constant 16 : index
        %parallel_loop3A_348 = tpu.vector_load %parallel_loop3A_346[%parallel_loop3A_347] {strides = array<i32>} : memref<32xf32, #tpu.memory_space<vmem>>, vector<16xf32>,
        %parallel_loop3A_349 = vector.shape_cast %parallel_loop3A_348 : vector<16xf32> to vector<16xf32>
        %parallel_loop3A_350 = vector.shape_cast %parallel_loop3A_322 : vector<16xf32> to vector<16xf32>
        tpu.vector_store %parallel_loop3A_346[%parallel_loop3A_347], %parallel_loop3A_350 {strides = array<i32>} : memref<32xf32, #tpu.memory_space<vmem>>, vector<16xf32>,
        %parallel_loop3A_351 = arith.constant 0 : i32
        %parallel_loop3A_352 = tpu.memref_slice %arg17[%parallel_loop3A_234, %parallel_loop3A_351] : memref<128x32xf32, #tpu.memory_space<vmem>> -> memref<1x32xf32, #tpu.memory_space<vmem>>
        %parallel_loop3A_353 = tpu.memref_squeeze %parallel_loop3A_352 : memref<1x32xf32, #tpu.memory_space<vmem>> -> memref<32xf32, #tpu.memory_space<vmem>>
        %parallel_loop3A_354 = arith.constant 4 : index
        %parallel_loop3A_355 = tpu.vector_load %parallel_loop3A_353[%parallel_loop3A_354] {strides = array<i32>} : memref<32xf32, #tpu.memory_space<vmem>>, vector<16xf32>,
        %parallel_loop3A_356 = vector.shape_cast %parallel_loop3A_355 : vector<16xf32> to vector<16xf32>
        %parallel_loop3A_357 = arith.addf %parallel_loop3A_315, %parallel_loop3A_356 : vector<16xf32>
        %parallel_loop3A_358 = arith.constant 0 : i32
        %parallel_loop3A_359 = tpu.memref_slice %arg18[%parallel_loop3A_234, %parallel_loop3A_358] : memref<128x32xf32, #tpu.memory_space<vmem>> -> memref<1x32xf32, #tpu.memory_space<vmem>>
        %parallel_loop3A_360 = tpu.memref_squeeze %parallel_loop3A_359 : memref<1x32xf32, #tpu.memory_space<vmem>> -> memref<32xf32, #tpu.memory_space<vmem>>
        %parallel_loop3A_361 = arith.constant 4 : index
        %parallel_loop3A_362 = tpu.vector_load %parallel_loop3A_360[%parallel_loop3A_361] {strides = array<i32>} : memref<32xf32, #tpu.memory_space<vmem>>, vector<16xf32>,
        %parallel_loop3A_363 = vector.shape_cast %parallel_loop3A_362 : vector<16xf32> to vector<16xf32>
        %parallel_loop3A_364 = arith.addf %parallel_loop3A_322, %parallel_loop3A_363 : vector<16xf32>
        %parallel_loop3A_365 = arith.constant 0 : i32
        %parallel_loop3A_366 = tpu.memref_slice %arg17[%parallel_loop3A_234, %parallel_loop3A_365] : memref<128x32xf32, #tpu.memory_space<vmem>> -> memref<1x32xf32, #tpu.memory_space<vmem>>
        %parallel_loop3A_367 = tpu.memref_squeeze %parallel_loop3A_366 : memref<1x32xf32, #tpu.memory_space<vmem>> -> memref<32xf32, #tpu.memory_space<vmem>>
        %parallel_loop3A_368 = arith.constant 0 : index
        %parallel_loop3A_369 = tpu.vector_load %parallel_loop3A_367[%parallel_loop3A_368] {strides = array<i32>} : memref<32xf32, #tpu.memory_space<vmem>>, vector<16xf32>,
        %parallel_loop3A_370 = vector.shape_cast %parallel_loop3A_369 : vector<16xf32> to vector<16xf32>
        %parallel_loop3A_371 = vector.shape_cast %parallel_loop3A_357 : vector<16xf32> to vector<16xf32>
        tpu.vector_store %parallel_loop3A_367[%parallel_loop3A_368], %parallel_loop3A_371 {strides = array<i32>} : memref<32xf32, #tpu.memory_space<vmem>>, vector<16xf32>,
        %parallel_loop3A_372 = arith.constant 0 : i32
        %parallel_loop3A_373 = tpu.memref_slice %arg17[%parallel_loop3A_234, %parallel_loop3A_372] : memref<128x32xf32, #tpu.memory_space<vmem>> -> memref<1x32xf32, #tpu.memory_space<vmem>>
        %parallel_loop3A_374 = tpu.memref_squeeze %parallel_loop3A_373 : memref<1x32xf32, #tpu.memory_space<vmem>> -> memref<32xf32, #tpu.memory_space<vmem>>
        %parallel_loop3A_375 = arith.constant 16 : index
        %parallel_loop3A_376 = tpu.vector_load %parallel_loop3A_374[%parallel_loop3A_375] {strides = array<i32>} : memref<32xf32, #tpu.memory_space<vmem>>, vector<16xf32>,
        %parallel_loop3A_377 = vector.shape_cast %parallel_loop3A_376 : vector<16xf32> to vector<16xf32>
        %parallel_loop3A_378 = vector.shape_cast %parallel_loop3A_357 : vector<16xf32> to vector<16xf32>
        tpu.vector_store %parallel_loop3A_374[%parallel_loop3A_375], %parallel_loop3A_378 {strides = array<i32>} : memref<32xf32, #tpu.memory_space<vmem>>, vector<16xf32>,
        %parallel_loop3A_379 = arith.constant 0 : i32
        %parallel_loop3A_380 = tpu.memref_slice %arg18[%parallel_loop3A_234, %parallel_loop3A_379] : memref<128x32xf32, #tpu.memory_space<vmem>> -> memref<1x32xf32, #tpu.memory_space<vmem>>
        %parallel_loop3A_381 = tpu.memref_squeeze %parallel_loop3A_380 : memref<1x32xf32, #tpu.memory_space<vmem>> -> memref<32xf32, #tpu.memory_space<vmem>>
        %parallel_loop3A_382 = arith.constant 0 : index
        %parallel_loop3A_383 = tpu.vector_load %parallel_loop3A_381[%parallel_loop3A_382] {strides = array<i32>} : memref<32xf32, #tpu.memory_space<vmem>>, vector<16xf32>,
        %parallel_loop3A_384 = vector.shape_cast %parallel_loop3A_383 : vector<16xf32> to vector<16xf32>
        %parallel_loop3A_385 = vector.shape_cast %parallel_loop3A_364 : vector<16xf32> to vector<16xf32>
        tpu.vector_store %parallel_loop3A_381[%parallel_loop3A_382], %parallel_loop3A_385 {strides = array<i32>} : memref<32xf32, #tpu.memory_space<vmem>>, vector<16xf32>,
        %parallel_loop3A_386 = arith.constant 0 : i32
        %parallel_loop3A_387 = tpu.memref_slice %arg18[%parallel_loop3A_234, %parallel_loop3A_386] : memref<128x32xf32, #tpu.memory_space<vmem>> -> memref<1x32xf32, #tpu.memory_space<vmem>>
        %parallel_loop3A_388 = tpu.memref_squeeze %parallel_loop3A_387 : memref<1x32xf32, #tpu.memory_space<vmem>> -> memref<32xf32, #tpu.memory_space<vmem>>
        %parallel_loop3A_389 = arith.constant 16 : index
        %parallel_loop3A_390 = tpu.vector_load %parallel_loop3A_388[%parallel_loop3A_389] {strides = array<i32>} : memref<32xf32, #tpu.memory_space<vmem>>, vector<16xf32>,
        %parallel_loop3A_391 = vector.shape_cast %parallel_loop3A_390 : vector<16xf32> to vector<16xf32>
        %parallel_loop3A_392 = vector.shape_cast %parallel_loop3A_364 : vector<16xf32> to vector<16xf32>
        tpu.vector_store %parallel_loop3A_388[%parallel_loop3A_389], %parallel_loop3A_392 {strides = array<i32>} : memref<32xf32, #tpu.memory_space<vmem>>, vector<16xf32>,
        %parallel_loop3A_393 = arith.constant 0 : i32
        %parallel_loop3A_394 = tpu.memref_slice %arg17[%parallel_loop3A_234, %parallel_loop3A_393] : memref<128x32xf32, #tpu.memory_space<vmem>> -> memref<1x32xf32, #tpu.memory_space<vmem>>
        %parallel_loop3A_395 = tpu.memref_squeeze %parallel_loop3A_394 : memref<1x32xf32, #tpu.memory_space<vmem>> -> memref<32xf32, #tpu.memory_space<vmem>>
        %parallel_loop3A_396 = arith.constant 2 : index
        %parallel_loop3A_397 = tpu.vector_load %parallel_loop3A_395[%parallel_loop3A_396] {strides = array<i32>} : memref<32xf32, #tpu.memory_space<vmem>>, vector<16xf32>,
        %parallel_loop3A_398 = vector.shape_cast %parallel_loop3A_397 : vector<16xf32> to vector<16xf32>
        %parallel_loop3A_399 = arith.addf %parallel_loop3A_357, %parallel_loop3A_398 : vector<16xf32>
        %parallel_loop3A_400 = arith.constant 0 : i32
        %parallel_loop3A_401 = tpu.memref_slice %arg18[%parallel_loop3A_234, %parallel_loop3A_400] : memref<128x32xf32, #tpu.memory_space<vmem>> -> memref<1x32xf32, #tpu.memory_space<vmem>>
        %parallel_loop3A_402 = tpu.memref_squeeze %parallel_loop3A_401 : memref<1x32xf32, #tpu.memory_space<vmem>> -> memref<32xf32, #tpu.memory_space<vmem>>
        %parallel_loop3A_403 = arith.constant 2 : index
        %parallel_loop3A_404 = tpu.vector_load %parallel_loop3A_402[%parallel_loop3A_403] {strides = array<i32>} : memref<32xf32, #tpu.memory_space<vmem>>, vector<16xf32>,
        %parallel_loop3A_405 = vector.shape_cast %parallel_loop3A_404 : vector<16xf32> to vector<16xf32>
        %parallel_loop3A_406 = arith.addf %parallel_loop3A_364, %parallel_loop3A_405 : vector<16xf32>
        %parallel_loop3A_407 = arith.constant 0 : i32
        %parallel_loop3A_408 = tpu.memref_slice %arg17[%parallel_loop3A_234, %parallel_loop3A_407] : memref<128x32xf32, #tpu.memory_space<vmem>> -> memref<1x32xf32, #tpu.memory_space<vmem>>
        %parallel_loop3A_409 = tpu.memref_squeeze %parallel_loop3A_408 : memref<1x32xf32, #tpu.memory_space<vmem>> -> memref<32xf32, #tpu.memory_space<vmem>>
        %parallel_loop3A_410 = arith.constant 0 : index
        %parallel_loop3A_411 = tpu.vector_load %parallel_loop3A_409[%parallel_loop3A_410] {strides = array<i32>} : memref<32xf32, #tpu.memory_space<vmem>>, vector<16xf32>,
        %parallel_loop3A_412 = vector.shape_cast %parallel_loop3A_411 : vector<16xf32> to vector<16xf32>
        %parallel_loop3A_413 = vector.shape_cast %parallel_loop3A_399 : vector<16xf32> to vector<16xf32>
        tpu.vector_store %parallel_loop3A_409[%parallel_loop3A_410], %parallel_loop3A_413 {strides = array<i32>} : memref<32xf32, #tpu.memory_space<vmem>>, vector<16xf32>,
        %parallel_loop3A_414 = arith.constant 0 : i32
        %parallel_loop3A_415 = tpu.memref_slice %arg17[%parallel_loop3A_234, %parallel_loop3A_414] : memref<128x32xf32, #tpu.memory_space<vmem>> -> memref<1x32xf32, #tpu.memory_space<vmem>>
        %parallel_loop3A_416 = tpu.memref_squeeze %parallel_loop3A_415 : memref<1x32xf32, #tpu.memory_space<vmem>> -> memref<32xf32, #tpu.memory_space<vmem>>
        %parallel_loop3A_417 = arith.constant 16 : index
        %parallel_loop3A_418 = tpu.vector_load %parallel_loop3A_416[%parallel_loop3A_417] {strides = array<i32>} : memref<32xf32, #tpu.memory_space<vmem>>, vector<16xf32>,
        %parallel_loop3A_419 = vector.shape_cast %parallel_loop3A_418 : vector<16xf32> to vector<16xf32>
        %parallel_loop3A_420 = vector.shape_cast %parallel_loop3A_399 : vector<16xf32> to vector<16xf32>
        tpu.vector_store %parallel_loop3A_416[%parallel_loop3A_417], %parallel_loop3A_420 {strides = array<i32>} : memref<32xf32, #tpu.memory_space<vmem>>, vector<16xf32>,
        %parallel_loop3A_421 = arith.constant 0 : i32
        %parallel_loop3A_422 = tpu.memref_slice %arg18[%parallel_loop3A_234, %parallel_loop3A_421] : memref<128x32xf32, #tpu.memory_space<vmem>> -> memref<1x32xf32, #tpu.memory_space<vmem>>
        %parallel_loop3A_423 = tpu.memref_squeeze %parallel_loop3A_422 : memref<1x32xf32, #tpu.memory_space<vmem>> -> memref<32xf32, #tpu.memory_space<vmem>>
        %parallel_loop3A_424 = arith.constant 0 : index
        %parallel_loop3A_425 = tpu.vector_load %parallel_loop3A_423[%parallel_loop3A_424] {strides = array<i32>} : memref<32xf32, #tpu.memory_space<vmem>>, vector<16xf32>,
        %parallel_loop3A_426 = vector.shape_cast %parallel_loop3A_425 : vector<16xf32> to vector<16xf32>
        %parallel_loop3A_427 = vector.shape_cast %parallel_loop3A_406 : vector<16xf32> to vector<16xf32>
        tpu.vector_store %parallel_loop3A_423[%parallel_loop3A_424], %parallel_loop3A_427 {strides = array<i32>} : memref<32xf32, #tpu.memory_space<vmem>>, vector<16xf32>,
        %parallel_loop3A_428 = arith.constant 0 : i32
        %parallel_loop3A_429 = tpu.memref_slice %arg18[%parallel_loop3A_234, %parallel_loop3A_428] : memref<128x32xf32, #tpu.memory_space<vmem>> -> memref<1x32xf32, #tpu.memory_space<vmem>>
        %parallel_loop3A_430 = tpu.memref_squeeze %parallel_loop3A_429 : memref<1x32xf32, #tpu.memory_space<vmem>> -> memref<32xf32, #tpu.memory_space<vmem>>
        %parallel_loop3A_431 = arith.constant 16 : index
        %parallel_loop3A_432 = tpu.vector_load %parallel_loop3A_430[%parallel_loop3A_431] {strides = array<i32>} : memref<32xf32, #tpu.memory_space<vmem>>, vector<16xf32>,
        %parallel_loop3A_433 = vector.shape_cast %parallel_loop3A_432 : vector<16xf32> to vector<16xf32>
        %parallel_loop3A_434 = vector.shape_cast %parallel_loop3A_406 : vector<16xf32> to vector<16xf32>
        tpu.vector_store %parallel_loop3A_430[%parallel_loop3A_431], %parallel_loop3A_434 {strides = array<i32>} : memref<32xf32, #tpu.memory_space<vmem>>, vector<16xf32>,
        %parallel_loop3A_435 = arith.constant 0 : i32
        %parallel_loop3A_436 = tpu.memref_slice %arg17[%parallel_loop3A_234, %parallel_loop3A_435] : memref<128x32xf32, #tpu.memory_space<vmem>> -> memref<1x32xf32, #tpu.memory_space<vmem>>
        %parallel_loop3A_437 = tpu.memref_squeeze %parallel_loop3A_436 : memref<1x32xf32, #tpu.memory_space<vmem>> -> memref<32xf32, #tpu.memory_space<vmem>>
        %parallel_loop3A_438 = arith.constant 1 : index
        %parallel_loop3A_439 = tpu.vector_load %parallel_loop3A_437[%parallel_loop3A_438] {strides = array<i32>} : memref<32xf32, #tpu.memory_space<vmem>>, vector<16xf32>,
        %parallel_loop3A_440 = vector.shape_cast %parallel_loop3A_439 : vector<16xf32> to vector<16xf32>
        %parallel_loop3A_441 = arith.addf %parallel_loop3A_399, %parallel_loop3A_440 : vector<16xf32>
        %parallel_loop3A_442 = arith.constant 0 : i32
        %parallel_loop3A_443 = tpu.memref_slice %arg18[%parallel_loop3A_234, %parallel_loop3A_442] : memref<128x32xf32, #tpu.memory_space<vmem>> -> memref<1x32xf32, #tpu.memory_space<vmem>>
        %parallel_loop3A_444 = tpu.memref_squeeze %parallel_loop3A_443 : memref<1x32xf32, #tpu.memory_space<vmem>> -> memref<32xf32, #tpu.memory_space<vmem>>
        %parallel_loop3A_445 = arith.constant 1 : index
        %parallel_loop3A_446 = tpu.vector_load %parallel_loop3A_444[%parallel_loop3A_445] {strides = array<i32>} : memref<32xf32, #tpu.memory_space<vmem>>, vector<16xf32>,
        %parallel_loop3A_447 = vector.shape_cast %parallel_loop3A_446 : vector<16xf32> to vector<16xf32>
        %parallel_loop3A_448 = arith.addf %parallel_loop3A_406, %parallel_loop3A_447 : vector<16xf32>
        %parallel_loop3A_449 = arith.constant 1.562500e-02 : f32
        %parallel_loop3A_450 = vector.broadcast %parallel_loop3A_449 : f32 to vector<16xf32>
        %parallel_loop3A_451 = arith.mulf %parallel_loop3A_441, %parallel_loop3A_450 : vector<16xf32>
        %parallel_loop3A_452 = arith.constant 1.562500e-02 : f32
        %parallel_loop3A_453 = vector.broadcast %parallel_loop3A_452 : f32 to vector<16xf32>
        %parallel_loop3A_454 = arith.mulf %parallel_loop3A_448, %parallel_loop3A_453 : vector<16xf32>
        %parallel_loop3A_455 = arith.mulf %parallel_loop3A_451, %parallel_loop3A_451 : vector<16xf32>
        %parallel_loop3A_456 = arith.subf %parallel_loop3A_454, %parallel_loop3A_455 : vector<16xf32>
        %parallel_loop3A_457 = arith.constant 9.99999996E-13 : f32
        %parallel_loop3A_458 = vector.broadcast %parallel_loop3A_457 : f32 to vector<16xf32>
        %parallel_loop3A_459 = arith.addf %parallel_loop3A_456, %parallel_loop3A_458 : vector<16xf32>
        %parallel_loop3A_460 = tpu.bitcast %parallel_loop3A_459 : vector<16xf32> -> vector<16xi32>
        %parallel_loop3A_461 = arith.constant 1 : i32
        %parallel_loop3A_462 = vector.broadcast %parallel_loop3A_461 : i32 to vector<16xi32>
        %parallel_loop3A_463 = arith.shrui %parallel_loop3A_460, %parallel_loop3A_462 : vector<16xi32>
        %parallel_loop3A_464 = arith.constant 1597463007 : i32
        %parallel_loop3A_465 = vector.broadcast %parallel_loop3A_464 : i32 to vector<16xi32>
        %parallel_loop3A_466 = arith.subi %parallel_loop3A_465, %parallel_loop3A_463 : vector<16xi32>
        %parallel_loop3A_467 = tpu.bitcast %parallel_loop3A_466 : vector<16xi32> -> vector<16xf32>
        %parallel_loop3A_468 = arith.constant 5.000000e-01 : f32
        %parallel_loop3A_469 = vector.broadcast %parallel_loop3A_468 : f32 to vector<16xf32>
        %parallel_loop3A_470 = arith.mulf %parallel_loop3A_469, %parallel_loop3A_459 : vector<16xf32>
        %parallel_loop3A_471 = arith.mulf %parallel_loop3A_470, %parallel_loop3A_467 : vector<16xf32>
        %parallel_loop3A_472 = arith.mulf %parallel_loop3A_471, %parallel_loop3A_467 : vector<16xf32>
        %parallel_loop3A_473 = arith.constant 1.500000e+00 : f32
        %parallel_loop3A_474 = vector.broadcast %parallel_loop3A_473 : f32 to vector<16xf32>
        %parallel_loop3A_475 = arith.subf %parallel_loop3A_474, %parallel_loop3A_472 : vector<16xf32>
        %parallel_loop3A_476 = arith.mulf %parallel_loop3A_467, %parallel_loop3A_475 : vector<16xf32>
        %parallel_loop3A_477 = arith.constant 5.000000e-01 : f32
        %parallel_loop3A_478 = vector.broadcast %parallel_loop3A_477 : f32 to vector<16xf32>
        %parallel_loop3A_479 = arith.mulf %parallel_loop3A_478, %parallel_loop3A_459 : vector<16xf32>
        %parallel_loop3A_480 = arith.mulf %parallel_loop3A_479, %parallel_loop3A_476 : vector<16xf32>
        %parallel_loop3A_481 = arith.mulf %parallel_loop3A_480, %parallel_loop3A_476 : vector<16xf32>
        %parallel_loop3A_482 = arith.constant 1.500000e+00 : f32
        %parallel_loop3A_483 = vector.broadcast %parallel_loop3A_482 : f32 to vector<16xf32>
        %parallel_loop3A_484 = arith.subf %parallel_loop3A_483, %parallel_loop3A_481 : vector<16xf32>
        %parallel_loop3A_485 = arith.mulf %parallel_loop3A_476, %parallel_loop3A_484 : vector<16xf32>
        %parallel_loop3A_486 = arith.constant 5.000000e-01 : f32
        %parallel_loop3A_487 = vector.broadcast %parallel_loop3A_486 : f32 to vector<16xf32>
        %parallel_loop3A_488 = arith.mulf %parallel_loop3A_487, %parallel_loop3A_459 : vector<16xf32>
        %parallel_loop3A_489 = arith.mulf %parallel_loop3A_488, %parallel_loop3A_485 : vector<16xf32>
        %parallel_loop3A_490 = arith.mulf %parallel_loop3A_489, %parallel_loop3A_485 : vector<16xf32>
        %parallel_loop3A_491 = arith.constant 1.500000e+00 : f32
        %parallel_loop3A_492 = vector.broadcast %parallel_loop3A_491 : f32 to vector<16xf32>
        %parallel_loop3A_493 = arith.subf %parallel_loop3A_492, %parallel_loop3A_490 : vector<16xf32>
        %parallel_loop3A_494 = arith.mulf %parallel_loop3A_485, %parallel_loop3A_493 : vector<16xf32>
        %parallel_loop3A_495 = arith.subf %parallel_loop3A_243, %parallel_loop3A_451 : vector<16xf32>
        %parallel_loop3A_496 = arith.mulf %parallel_loop3A_495, %parallel_loop3A_494 : vector<16xf32>
        %parallel_loop3A_497 = arith.mulf %parallel_loop3A_496, %get3A_4 : vector<16xf32>
        %parallel_loop3A_498 = arith.addf %parallel_loop3A_497, %get3A_16 : vector<16xf32>
        %parallel_loop3A_499 = arith.index_cast %parallel_loop3A_234 : i32 to index
        %parallel_loop3A_500 = arith.constant 0 : index
        %parallel_loop3A_501 = tpu.vector_load %arg12[%parallel_loop3A_499, %parallel_loop3A_500] {strides = array<i32>} : memref<128x64xf32, #tpu.memory_space<vmem>>, vector<1x16xf32>,
        %parallel_loop3A_502 = vector.shape_cast %parallel_loop3A_501 : vector<1x16xf32> to vector<16xf32>
        %parallel_loop3A_503 = vector.shape_cast %parallel_loop3A_498 : vector<16xf32> to vector<1x16xf32>
        tpu.vector_store %arg12[%parallel_loop3A_499, %parallel_loop3A_500], %parallel_loop3A_503 {strides = array<i32>} : memref<128x64xf32, #tpu.memory_space<vmem>>, vector<1x16xf32>,
        %parallel_loop3A_504 = arith.subf %parallel_loop3A_252, %parallel_loop3A_451 : vector<16xf32>
        %parallel_loop3A_505 = arith.mulf %parallel_loop3A_504, %parallel_loop3A_494 : vector<16xf32>
        %parallel_loop3A_506 = arith.mulf %parallel_loop3A_505, %get3A_7 : vector<16xf32>
        %parallel_loop3A_507 = arith.addf %parallel_loop3A_506, %get3A_19 : vector<16xf32>
        %parallel_loop3A_508 = arith.index_cast %parallel_loop3A_234 : i32 to index
        %parallel_loop3A_509 = arith.constant 16 : index
        %parallel_loop3A_510 = tpu.vector_load %arg12[%parallel_loop3A_508, %parallel_loop3A_509] {strides = array<i32>} : memref<128x64xf32, #tpu.memory_space<vmem>>, vector<1x16xf32>,
        %parallel_loop3A_511 = vector.shape_cast %parallel_loop3A_510 : vector<1x16xf32> to vector<16xf32>
        %parallel_loop3A_512 = vector.shape_cast %parallel_loop3A_507 : vector<16xf32> to vector<1x16xf32>
        tpu.vector_store %arg12[%parallel_loop3A_508, %parallel_loop3A_509], %parallel_loop3A_512 {strides = array<i32>} : memref<128x64xf32, #tpu.memory_space<vmem>>, vector<1x16xf32>,
        %parallel_loop3A_513 = arith.subf %parallel_loop3A_261, %parallel_loop3A_451 : vector<16xf32>
        %parallel_loop3A_514 = arith.mulf %parallel_loop3A_513, %parallel_loop3A_494 : vector<16xf32>
        %parallel_loop3A_515 = arith.mulf %parallel_loop3A_514, %get3A_10 : vector<16xf32>
        %parallel_loop3A_516 = arith.addf %parallel_loop3A_515, %get3A_22 : vector<16xf32>
        %parallel_loop3A_517 = arith.index_cast %parallel_loop3A_234 : i32 to index
        %parallel_loop3A_518 = arith.constant 32 : index
        %parallel_loop3A_519 = tpu.vector_load %arg12[%parallel_loop3A_517, %parallel_loop3A_518] {strides = array<i32>} : memref<128x64xf32, #tpu.memory_space<vmem>>, vector<1x16xf32>,
        %parallel_loop3A_520 = vector.shape_cast %parallel_loop3A_519 : vector<1x16xf32> to vector<16xf32>
        %parallel_loop3A_521 = vector.shape_cast %parallel_loop3A_516 : vector<16xf32> to vector<1x16xf32>
        tpu.vector_store %arg12[%parallel_loop3A_517, %parallel_loop3A_518], %parallel_loop3A_521 {strides = array<i32>} : memref<128x64xf32, #tpu.memory_space<vmem>>, vector<1x16xf32>,
        %parallel_loop3A_522 = arith.subf %parallel_loop3A_270, %parallel_loop3A_451 : vector<16xf32>
        %parallel_loop3A_523 = arith.mulf %parallel_loop3A_522, %parallel_loop3A_494 : vector<16xf32>
        %parallel_loop3A_524 = arith.mulf %parallel_loop3A_523, %get3A_13 : vector<16xf32>
        %parallel_loop3A_525 = arith.addf %parallel_loop3A_524, %get3A_25 : vector<16xf32>
        %parallel_loop3A_526 = arith.index_cast %parallel_loop3A_234 : i32 to index
        %parallel_loop3A_527 = arith.constant 48 : index
        %parallel_loop3A_528 = tpu.vector_load %arg12[%parallel_loop3A_526, %parallel_loop3A_527] {strides = array<i32>} : memref<128x64xf32, #tpu.memory_space<vmem>>, vector<1x16xf32>,
        %parallel_loop3A_529 = vector.shape_cast %parallel_loop3A_528 : vector<1x16xf32> to vector<16xf32>
        %parallel_loop3A_530 = vector.shape_cast %parallel_loop3A_525 : vector<16xf32> to vector<1x16xf32>
        tpu.vector_store %arg12[%parallel_loop3A_526, %parallel_loop3A_527], %parallel_loop3A_530 {strides = array<i32>} : memref<128x64xf32, #tpu.memory_space<vmem>>, vector<1x16xf32>,
      } {sc.loop_unroll_factor = 8 : i64, sc.parallel_access}
      %jit3A_185 = arith.constant 4 : i32
      %div3A_186 = arith.divsi %add3A_143, %jit3A_185 : i32
      %sign3A_187 = arith.constant 0 : i32
      %sign3A_188 = arith.cmpi sgt, %add3A_143, %sign3A_187 : i32
      %sign3A_189 = arith.extui %sign3A_188 : i1 to i32
      %sign3A_190 = arith.constant 0 : i32
      %sign3A_191 = arith.cmpi slt, %add3A_143, %sign3A_190 : i32
      %sign3A_192 = arith.extui %sign3A_191 : i1 to i32
      %sign3A_193 = arith.subi %sign3A_189, %sign3A_192 : i32
      %sign3A_194 = arith.constant 0 : i32
      %sign3A_195 = arith.cmpi sgt, %jit3A_185, %sign3A_194 : i32
      %sign3A_196 = arith.extui %sign3A_195 : i1 to i32
      %sign3A_197 = arith.constant 0 : i32
      %sign3A_198 = arith.cmpi slt, %jit3A_185, %sign3A_197 : i32
      %sign3A_199 = arith.extui %sign3A_198 : i1 to i32
      %sign3A_200 = arith.subi %sign3A_196, %sign3A_199 : i32
      %ne3A_201 = arith.cmpi ne, %sign3A_193, %sign3A_200 : i32
      %rem3A_202 = arith.remsi %add3A_143, %jit3A_185 : i32
      %ne3A_203 = arith.constant 0 : i32
      %ne3A_204 = arith.cmpi ne, %rem3A_202, %ne3A_203 : i32
      %and3A_205 = arith.andi %ne3A_201, %ne3A_204 : i1
      %sub3A_206 = arith.constant 1 : i32
      %sub3A_207 = arith.subi %div3A_186, %sub3A_206 : i32
      %select_n3A_208 = arith.select %and3A_205, %sub3A_207, %div3A_186 : i32
      %add3A_209 = arith.addi %mul3A_2, %select_n3A_208 : i32
      %jit3A_210 = arith.constant 4 : i32
      %eq3A_211 = arith.constant 0 : i32
      %eq3A_212 = arith.cmpi eq, %jit3A_210, %eq3A_211 : i32
      %jit3A_213 = arith.constant 1 : i32
      %select_n3A_214 = arith.select %eq3A_212, %jit3A_213, %jit3A_210 : i32
      %rem3A_215 = arith.remsi %add3A_143, %select_n3A_214 : i32
      %ne3A_216 = arith.constant 0 : i32
      %ne3A_217 = arith.cmpi ne, %rem3A_215, %ne3A_216 : i32
      %lt3A_218 = arith.constant 0 : i32
      %lt3A_219 = arith.cmpi slt, %rem3A_215, %lt3A_218 : i32
      %lt3A_220 = arith.constant 0 : i32
      %lt3A_221 = arith.cmpi slt, %select_n3A_214, %lt3A_220 : i32
      %ne3A_222 = arith.xori %lt3A_219, %lt3A_221 : i1
      %and3A_223 = arith.andi %ne3A_222, %ne3A_217 : i1
      %add3A_224 = arith.addi %rem3A_215, %select_n3A_214 : i32
      %select_n3A_225 = arith.select %and3A_223, %add3A_224, %rem3A_215 : i32
      %mul3A_226 = arith.constant 128 : i32
      %mul3A_227 = arith.muli %select_n3A_225, %mul3A_226 : i32
      %dma_start3A_228 = arith.constant 0 : i32
      %dma_start3A_229 = tpu.memref_slice %arg8[%add3A_209, %mul3A_227, %dma_start3A_228] : memref<1024x512x64xf32, #tpu.memory_space<hbm>> -> memref<1x128x64xf32, #tpu.memory_space<hbm>>
      %dma_start3A_230 = tpu.memref_squeeze %dma_start3A_229 : memref<1x128x64xf32, #tpu.memory_space<hbm>> -> memref<128x64xf32, #tpu.memory_space<hbm>>
      %dma_start3A_231 = arith.constant 0 : i32
      %dma_start3A_232 = tpu.memref_slice %arg8[%add3A_209, %mul3A_227, %dma_start3A_231] : memref<1024x512x64xf32, #tpu.memory_space<hbm>> -> memref<1x128x64xf32, #tpu.memory_space<hbm>>
      %dma_start3A_233 = tpu.memref_squeeze %dma_start3A_232 : memref<1x128x64xf32, #tpu.memory_space<hbm>> -> memref<128x64xf32, #tpu.memory_space<hbm>>
      tpu.enqueue_dma source(%arg12 : memref<128x64xf32, #tpu.memory_space<vmem>>) target(%dma_start3A_233 : memref<128x64xf32, #tpu.memory_space<hbm>>) target_semaphore(%arg22 : memref<!tpu.dma_semaphore, #tpu.memory_space<semaphore_mem>>)
    }
    %scan3A_49 = arith.constant 64 : i32
    %add3A_50 = arith.constant 31 : i32
    %add3A_51 = arith.addi %mul3A_2, %add3A_50 : i32
    %dma_wait3A = arith.constant 384 : i32
    %dma_wait3A_52 = arith.constant 0 : i32
    %dma_wait3A_53 = tpu.memref_slice %arg8[%add3A_51, %dma_wait3A, %dma_wait3A_52] : memref<1024x512x64xf32, #tpu.memory_space<hbm>> -> memref<1x128x64xf32, #tpu.memory_space<hbm>>
    %dma_wait3A_54 = tpu.memref_squeeze %dma_wait3A_53 : memref<1x128x64xf32, #tpu.memory_space<hbm>> -> memref<128x64xf32, #tpu.memory_space<hbm>>
    %dma_wait3A_55 = arith.constant 384 : i32
    %dma_wait3A_56 = arith.constant 0 : i32
    %dma_wait3A_57 = tpu.memref_slice %arg8[%add3A_51, %dma_wait3A_55, %dma_wait3A_56] : memref<1024x512x64xf32, #tpu.memory_space<hbm>> -> memref<1x128x64xf32, #tpu.memory_space<hbm>>
    %dma_wait3A_58 = tpu.memref_squeeze %dma_wait3A_57 : memref<1x128x64xf32, #tpu.memory_space<hbm>> -> memref<128x64xf32, #tpu.memory_space<hbm>>
    tpu.wait_dma2 semaphore(%arg22 : memref<!tpu.dma_semaphore, #tpu.memory_space<semaphore_mem>>) src(%arg12 : memref<128x64xf32, #tpu.memory_space<vmem>>) dst(%dma_wait3A_58 : memref<128x64xf32, #tpu.memory_space<hbm>>)
    return
  }
}

</mosaic_0001>

<sc_bundles>
// kernel: kernel.3.cloned.1.call-start
scs
__scs_entry_jumppad:
0x0: {  	(pc) =	sbr.rel $0x88, $3  }
0x1: {  	(tag) =	ssettag $0x0;
	lr =	simm.s32 $0x1  }
0x2: {  	[smem:$0x3F9A] =	sst lr;
	_ =	strace $0xD0000000  }
0x3: {  	_ = 	snop  }
0x4: {  	_ = 	snop  }
0x5: {  	_ = 	snop  }
0x6: {  	_ = 	snop  }
0x7: {  	_ = 	snop  }
__scs_overlays_trampoline_lowered:
0x8: {  	[smem:$0x3FA9] =	sst s0  }
0x9: {  	[smem:$0x3FAA] =	sst s1  }
0xa: {  	[smem:$0x3FAB] =	sst s2  }
0xb: {  	[smem:$0x3FAC] =	sst s3  }
0xc: {  	[smem:$0x3FAD] =	sst s4  }
0xd: {  	[smem:$0x3FAE] =	sst s5  }
0xe: {  	[smem:$0x3FAF] =	sst s6  }
0xf: {  	[smem:$0x3FB0] =	sst s7  }
0x10: {  	[smem:$0x3FB1] =	sst s8  }
0x11: {  	[smem:$0x3FB2] =	sst s9;
	s0 =	simm.s32 @!p0 $0x0  }
0x12: {  	s1 =	sld [smem:$0x3F98];
	s0 =	simm.s32 @p0 $0x1  }
0x13: {  	[smem:$0x3FB3] =	sst s0;
	s0 =	simm.s32 @!p1 $0x0  }
0x14: {  	s2 =	sld [smem:$0x3F97];
	s0 =	simm.s32 @p1 $0x1  }
0x15: {  	[smem:$0x3FB4] =	sst s0;
	s0 =	simm.s32 @!p2 $0x0  }
0x16: {  	s3 =	sld [smem:$0x3FDB];
	s0 =	simm.s32 @p2 $0x1  }
0x17: {  	s4 =	simm.s32 $0x1BF5;
	[smem:$0x3FB6] =	sst s0  }
0x18: {  	s0 =	sld [smem:$0x3F99];
	_ =	swait.ge [sflag:s4], $0x0  }
0x19: {  	s7 =	sld [smem:$0x3F9A]  }
0x1a: {  	s8 =	sadd.s32 $0xFFFFE003, lr  }
0x1b: {  	s9 =	sadd.s32 $0xFFFFFEF7, lr;
	s5 =	simm.s32 $0xFFFFFFFF;
	p2 =	slt.u32 s8, $0xFFFFF086  }
0x1c: {  	p1 =	slt.u32 s9, $0xF7A;
	s5 =	simm.s32 @!p2 $0x0  }
0x1d: {  	s5 =	simm.s32 @p1 $0x1;
	p0 =	seq.s32 s7, s2  }
0x1e: {  	s7 =	smul.u32 @!p0 $0xF7A, s2;
	p2 =	seq.s32 @!p0 s5, $0x0  }
0x1f: {  	s9 =	smul.u32 $0xF7A, s1;
	s8 =	simm.s32 @!p0 $0x1BF5;
	p2 =	por !p2, p0  }
0x20: {  	[sflag:s8] =	ssyncset.s32 @!p0 $0xFFFFF086;
	s6 =	sadd.s32 @!p0 s3, s7;
	s7 =	simm.s32 @!p0 $0x108  }
0x21: {  	s3 =	sadd.s32 s3, s9;
	s6 =	sadd.s32 @!p0 $0x88, s6;
	s7 =	simm.s32 @p2 $0x1082  }
0x22: {  	[simem:s7], [sflag:s8] =	dma.local @!p0 [hbm:s6], $0xF7A  }
0x23: {  	s9 =	sor.u32 $0xD0000000, s2;
	s6 =	simm.s32 $0x108;
	_ =	swait.ge @!p0 [sflag:s8], $0x0  }
0x24: {  	s3 =	sadd.s32 $0x88, s3;
	s6 =	simm.s32 @!p1 $0x1082;
	[sflag:s4] =	ssyncset.s32 $0xFFFFF086  }
0x25: {  	[simem:s6], [sflag:s4] =	dma.local [hbm:s3], $0xF7A  }
0x26: {  	[smem:$0x3F9A] =	sst s1;
	(tag) =	ssettag s2;
	_ =	strace s9  }
0x27: {  	s1 =	sld [smem:$0x3FAA]  }
0x28: {  	s2 =	sld [smem:$0x3FAB]  }
0x29: {  	s4 =	sld [smem:$0x3FAD]  }
0x2a: {  	p0 =	seq.s32 s5, $0x0;
	s5 =	sld [smem:$0x3FAE]  }
0x2b: {  	s6 =	sld [smem:$0x3FAF]  }
0x2c: {  	s7 =	sld [smem:$0x3FB0]  }
0x2d: {  	s3 =	simm.s32 $0x108;
	s8 =	sld [smem:$0x3FB1]  }
0x2e: {  	s3 =	simm.s32 @!p0 $0x1082;
	s9 =	sld [smem:$0x3FB2]  }
0x2f: {  	lr =	sadd.s32 s0, s3;
	s0 =	sld [smem:$0x3FA9]  }
0x30: {  	s3 =	sld [smem:$0x3FAC]  }
0x31: {  	[smem:$0x3FB5] =	sst s10  }
0x32: {  	s10 =	sld [smem:$0x3FB3];
	_ =	sdelay $0x3  }
0x33: {  	p0 =	seq.s32 s10, $0x1;
	s10 =	sld [smem:$0x3FB5];
	_ =	sdelay $0x3  }
0x34: {  	[smem:$0x3FB5] =	sst s10  }
0x35: {  	s10 =	sld [smem:$0x3FB4];
	_ =	sdelay $0x3  }
0x36: {  	p1 =	seq.s32 s10, $0x1;
	s10 =	sld [smem:$0x3FB5];
	_ =	sdelay $0x3  }
0x37: {  	[smem:$0x3FB5] =	sst s10  }
0x38: {  	s10 =	sld [smem:$0x3FB6]  }
0x39: {  	_ = 	snop;
	(pc) =	sbr.ind lr, $3  }
0x3a: {  	_ = 	snop  }
0x3b: {  	_ = 	snop  }
0x3c: {  	p2 =	seq.s32 s10, $0x1;
	s10 =	sld [smem:$0x3FB5]  }
0x3d: {  	_ =	shalt  }
0x3e: {  	_ =	shalt  }
0x3f: {  	_ =	shalt  }
0x40: {  	_ =	shalt  }
0x41: {  	_ =	shalt  }
0x42: {  	_ =	shalt  }
0x43: {  	_ =	shalt  }
0x44: {  	_ =	shalt  }
0x45: {  	_ =	shalt  }
0x46: {  	_ =	shalt  }
0x47: {  	_ =	shalt  }
0x48: {  	_ =	shalt  }
0x49: {  	_ =	shalt  }
0x4a: {  	_ =	shalt  }
0x4b: {  	_ =	shalt  }
0x4c: {  	_ =	shalt  }
0x4d: {  	_ =	shalt  }
0x4e: {  	_ =	shalt  }
0x4f: {  	_ =	shalt  }
0x50: {  	_ =	shalt  }
0x51: {  	_ =	shalt  }
0x52: {  	_ =	shalt  }
0x53: {  	_ =	shalt  }
0x54: {  	_ =	shalt  }
0x55: {  	_ =	shalt  }
0x56: {  	_ =	shalt  }
0x57: {  	_ =	shalt  }
0x58: {  	_ =	shalt  }
0x59: {  	_ =	shalt  }
0x5a: {  	_ =	shalt  }
0x5b: {  	_ =	shalt  }
0x5c: {  	_ =	shalt  }
0x5d: {  	_ =	shalt  }
0x5e: {  	_ =	shalt  }
0x5f: {  	_ =	shalt  }
0x60: {  	_ =	shalt  }
0x61: {  	_ =	shalt  }
0x62: {  	_ =	shalt  }
0x63: {  	_ =	shalt  }
0x64: {  	_ =	shalt  }
0x65: {  	_ =	shalt  }
0x66: {  	_ =	shalt  }
0x67: {  	_ =	shalt  }
0x68: {  	_ =	shalt  }
0x69: {  	_ =	shalt  }
0x6a: {  	_ =	shalt  }
0x6b: {  	_ =	shalt  }
0x6c: {  	_ =	shalt  }
0x6d: {  	_ =	shalt  }
0x6e: {  	_ =	shalt  }
0x6f: {  	_ =	shalt  }
0x70: {  	_ =	shalt  }
0x71: {  	_ =	shalt  }
0x72: {  	_ =	shalt  }
0x73: {  	_ =	shalt  }
0x74: {  	_ =	shalt  }
0x75: {  	_ =	shalt  }
0x76: {  	_ =	shalt  }
0x77: {  	_ =	shalt  }
0x78: {  	_ =	shalt  }
0x79: {  	_ =	shalt  }
0x7a: {  	_ =	shalt  }
0x7b: {  	_ =	shalt  }
0x7c: {  	_ =	shalt  }
0x7d: {  	_ =	shalt  }
0x7e: {  	_ =	shalt  }
0x7f: {  	_ =	shalt  }
0x80: {  	_ =	shalt  }
0x81: {  	_ =	shalt  }
0x82: {  	_ =	shalt  }
0x83: {  	_ =	shalt  }
0x84: {  	_ =	shalt  }
0x85: {  	_ =	shalt  }
0x86: {  	_ =	shalt  }
0x87: {  	_ =	shalt  }
.Lfunc_end0:
.L_simem_size_0:
called_computation.1_lowered:
.L_overlay_start_0:
0x88: {  	s2 =	sld [smem:$0x3FD9]  }
0x89: {  	s3 =	sld [smem:$0x3FFE];
	_ =	sdelay $0x1  }
0x8a: {  	s1 =	srdreg.scid  }
0x8b: {  	s0 =	sand.u32 $0x1, s1  }
0x8c: {  	s17 =	sshll.u32 s0, $0xA;
	s2 =	sadd.s32 s3, s2  }
0x8d: {  	s2 =	sadd.s32 s2, s17  }
0x8e: {  	[smem:$0x3FC1] =	sst s2  }
0x8f: {  	_ = 	snop  }
0x90: {  	s2 =	sld [smem:$0x3FC4]  }
0x91: {  	s18 =	sld [smem:$0x3FC3]  }
0x92: {  	s4 =	sld [smem:$0x3FD0];
	(tm) =	ssettm $0x1  }
0x93: {  	s5 =	sld [smem:$0x3FFB];
	_ =	sdelay $0x3  }
0x94: {  	_ =	strace s5  }
0x95: {  	s5 =	sld [smem:$0x3FFC];
	_ =	sdelay $0x3  }
0x96: {  	_ =	strace s5  }
0x97: {  	s5 =	sld [smem:$0x3FFD];
	_ =	sdelay $0x3  }
0x98: {  	_ =	strace s5  }
0x99: {  	_ =	strace $0x8FFFFFFF  }
0x9a: {  	s19 =	sld [smem:$0x3FDB];
	_ =	sdelay $0x1  }
0x9b: {  	s6 =	simm.s32 $_scs_section_size  }
0x9c: {  	s7 =	simm.s32 $_size__tile_overlayer_lowered;
	s8 =	simm.s32 $_tile_overlayer_lowered  }
0x9d: {  	s22 =	simm.s32 $0x1BFF;
	s21 =	sshll.u32 s8, $0x1;
	s5 =	sadd.s32 s6, s19  }
0x9e: {  	s9 =	simm.s32 $0x0;
	s20 =	sshll.u32 s7, $0x1;
	s7 =	sadd.s32 s21, s5  }
0x9f: {  	[timem:s9], [sflag:s22] =	dma.local [hbm:s7], s20  }
0xa0: {  	_ =	swait.ge [sflag:s22], s20  }
0xa1: {  	s6 =	ssub.s32 $0x0, s20;
	[sflag:s22] =	ssyncset.done $0x0  }
0xa2: {  	[sflag:s22] =	ssyncadd.s32 s6;
	_ =	sdelay $0x1  }
0xa3: {  	s23 =	simm.s32 $0x1B8B  }
0xa4: {  	_ =	swait.ge [sflag:s23], $0x1  }
0xa5: {  	[sflag:s23] =	ssyncset.done $0x0  }
0xa6: {  	s25 =	simm.s32 $0x1B8E;
	s24 =	sld [smem:$0x3FFE];
	[sflag:s23] =	ssyncadd.s32 $0xFFFFFFFF  }
0xa7: {  	s26 =	simm.s32 $execute0_lowered;
	[smem:$0x3FD2] =	sst s25  }
0xa8: {  	s7 =	sshll.u32 s26, $0x1;
	_ =	strace $0x80000046;
	[dreg:$0x1] =	wrdreg $0xFFFFFFFF  }
0xa9: {  	s28 =	simm.s32 $_size_execute0_lowered;
	s5 =	sadd.s32 s5, s7;
	[dreg:$0x0] =	wrdreg $0x0  }
0xaa: {  	s7 =	sshll.u32 s28, $0x1;
	[dreg:$0x2] =	wrdreg s5  }
0xab: {  	[dreg:$0x3] =	wrdreg s7  }
0xac: {  	[dreg:$0x4] =	wrdreg $0xC0  }
0xad: {  	_ =	task [dreg:s9], $0x5FFFF  }
0xae: {  	[dreg:$0x1] =	wrdreg $0xFFFFFFFF  }
0xaf: {  	[dreg:$0x0] =	wrdreg $0x60  }
0xb0: {  	[dreg:$0x2] =	wrdreg s24  }
0xb1: {  	[dreg:$0x3] =	wrdreg s2  }
0xb2: {  	[dreg:$0x4] =	wrdreg s18  }
0xb3: {  	[dreg:$0x5] =	wrdreg s4  }
0xb4: {  	[dreg:$0x6] =	wrdreg $0x9  }
0xb5: {  	_ =	task.clear_ibuf [dreg:s9], $0x7FFFF;
	_ =	strace $0x90000046  }
0xb6: {  	s29 =	simm.s32 $0x9;
	_ =	strace $0x80000048  }
0xb7: {  	_ =	swait.ge [sflag:s29], $0x1  }
0xb8: {  	[sflag:s29] =	ssyncadd.s32 $0xFFFFFFFF  }
0xb9: {  	_ =	strace $0x90000048  }
0xba: {  	_ =	sfence  }
0xbb: {  	s30 =	sld [smem:$0x0];
	_ =	sdelay $0x2  }
0xbc: {  	s31 =	sshll.u32 s1, $0xD;
	s1 =	sshrl.u32 s1, $0x2  }
0xbd: {  	s3 =	sand.u32 $0x4000, s31;
	s1 =	sadd.s32 s1, s30  }
0xbe: {  	s0 =	sor.u32 s3, s0;
	s1 =	sshll.u32 s1, $0x11  }
0xbf: {  	s0 =	sor.u32 s1, s0  }
0xc0: {  	s0 =	sadd.s32 $0x8F2B, s0  }
0xc1: {  	[sflag:s0] =	ssyncadd.remote.s32 $0x1  }
0xc2: {  	_ =	sfence.sel $0xFFFF  }
0xc3: {  	[dreg:$0x0] =	wrdreg $0xFFFFFFFF;
	(pc) =	sbr.abs _section_cstart, $3  }
0xc4: {  	[dreg:$0x1] =	wrdreg $0xFFFFFFFF  }
0xc5: {  	_ =	task.clear_ibuf [dreg:s9], $0x2FFFF;
	_ =	strace $0x9FFFFFFF  }
0xc6: {  	(tm) =	ssettm $0x7FFFFFFF  }
0xc7: {  	_ =	shalt  }
tec
execute0_lowered:
.L_overlay_start_1:
0x0: {  	(tag) =	ssettag $0x1  }
0x1: {  	s0 =	rddreg [dreg:$0x0];
	s1 =	srdreg.scid  }
0x2: {  	s2 =	stileid.u32;
	s4 =	rddreg [dreg:$0x3]  }
0x3: {  	s5 =	simm.s32 $0x0;
	s12 =	simm.s32 $0x5;
	s16 =	simm.s32 $0x80  }
0x4: {  	s17 =	simm.s32 $0x8000;
	s19 =	simm.s32 $0xA000;
	s20 =	simm.s32 $0xE000  }
0x5: {  	s21 =	simm.s32 $0x1;
	s1 =	sand.u32 $0x1, s1;
	s2 =	sshll.u32 s2, $0x1  }
0x6: {  	s22 =	simm.s32 $0x3;
	s23 =	simm.s32 $0x2;
	s2 =	sor.u32 s1, s2  }
0x7: {  	s24 =	simm.s32 $0x4;
	[smem:$0x7FF] =	sst s5;
	s3 =	sshll.u32 s2, $0xB  }
0x8: {  	s6 =	sadd.s32 $0xF43600, s0;
	s1 =	ssub.s32 $0x2, s1;
	s3 =	sadd.s32 s3, s0  }
0x9: {  	_ =	strace $0x80000047;
	s8 =	sshrl.u32 s1, $0x1;
	s30 =	sadd.s32 $0x11200, s3  }
0xa: {  	s29 =	ssub.s32 s1, s8;
	s31 =	sadd.s32 $0x1200, s3;
	[dreg:$0x5] =	wrdreg s30  }
0xb: {  	s7 =	sadd.s32 $0x21200, s0;
	s0 =	smax.u32 s29, $0x1;
	[dreg:$0x6] =	wrdreg s31  }
0xc: {  	s25 =	simm.s32 $0x0;
	s10 =	sshll.u32 s2, $0x11;
	[dreg:$0x7] =	wrdreg s0  }
.LBB2_1:
0xd: {  	s0 =	rddreg [dreg:$0x5]  }
0xe: {  	[tilespmem:s5], [sflag:$0x5] =	stream.linear.gather [hbm4b:s0+s5], $0x4000, $0x38;
	[tilespmem:$0x12080] =	vst v63  }
0xf: {  	_ =	swait.ge [sflag:s12], $0x4000  }
0x10: {  	[sflag:s12] =	ssyncset.done $0x0  }
0x11: {  	s1 =	simm.s32 $0x4000;
	s26 =	rddreg [dreg:$0x6];
	[sflag:s12] =	ssyncadd.s32 $0xFFFFC000  }
0x12: {  	[tilespmem:s1], [sflag:$0x5] =	stream.linear.gather [hbm4b:s26+s5], $0x4000, $0x38;
	[tilespmem:$0x12080] =	vst v63  }
0x13: {  	_ =	swait.ge [sflag:s12], $0x4000  }
0x14: {  	[sflag:s12] =	ssyncset.done $0x0  }
0x15: {  	[sflag:s12] =	ssyncadd.s32 $0xFFFFC000  }
0x16: {  	s2 =	simm.s32 $0x10000;
	s28 =	rddreg [dreg:$0x1]  }
0x17: {  	[tilespmem:s2], [sflag:$0x5] =	stream.linear.gather [hbm4b:s28+s5], $0x40, $0x38;
	[tilespmem:$0x12080] =	vst v63  }
0x18: {  	_ =	swait.ge [sflag:s12], $0x40  }
0x19: {  	[sflag:s12] =	ssyncset.done $0x0  }
0x1a: {  	[sflag:s12] =	ssyncadd.s32 $0xFFFFFFC0  }
0x1b: {  	s30 =	simm.s32 $0x10040;
	s29 =	rddreg [dreg:$0x2]  }
0x1c: {  	[tilespmem:s30], [sflag:$0x5] =	stream.linear.gather [hbm4b:s29+s5], $0x40, $0x38;
	[tilespmem:$0x12080] =	vst v63  }
0x1d: {  	_ =	swait.ge [sflag:s12], $0x40  }
0x1e: {  	[sflag:s12] =	ssyncset.done $0x0  }
0x1f: {  	[sflag:s12] =	ssyncadd.s32 $0xFFFFFFC0  }
0x20: {  	v1 =	vld [tilespmem:$0x10000]  }
0x21: {  	v2 =	vld [tilespmem:$0x10010]  }
0x22: {  	v3 =	vld [tilespmem:$0x10020]  }
0x23: {  	v4 =	vld [tilespmem:$0x10030]  }
0x24: {  	v5 =	vld [tilespmem:$0x10040]  }
0x25: {  	v45 =	vld [tilespmem:$0x10070]  }
0x26: {  	v7 =	vld [tilespmem:$0x10060]  }
0x27: {  	v6 =	vld [tilespmem:$0x10050];
	[tilespmem:s17], [sflag:$0x1] =	stream.indirect.gather [hbm4b:s6+s16], $0x40, s5, s16, $0xb8  }
0x28: {  	s31 =	simm.s32 $0xC000  }
0x29: {  	[tilespmem:s31], [sflag:$0x1] =	stream.indirect.gather [hbm4b:s7+s16], $0x40, s1, s16, $0xb8;
	[tilespmem:$0x12080] =	vst v63  }
0x2a: {  	[tilespmem:$0x1FFE0] =	vst v45  }
0x2b: {  	s26 =	simm.s32 $0x0;
	[tilespmem:$0x1FFF0] =	vst v7  }
.LBB2_2:
0x2c: {  	p0 =	seq.s32 s26, $0x0  }
0x2d: {  	s0 =	simm.s32 @!p0 $0x4  }
0x2e: {  	s1 =	sshll.u32 s26, $0x1;
	_ =	swait.ge @!p0 [sflag:s0], $0x2000  }
0x2f: {  	s28 =	sor.u32 $0x1, s1;
	[sflag:s0] =	ssyncset.done @!p0 $0x0  }
0x30: {  	s31 =	sshll.u32 s28, $0x7;
	[sflag:s0] =	ssyncadd.s32 @!p0 $0xFFFFE000  }
0x31: {  	[tilespmem:s19], [sflag:$0x2] =	stream.indirect.gather [hbm4b:s6+s16], $0x40, s31, s16, $0xb8;
	[tilespmem:$0x12080] =	vst v63  }
0x32: {  	s0 =	sadd.s32 $0x4000, s31  }
0x33: {  	[tilespmem:s20], [sflag:$0x2] =	stream.indirect.gather [hbm4b:s7+s16], $0x40, s0, s16, $0xb8;
	[tilespmem:$0x12080] =	vst v63  }
0x34: {  	_ =	swait.ge [sflag:s21], $0x2000  }
0x35: {  	[sflag:s21] =	ssyncset.done $0x0  }
0x36: {  	[sflag:s21] =	ssyncadd.s32 $0xFFFFE000  }
0x37: {  	_ =	swait.ge [sflag:s21], $0x2000  }
0x38: {  	[sflag:s21] =	ssyncset.done $0x0  }
0x39: {  	s29 =	simm.s32 $0x0;
	[sflag:s21] =	ssyncadd.s32 $0xFFFFE000  }
.LBB2_3:
0x3a: {  	s31 =	sshll.u32 s29, $0x6  }
0x3b: {  	v8 =	vld [tilespmem:s31+$0x8000]  }
0x3c: {  	v9 =	vld [tilespmem:s31+$0xC000]  }
0x3d: {  	v10 =	vld [tilespmem:s31+$0x8010]  }
0x3e: {  	v11 =	vld [tilespmem:s31+$0xC010]  }
0x3f: {  	v12 =	vld [tilespmem:s31+$0x8020]  }
0x40: {  	v13 =	vld [tilespmem:s31+$0xC020]  }
0x41: {  	s0 =	sor.u32 $0x1, s29;
	v14 =	vld [tilespmem:s31+$0x8030]  }
0x42: {  	v15 =	vld [tilespmem:s31+$0xC030];
	s30 =	sshll.u32 s0, $0x6  }
0x43: {  	v16 =	vld [tilespmem:s30+$0x8000]  }
0x44: {  	v17 =	vld [tilespmem:s30+$0xC000]  }
0x45: {  	v37 =	vld [tilespmem:s30+$0xC010]  }
0x46: {  	v38 =	vld [tilespmem:s30+$0x8020]  }
0x47: {  	v31 =	vadd.f32 v9, v8;
	v30 =	vadd.f32 v11, v10;
	v8 =	vld [tilespmem:s30+$0x8010]  }
0x48: {  	v39 =	vld [tilespmem:s30+$0xC020];
	v18 =	vadd.f32 v13, v12  }
0x49: {  	v42 =	vld [tilespmem:s30+$0x8030];
	v10 =	vadd.f32 v30, v31;
	v40 =	vmul.f32 v31, v31;
	v41 =	vmul.f32 v30, v30  }
0x4a: {  	v22 =	vld [tilespmem:s30+$0xC030];
	v20 =	vadd.f32 v15, v14;
	v19 =	vadd.f32 v17, v16  }
0x4b: {  	v43 =	vmul.f32 v18, v18;
	v10 =	vadd.f32 v18, v10;
	v13 =	vadd.f32 v41, v40  }
0x4c: {  	v46 =	vmul.f32 v19, v19;
	v14 =	vadd.f32 v37, v8  }
0x4d: {  	s1 =	sor.u32 $0x2, s29;
	v8 =	vmul.f32 v20, v20;
	v23 =	vadd.f32 v20, v10;
	v44 =	vadd.f32 v43, v13  }
0x4e: {  	s9 =	sshll.u32 s29, $0x5;
	s14 =	sshll.u32 s0, $0x5;
	s0 =	sshll.u32 s1, $0x6;
	v10 =	vadd.f32 v39, v38;
	v45 =	vadd.f32 v14, v19;
	v47 =	vmul.f32 v14, v14  }
0x4f: {  	v57 =	vld [tilespmem:s0+$0x8000];
	v0 =	vadd.f32 v22, v42;
	v8 =	vadd.f32 v8, v44;
	[tilespmem:s9+$0x10080] =	vst v23  }
0x50: {  	v58 =	vld [tilespmem:s0+$0xC000];
	v49 =	vmul.f32 v10, v10;
	[tilespmem:s9+$0x10090] =	vst v23;
	v48 =	vadd.f32 v10, v45;
	v12 =	vadd.f32 v47, v46  }
0x51: {  	v50 =	vld [tilespmem:s9+$0x10088];
	[tilespmem:s9+$0x11080] =	vst v8  }
0x52: {  	v25 =	vld [tilespmem:s0+$0x8010];
	v15 =	vmul.f32 v0, v0;
	[tilespmem:s9+$0x11090] =	vst v8;
	v9 =	vadd.f32 v0, v48;
	v11 =	vadd.f32 v49, v12  }
0x53: {  	v51 =	vld [tilespmem:s9+$0x11088]  }
0x54: {  	v26 =	vld [tilespmem:s0+$0xC010];
	v11 =	vadd.f32 v15, v11;
	[tilespmem:s14+$0x10080] =	vst v9  }
0x55: {  	v27 =	vld [tilespmem:s0+$0x8020];
	[tilespmem:s14+$0x10090] =	vst v9  }
0x56: {  	v52 =	vld [tilespmem:s14+$0x10088];
	v13 =	vadd.f32 v50, v23;
	[tilespmem:s14+$0x11080] =	vst v11  }
0x57: {  	v28 =	vld [tilespmem:s0+$0xC020];
	[tilespmem:s14+$0x11090] =	vst v11  }
0x58: {  	v53 =	vld [tilespmem:s14+$0x11088];
	v8 =	vadd.f32 v51, v8;
	[tilespmem:s9+$0x10080] =	vst v13  }
0x59: {  	v29 =	vld [tilespmem:s0+$0x8030];
	[tilespmem:s9+$0x10090] =	vst v13  }
0x5a: {  	v54 =	vld [tilespmem:s9+$0x10084];
	[tilespmem:s9+$0x11080] =	vst v8  }
0x5b: {  	s3 =	sor.u32 $0x3, s29;
	v32 =	vld [tilespmem:s0+$0xC030];
	[tilespmem:s9+$0x11090] =	vst v8;
	v9 =	vadd.f32 v52, v9  }
0x5c: {  	s2 =	sshll.u32 s3, $0x6;
	v17 =	vadd.f32 v58, v57;
	v16 =	vadd.f32 v26, v25;
	[tilespmem:$0x1FFD0] =	vst v0;
	v55 =	vld [tilespmem:s9+$0x11084]  }
0x5d: {  	v33 =	vld [tilespmem:s2+$0x8000];
	v11 =	vadd.f32 v53, v11;
	[tilespmem:s14+$0x10080] =	vst v9  }
0x5e: {  	v34 =	vld [tilespmem:s2+$0xC000];
	v62 =	vadd.f32 v16, v17;
	v15 =	vadd.f32 v28, v27;
	[tilespmem:s14+$0x10090] =	vst v9  }
0x5f: {  	v59 =	vld [tilespmem:s2+$0x8010];
	v40 =	vmul.f32 v17, v17;
	v41 =	vmul.f32 v16, v16;
	v60 =	vadd.f32 v54, v13;
	[tilespmem:s14+$0x11080] =	vst v11  }
0x60: {  	v61 =	vld [tilespmem:s2+$0xC010];
	v27 =	vadd.f32 v15, v62;
	v13 =	vadd.f32 v32, v29;
	[tilespmem:s14+$0x11090] =	vst v11  }
0x61: {  	v63 =	vld [tilespmem:s2+$0x8020];
	v37 =	vmul.f32 v15, v15;
	v29 =	vadd.f32 v41, v40;
	v22 =	vadd.f32 v55, v8;
	[tilespmem:s9+$0x10080] =	vst v60  }
0x62: {  	v56 =	vld [tilespmem:s14+$0x10084];
	[tilespmem:s9+$0x10090] =	vst v60;
	v27 =	vadd.f32 v13, v27  }
0x63: {  	s13 =	sshll.u32 s1, $0x5;
	v35 =	vld [tilespmem:s2+$0x8030];
	v42 =	vmul.f32 v13, v13;
	v43 =	vadd.f32 v37, v29;
	[tilespmem:s9+$0x11080] =	vst v22  }
0x64: {  	v24 =	vld [tilespmem:s14+$0x11084];
	[tilespmem:s13+$0x10080] =	vst v27  }
0x65: {  	v36 =	vld [tilespmem:s2+$0xC030];
	v25 =	vadd.f32 v42, v43;
	[tilespmem:s13+$0x10090] =	vst v27  }
0x66: {  	[tilespmem:s9+$0x11090] =	vst v22;
	v48 =	vld [tilespmem:s13+$0x10088]  }
0x67: {  	v8 =	vld [tilespmem:s2+$0xC020];
	v23 =	vadd.f32 v56, v9;
	[tilespmem:s13+$0x11080] =	vst v25  }
0x68: {  	v54 =	vld [tilespmem:s9+$0x11082];
	[tilespmem:s13+$0x11090] =	vst v25  }
0x69: {  	s8 =	sor.u32 $0x4, s29;
	v24 =	vadd.f32 v24, v11;
	[tilespmem:s14+$0x10080] =	vst v23  }
0x6a: {  	s15 =	sshll.u32 s3, $0x5;
	s3 =	sshll.u32 s8, $0x6;
	v53 =	vld [tilespmem:s9+$0x10082];
	v9 =	vadd.f32 v61, v59;
	v11 =	vadd.f32 v34, v33;
	[tilespmem:s14+$0x10090] =	vst v23  }
0x6b: {  	v12 =	vadd.f32 v36, v35;
	v40 =	vld [tilespmem:s3+$0x8000];
	[tilespmem:s14+$0x11080] =	vst v24;
	v27 =	vadd.f32 v48, v27  }
0x6c: {  	v41 =	vld [tilespmem:s3+$0xC000];
	v8 =	vadd.f32 v8, v63;
	v44 =	vadd.f32 v9, v11;
	[tilespmem:s14+$0x11090] =	vst v24  }
0x6d: {  	v42 =	vld [tilespmem:s3+$0x8010];
	v46 =	vmul.f32 v9, v9;
	v45 =	vmul.f32 v11, v11;
	v35 =	vadd.f32 v54, v22;
	[tilespmem:s13+$0x10080] =	vst v27  }
0x6e: {  	v43 =	vld [tilespmem:s3+$0xC010];
	v28 =	vadd.f32 v8, v44;
	[tilespmem:s13+$0x10090] =	vst v27  }
0x6f: {  	s11 =	sor.u32 $0x5, s29;
	v59 =	vld [tilespmem:s3+$0x8020];
	v47 =	vmul.f32 v8, v8;
	v29 =	vadd.f32 v46, v45;
	v44 =	vadd.f32 v53, v60;
	[tilespmem:s9+$0x11080] =	vst v35  }
0x70: {  	s1 =	sshll.u32 s11, $0x6;
	v50 =	vld [tilespmem:s13+$0x11088];
	[tilespmem:s9+$0x11090] =	vst v35  }
0x71: {  	v49 =	vmul.f32 v12, v12;
	v61 =	vld [tilespmem:s1+$0xC010];
	v28 =	vadd.f32 v12, v28;
	v29 =	vadd.f32 v47, v29;
	[tilespmem:s9+$0x10080] =	vst v44  }
0x72: {  	v55 =	vld [tilespmem:s14+$0x10082];
	[tilespmem:s9+$0x10090] =	vst v44  }
0x73: {  	v56 =	vld [tilespmem:s14+$0x11082];
	v29 =	vadd.f32 v49, v29;
	[tilespmem:s15+$0x10080] =	vst v28  }
0x74: {  	v48 =	vld [tilespmem:s1+$0x8000];
	[tilespmem:s15+$0x10090] =	vst v28  }
0x75: {  	v33 =	vadd.f32 v50, v25;
	v51 =	vld [tilespmem:s15+$0x10088];
	[tilespmem:s15+$0x11080] =	vst v29  }
0x76: {  	v45 =	vld [tilespmem:s3+$0xC020];
	[tilespmem:s15+$0x11090] =	vst v29  }
0x77: {  	v34 =	vadd.f32 v55, v23;
	[tilespmem:s13+$0x11080] =	vst v33;
	v52 =	vld [tilespmem:s15+$0x11088]  }
0x78: {  	v46 =	vld [tilespmem:s3+$0x8030];
	[tilespmem:s13+$0x11090] =	vst v33  }
0x79: {  	v22 =	vadd.f32 v43, v42;
	v47 =	vld [tilespmem:s3+$0xC030];
	v36 =	vadd.f32 v56, v24;
	[tilespmem:s14+$0x10080] =	vst v34  }
0x7a: {  	v25 =	vadd.f32 v41, v40;
	v57 =	vld [tilespmem:s13+$0x10084];
	[tilespmem:s14+$0x10090] =	vst v34;
	v28 =	vadd.f32 v51, v28  }
0x7b: {  	v60 =	vld [tilespmem:s1+$0x8010];
	v43 =	vmul.f32 v22, v22;
	[tilespmem:s14+$0x11080] =	vst v36  }
0x7c: {  	v58 =	vld [tilespmem:s13+$0x11084];
	v24 =	vadd.f32 v45, v59;
	v51 =	vmul.f32 v25, v25;
	v29 =	vadd.f32 v52, v29;
	[tilespmem:s15+$0x10080] =	vst v28  }
0x7d: {  	v53 =	vld [tilespmem:s1+$0xC030];
	[tilespmem:s15+$0x10090] =	vst v28  }
0x7e: {  	v49 =	vld [tilespmem:s1+$0xC000];
	v23 =	vadd.f32 v47, v46;
	v54 =	vmul.f32 v24, v24;
	v43 =	vadd.f32 v43, v51;
	[tilespmem:s15+$0x11080] =	vst v29  }
0x7f: {  	v32 =	vadd.f32 v57, v27;
	v38 =	vld [tilespmem:s15+$0x10084];
	[tilespmem:s15+$0x11090] =	vst v29  }
0x80: {  	[tilespmem:s14+$0x11090] =	vst v36;
	v55 =	vmul.f32 v23, v23;
	v56 =	vadd.f32 v54, v43;
	v39 =	vld [tilespmem:s15+$0x11084]  }
0x81: {  	v62 =	vadd.f32 v22, v25;
	v33 =	vadd.f32 v58, v33;
	[tilespmem:s13+$0x10080] =	vst v32;
	v52 =	vld [tilespmem:s1+$0x8030]  }
0x82: {  	v63 =	vld [tilespmem:s1+$0x8020];
	[tilespmem:s13+$0x10090] =	vst v32;
	v41 =	vadd.f32 v55, v56  }
0x83: {  	s8 =	sshll.u32 s8, $0x5;
	v50 =	vld [tilespmem:s1+$0xC020];
	v26 =	vadd.f32 v24, v62;
	[tilespmem:s13+$0x11080] =	vst v33  }
0x84: {  	v27 =	vadd.f32 v49, v48;
	v38 =	vadd.f32 v38, v28;
	[tilespmem:s8+$0x11080] =	vst v41  }
0x85: {  	v62 =	vld [tilespmem:s9+$0x11081];
	[tilespmem:s8+$0x11090] =	vst v41;
	v46 =	vadd.f32 v39, v29;
	v39 =	vadd.f32 v23, v26  }
0x86: {  	v26 =	vadd.f32 v61, v60;
	[tilespmem:s15+$0x10080] =	vst v38;
	v29 =	vadd.f32 v53, v52;
	v53 =	vld [tilespmem:s8+$0x11088]  }
0x87: {  	[tilespmem:s15+$0x10090] =	vst v38;
	v60 =	vld [tilespmem:s9+$0x10081]  }
0x88: {  	v28 =	vadd.f32 v50, v63;
	v57 =	vadd.f32 v26, v27;
	[tilespmem:s15+$0x11080] =	vst v46  }
0x89: {  	v58 =	vmul.f32 v27, v27;
	v56 =	vld [tilespmem:s14+$0x10081];
	v59 =	vmul.f32 v26, v26;
	[tilespmem:s8+$0x10080] =	vst v39  }
0x8a: {  	v35 =	vadd.f32 v62, v35;
	v62 =	vld [tilespmem:s15+$0x10082];
	[tilespmem:s8+$0x10090] =	vst v39;
	v37 =	vadd.f32 v28, v57  }
0x8b: {  	v61 =	vmul.f32 v28, v28;
	[tilespmem:s15+$0x11090] =	vst v46;
	v63 =	vld [tilespmem:s8+$0x10088];
	v42 =	vadd.f32 v59, v58;
	v41 =	vadd.f32 v53, v41  }
0x8c: {  	[tilespmem:s13+$0x11090] =	vst v33;
	v50 =	vld [tilespmem:s15+$0x11082];
	v52 =	vadd.f32 v60, v44  }
0x8d: {  	v21 =	vmul.f32 v29, v29;
	v59 =	vld [tilespmem:s14+$0x11081];
	v37 =	vadd.f32 v29, v37;
	v40 =	vadd.f32 v61, v42;
	[tilespmem:s8+$0x11080] =	vst v41  }
0x8e: {  	s18 =	sshll.u32 s11, $0x5;
	s11 =	sor.u32 $0x6, s29;
	v60 =	vld [tilespmem:s13+$0x10082];
	[tilespmem:s8+$0x11090] =	vst v41  }
0x8f: {  	s14 =	sshll.u32 s11, $0x6;
	v61 =	vld [tilespmem:s13+$0x11082];
	v54 =	vadd.f32 v21, v40;
	[tilespmem:s18+$0x10080] =	vst v37;
	v40 =	vmul.f32 $1.562500000e-02, v52  }
0x90: {  	v35 =	vmul.f32 $1.562500000e-02, v35;
	v42 =	vld [tilespmem:s14+$0xC010];
	[tilespmem:s18+$0x10090] =	vst v37  }
0x91: {  	v38 =	vadd.f32 v62, v38;
	v62 =	vld [tilespmem:s14+$0xC020];
	v45 =	vadd.f32 v63, v39;
	[tilespmem:s18+$0x11080] =	vst v54;
	v57 =	vmul.f32 v40, v40  }
0x92: {  	v52 =	vld [tilespmem:s8+$0x11084];
	[tilespmem:s18+$0x11090] =	vst v54  }
0x93: {  	[tilespmem:s8+$0x10080] =	vst v45;
	v58 =	vld [tilespmem:s18+$0x11088];
	v35 =	vsub.f32 v35, v57  }
0x94: {  	v34 =	vadd.f32 v56, v34;
	v55 =	vld [tilespmem:s18+$0x10088];
	[tilespmem:s8+$0x10090] =	vst v45  }
0x95: {  	v46 =	vadd.f32 v50, v46;
	[tilespmem:s15+$0x10080] =	vst v38;
	v21 =	vld [tilespmem:s8+$0x10084];
	v35 =	vadd.f32 $9.999999960e-13, v35  }
0x96: {  	v39 =	vmul.f32 $1.562500000e-02, v34;
	v34 =	vld [tilespmem:s14+$0x8000];
	[tilespmem:s15+$0x10090] =	vst v38;
	v36 =	vadd.f32 v59, v36  }
0x97: {  	[tilespmem:s15+$0x11080] =	vst v46;
	v44 =	vadd.f32 v61, v33;
	v33 =	vld [tilespmem:s14+$0xC000];
	v63 =	vshrl.u32 v35, $0x1;
	v51 =	vmul.f32 $5.000000000e-01, v35  }
0x98: {  	v59 =	vmul.f32 v39, v39;
	[tilespmem:s15+$0x11090] =	vst v46;
	v61 =	vld [tilespmem:s14+$0x8020];
	v47 =	vadd.f32 v58, v54;
	v48 =	vsub.s32 $0x5F3759DF, v63  }
0x99: {  	v36 =	vmul.f32 $1.562500000e-02, v36;
	v57 =	vld [tilespmem:s14+$0x8030];
	[tilespmem:s13+$0x11080] =	vst v44;
	v53 =	vmul.f32 v48, v51  }
0x9a: {  	v37 =	vadd.f32 v55, v37;
	v45 =	vadd.f32 v21, v45;
	v21 =	vld [tilespmem:s14+$0xC030];
	[tilespmem:s18+$0x11080] =	vst v47  }
0x9b: {  	v54 =	vadd.f32 v60, v32;
	v60 =	vsub.f32 v36, v59;
	[tilespmem:s18+$0x11090] =	vst v47;
	v58 =	vmul.f32 v48, v53;
	v53 =	vld [tilespmem:s14+$0x8010]  }
0x9c: {  	v31 =	vsub.f32 v31, v40;
	v18 =	vsub.f32 v18, v40;
	[tilespmem:s13+$0x11090] =	vst v44;
	v55 =	vld [tilespmem:s18+$0x11084]  }
0x9d: {  	[tilespmem:s18+$0x10080] =	vst v37;
	v56 =	vadd.f32 $9.999999960e-13, v60;
	v32 =	vsub.f32 $1.500000000e+00, v58  }
0x9e: {  	v14 =	vsub.f32 v14, v39;
	v52 =	vadd.f32 v52, v41;
	[tilespmem:s18+$0x10090] =	vst v37  }
0x9f: {  	v33 =	vadd.f32 v33, v34;
	v43 =	vld [tilespmem:s18+$0x10084];
	[tilespmem:s13+$0x10080] =	vst v54;
	v48 =	vmul.f32 v48, v32;
	v32 =	vshrl.u32 v56, $0x1  }
0xa0: {  	v34 =	vadd.f32 v62, v61;
	[tilespmem:s8+$0x10080] =	vst v45;
	v41 =	vsub.s32 $0x5F3759DF, v32;
	v32 =	vadd.f32 v42, v53  }
0xa1: {  	[tilespmem:s8+$0x10090] =	vst v45;
	v35 =	vadd.f32 v21, v57;
	v21 =	vld [tilespmem:s13+$0x11081];
	v47 =	vadd.f32 v55, v47;
	v53 =	vmul.f32 $5.000000000e-01, v56  }
0xa2: {  	[tilespmem:s13+$0x10090] =	vst v54;
	v57 =	vld [tilespmem:s8+$0x10082];
	v42 =	vmul.f32 v33, v33;
	v63 =	vmul.f32 v48, v51;
	v60 =	vadd.f32 v32, v33  }
0xa3: {  	v10 =	vsub.f32 v10, v39;
	v58 =	vld [tilespmem:s15+$0x11081];
	[tilespmem:s18+$0x11080] =	vst v47;
	v61 =	vmul.f32 v32, v32;
	v62 =	vmul.f32 v41, v53  }
0xa4: {  	v37 =	vadd.f32 v43, v37;
	[tilespmem:s18+$0x11090] =	vst v47;
	v50 =	vmul.f32 v63, v48;
	v63 =	vld [tilespmem:s13+$0x10081];
	v36 =	vadd.f32 v34, v60  }
0xa5: {  	[tilespmem:s8+$0x11080] =	vst v52;
	v56 =	vld [tilespmem:s18+$0x11082];
	v60 =	vmul.f32 v34, v34;
	v42 =	vadd.f32 v61, v42;
	v49 =	vmul.f32 v41, v62  }
0xa6: {  	[tilespmem:s8+$0x11090] =	vst v52;
	v61 =	vsub.f32 $1.500000000e+00, v50;
	v50 =	vld [tilespmem:s15+$0x10081];
	s15 =	sor.u32 $0x7, s29;
	v36 =	vadd.f32 v35, v36  }
0xa7: {  	s9 =	sshll.u32 s11, $0x5;
	v59 =	vmul.f32 v35, v35;
	[tilespmem:s18+$0x10080] =	vst v37;
	v42 =	vadd.f32 v60, v42;
	v62 =	vsub.f32 $1.500000000e+00, v49;
	v49 =	vld [tilespmem:s8+$0x11082];
	s11 =	sshll.u32 s15, $0x6  }
0xa8: {  	[tilespmem:s18+$0x10090] =	vst v37;
	v44 =	vadd.f32 v21, v44;
	v45 =	vadd.f32 v57, v45;
	v43 =	vmul.f32 v61, v48;
	v0 =	vld [tilespmem:s11+$0xC010]  }
0xa9: {  	v59 =	vadd.f32 v59, v42;
	[tilespmem:s9+$0x10080] =	vst v36;
	v63 =	vadd.f32 v63, v54;
	v54 =	vld [tilespmem:s18+$0x10082];
	v48 =	vmul.f32 v41, v62  }
0xaa: {  	v46 =	vadd.f32 v58, v46;
	v44 =	vmul.f32 $1.562500000e-02, v44;
	[tilespmem:s9+$0x10090] =	vst v36;
	v62 =	vld [tilespmem:s11+$0x8000];
	v51 =	vmul.f32 v43, v51  }
0xab: {  	v47 =	vadd.f32 v56, v47;
	v55 =	vld [tilespmem:s9+$0x10088];
	[tilespmem:s9+$0x11080] =	vst v59;
	v41 =	vmul.f32 $1.562500000e-02, v63;
	v21 =	vmul.f32 v48, v53  }
0xac: {  	[tilespmem:s9+$0x11090] =	vst v59;
	v63 =	vld [tilespmem:s11+$0xC000];
	v50 =	vadd.f32 v50, v38;
	v42 =	vmul.f32 v51, v43;
	v49 =	vadd.f32 v49, v52  }
0xad: {  	v60 =	vld [tilespmem:s9+$0x11088];
	v61 =	vmul.f32 v41, v41;
	v51 =	vmul.f32 v21, v48;
	v17 =	vsub.f32 v17, v41  }
0xae: {  	v52 =	vld [tilespmem:s11+$0x8030];
	v42 =	vsub.f32 $1.500000000e+00, v42;
	v54 =	vadd.f32 v54, v37  }
0xaf: {  	v37 =	vld [tilespmem:s11+$0xC030];
	v44 =	vsub.f32 v44, v61;
	v51 =	vsub.f32 $1.500000000e+00, v51  }
0xb0: {  	v16 =	vsub.f32 v16, v41;
	v15 =	vsub.f32 v15, v41;
	v61 =	vld [tilespmem:s11+$0x8010];
	v43 =	vmul.f32 v42, v43  }
0xb1: {  	v13 =	vsub.f32 v13, v41;
	v42 =	vadd.f32 $9.999999960e-13, v44;
	v48 =	vmul.f32 v51, v48  }
0xb2: {  	v44 =	vld [tilespmem:s11+$0x8020];
	v59 =	vadd.f32 v60, v59;
	v38 =	vmul.f32 v43, v31;
	v31 =	vadd.f32 v63, v62  }
0xb3: {  	v51 =	vld [tilespmem:s11+$0xC020];
	v21 =	vshrl.u32 v42, $0x1;
	v58 =	vmul.f32 $5.000000000e-01, v42;
	v42 =	vmul.f32 $1.562500000e-02, v50  }
0xb4: {  	v37 =	vadd.f32 v37, v52;
	v57 =	vsub.s32 $0x5F3759DF, v21;
	v21 =	vsub.f32 v30, v40  }
0xb5: {  	[tilespmem:s8+$0x10080] =	vst v45;
	v30 =	vadd.f32 v0, v61;
	v0 =	vmul.f32 $1.562500000e-02, v46;
	v46 =	vadd.f32 v55, v36  }
0xb6: {  	[tilespmem:s8+$0x10090] =	vst v45;
	v62 =	vmul.f32 v31, v31;
	v38 =	vmul.f32 v38, v1;
	v11 =	vsub.f32 v11, v42  }
0xb7: {  	[tilespmem:s18+$0x11080] =	vst v47;
	v56 =	vmul.f32 v57, v58;
	v9 =	vsub.f32 v9, v42;
	v8 =	vsub.f32 v8, v42  }
0xb8: {  	[tilespmem:s18+$0x11090] =	vst v47;
	v61 =	vmul.f32 v42, v42;
	v12 =	vsub.f32 v12, v42;
	v36 =	vadd.f32 v51, v44  }
0xb9: {  	[tilespmem:s8+$0x11080] =	vst v49;
	v44 =	vadd.f32 v30, v31;
	v63 =	vmul.f32 v30, v30;
	v51 =	vmul.f32 v48, v53  }
0xba: {  	[tilespmem:s9+$0x10080] =	vst v46;
	v38 =	vadd.f32 v38, v5;
	v53 =	vmul.f32 v57, v56;
	v55 =	vsub.f32 v0, v61  }
0xbb: {  	[tilespmem:s9+$0x10090] =	vst v46;
	v56 =	vld [tilespmem:s8+$0x10081];
	v0 =	vmul.f32 v43, v21;
	v44 =	vadd.f32 v36, v44;
	v52 =	vmul.f32 v36, v36  }
0xbc: {  	[tilespmem:s8+$0x11090] =	vst v49;
	v60 =	vld [tilespmem:s9+$0x10084];
	v50 =	vadd.f32 v63, v62;
	v62 =	vmul.f32 v37, v37;
	v51 =	vmul.f32 v51, v48  }
0xbd: {  	[tilespmem:s9+$0x11080] =	vst v59;
	v53 =	vsub.f32 $1.500000000e+00, v53;
	v63 =	vadd.f32 $9.999999960e-13, v55;
	v0 =	vmul.f32 v0, v2  }
0xbe: {  	[tilespmem:s9+$0x11090] =	vst v59;
	v61 =	vadd.f32 v37, v44;
	v50 =	vadd.f32 v52, v50;
	v44 =	vmul.f32 v43, v18  }
0xbf: {  	[tilespmem:s18+$0x10080] =	vst v54;
	v55 =	vld [tilespmem:s9+$0x11084];
	v18 =	vsub.f32 v20, v40;
	v20 =	vsub.f32 $1.500000000e+00, v51;
	v40 =	vmul.f32 v57, v53  }
0xc0: {  	s13 =	sshll.u32 s15, $0x5;
	[tilespmem:s18+$0x10090] =	vst v54;
	v52 =	vld [tilespmem:s8+$0x11081];
	v21 =	vmul.f32 $5.000000000e-01, v63;
	v0 =	vadd.f32 v0, v6;
	v50 =	vadd.f32 v62, v50  }
0xc1: {  	[tilespmem:s13+$0x10080] =	vst v61;
	v62 =	vshrl.u32 v63, $0x1;
	v45 =	vadd.f32 v56, v45;
	v46 =	vadd.f32 v60, v46  }
0xc2: {  	[tilespmem:s13+$0x10090] =	vst v61;
	v48 =	vmul.f32 v20, v48;
	v18 =	vmul.f32 v43, v18;
	v51 =	vsub.s32 $0x5F3759DF, v62  }
0xc3: {  	v60 =	vsub.f32 v19, v39;
	v53 =	vld [tilespmem:s13+$0x10088];
	v56 =	vmul.f32 v40, v58;
	[tilespmem:s13+$0x11080] =	vst v50;
	v57 =	vmul.f32 v51, v21  }
0xc4: {  	[tilespmem:s13+$0x11090] =	vst v50;
	v19 =	vmul.f32 $1.562500000e-02, v45;
	v45 =	vadd.f32 v55, v59;
	v14 =	vmul.f32 v48, v14  }
0xc5: {  	[tilespmem:s9+$0x10080] =	vst v46;
	v49 =	vadd.f32 v52, v49;
	v52 =	vld [tilespmem:s13+$0x11088];
	v55 =	vmul.f32 v56, v40;
	v63 =	vmul.f32 v51, v57  }
0xc6: {  	[tilespmem:s9+$0x10090] =	vst v46;
	v62 =	vmul.f32 v19, v19;
	v25 =	vsub.f32 v25, v19;
	v22 =	vsub.f32 v22, v19  }
0xc7: {  	[tilespmem:s31+$0x8010] =	vst v0;
	v59 =	vld [tilespmem:s9+$0x10082];
	v24 =	vsub.f32 v24, v19;
	v19 =	vsub.f32 v23, v19;
	v49 =	vmul.f32 $1.562500000e-02, v49  }
0xc8: {  	v18 =	vmul.f32 v18, v4;
	v56 =	vld [tilespmem:s18+$0x10081];
	[tilespmem:s9+$0x11080] =	vst v45;
	v20 =	vsub.f32 $1.500000000e+00, v55;
	v53 =	vadd.f32 v53, v61  }
0xc9: {  	[tilespmem:s9+$0x11090] =	vst v45;
	v14 =	vmul.f32 v14, v2;
	v63 =	vsub.f32 $1.500000000e+00, v63;
	v61 =	vsub.f32 v49, v62  }
0xca: {  	v62 =	vld [tilespmem:s9+$0x11082];
	v57 =	vmul.f32 v20, v40;
	v20 =	vmul.f32 v48, v60;
	v50 =	vadd.f32 v52, v50;
	[tilespmem:s13+$0x10080] =	vst v53  }
0xcb: {  	v0 =	vadd.f32 v14, v6;
	v40 =	vmul.f32 v48, v10;
	v52 =	vld [tilespmem:s18+$0x11081];
	[tilespmem:s13+$0x10090] =	vst v53;
	v51 =	vmul.f32 v51, v63  }
0xcc: {  	v46 =	vadd.f32 v59, v46;
	v43 =	vadd.f32 $9.999999960e-13, v61;
	v55 =	vld [tilespmem:s13+$0x10084];
	v63 =	vmul.f32 v57, v58;
	[tilespmem:s13+$0x11080] =	vst v50  }
0xcd: {  	v54 =	vadd.f32 v56, v54;
	v61 =	vld [tilespmem:$0x1FFD0];
	v20 =	vmul.f32 v20, v1;
	v40 =	vmul.f32 v40, v3;
	[tilespmem:s13+$0x11090] =	vst v50  }
0xce: {  	v60 =	vshrl.u32 v43, $0x1;
	v43 =	vmul.f32 $5.000000000e-01, v43;
	v56 =	vld [tilespmem:s13+$0x11084];
	v10 =	vmul.f32 v63, v57  }
0xcf: {  	[tilespmem:s9+$0x10080] =	vst v46;
	v58 =	vsub.s32 $0x5F3759DF, v60;
	v45 =	vadd.f32 v62, v45;
	v62 =	vmul.f32 v51, v21  }
0xd0: {  	[tilespmem:s9+$0x10090] =	vst v46;
	v63 =	vmul.f32 v58, v43;
	v47 =	vadd.f32 v52, v47;
	v52 =	vmul.f32 $1.562500000e-02, v54  }
0xd1: {  	v59 =	vld [tilespmem:s9+$0x10081];
	v10 =	vsub.f32 $1.500000000e+00, v10;
	[tilespmem:s9+$0x11080] =	vst v45;
	v53 =	vadd.f32 v55, v53;
	v49 =	vmul.f32 v62, v51  }
0xd2: {  	v39 =	vsub.f32 v61, v39;
	[tilespmem:s9+$0x11090] =	vst v45;
	v60 =	vmul.f32 v58, v63;
	v47 =	vmul.f32 $1.562500000e-02, v47  }
0xd3: {  	v61 =	vmul.f32 v52, v52;
	v10 =	vmul.f32 v10, v57;
	v50 =	vadd.f32 v56, v50;
	[tilespmem:s13+$0x10080] =	vst v53  }
0xd4: {  	v39 =	vmul.f32 v48, v39;
	v62 =	vsub.f32 $1.500000000e+00, v49;
	[tilespmem:s13+$0x10090] =	vst v53;
	v63 =	vsub.f32 $1.500000000e+00, v60  }
0xd5: {  	v47 =	vsub.f32 v47, v61;
	v60 =	vld [tilespmem:s13+$0x10082];
	v17 =	vmul.f32 v10, v17;
	v16 =	vmul.f32 v10, v16;
	[tilespmem:s13+$0x11080] =	vst v50  }
0xd6: {  	v56 =	vld [tilespmem:s9+$0x11081];
	v46 =	vadd.f32 v59, v46;
	v15 =	vmul.f32 v10, v15;
	v48 =	vmul.f32 v62, v51;
	[tilespmem:s13+$0x11090] =	vst v50  }
0xd7: {  	v13 =	vmul.f32 v10, v13;
	v49 =	vmul.f32 v58, v63;
	v47 =	vadd.f32 $9.999999960e-13, v47;
	v61 =	vld [tilespmem:s13+$0x11082]  }
0xd8: {  	v20 =	vadd.f32 v20, v5;
	v46 =	vmul.f32 $1.562500000e-02, v46;
	v21 =	vmul.f32 v48, v21  }
0xd9: {  	[tilespmem:s30+$0x8010] =	vst v0;
	v0 =	vmul.f32 v16, v2;
	v62 =	vmul.f32 v49, v43;
	v63 =	vshrl.u32 v47, $0x1  }
0xda: {  	v47 =	vmul.f32 $5.000000000e-01, v47;
	v53 =	vadd.f32 v60, v53;
	v21 =	vmul.f32 v21, v48  }
0xdb: {  	v45 =	vadd.f32 v56, v45;
	v56 =	vsub.s32 $0x5F3759DF, v63;
	v58 =	vmul.f32 v62, v49  }
0xdc: {  	v59 =	vmul.f32 v56, v47;
	v50 =	vadd.f32 v61, v50;
	[tilespmem:s13+$0x10080] =	vst v53;
	v21 =	vsub.f32 $1.500000000e+00, v21  }
0xdd: {  	v27 =	vsub.f32 v27, v52;
	v60 =	vmul.f32 v46, v46;
	v45 =	vmul.f32 $1.562500000e-02, v45;
	[tilespmem:s13+$0x10090] =	vst v53  }
0xde: {  	v61 =	vmul.f32 v56, v59;
	v54 =	vsub.f32 $1.500000000e+00, v58;
	v62 =	vld [tilespmem:s13+$0x10081];
	[tilespmem:s13+$0x11080] =	vst v50;
	v21 =	vmul.f32 v21, v48  }
0xdf: {  	v15 =	vmul.f32 v15, v3;
	v13 =	vmul.f32 v13, v4;
	v45 =	vsub.f32 v45, v60;
	[tilespmem:s13+$0x11090] =	vst v50  }
0xe0: {  	v41 =	vsub.f32 $1.500000000e+00, v61;
	v63 =	vld [tilespmem:s13+$0x11081];
	v49 =	vmul.f32 v54, v49;
	v11 =	vmul.f32 v21, v11  }
0xe1: {  	v54 =	vadd.f32 $9.999999960e-13, v45;
	v9 =	vmul.f32 v21, v9;
	v8 =	vmul.f32 v21, v8  }
0xe2: {  	v26 =	vsub.f32 v26, v52;
	v12 =	vmul.f32 v21, v12;
	v41 =	vmul.f32 v56, v41  }
0xe3: {  	v43 =	vmul.f32 v49, v43;
	v45 =	vshrl.u32 v54, $0x1;
	v51 =	vadd.f32 v62, v53  }
0xe4: {  	v48 =	vmul.f32 $5.000000000e-01, v54;
	v45 =	vsub.s32 $0x5F3759DF, v45;
	v11 =	vmul.f32 v11, v1  }
0xe5: {  	v9 =	vmul.f32 v9, v2;
	v50 =	vadd.f32 v63, v50;
	v10 =	vmul.f32 $1.562500000e-02, v51  }
0xe6: {  	v28 =	vsub.f32 v28, v52;
	v43 =	vmul.f32 v43, v49;
	v58 =	vmul.f32 v45, v48  }
0xe7: {  	v29 =	vsub.f32 v29, v52;
	v50 =	vmul.f32 $1.562500000e-02, v50;
	v62 =	vmul.f32 v10, v10  }
0xe8: {  	v0 =	vadd.f32 v0, v6;
	v57 =	vmul.f32 v41, v47;
	v60 =	vmul.f32 v45, v58  }
0xe9: {  	v8 =	vmul.f32 v8, v3;
	v43 =	vsub.f32 $1.500000000e+00, v43;
	v54 =	vsub.f32 v50, v62  }
0xea: {  	v12 =	vmul.f32 v12, v4;
	v59 =	vmul.f32 v57, v41;
	v55 =	vsub.f32 $1.500000000e+00, v60  }
0xeb: {  	v63 =	vmul.f32 v43, v49;
	v62 =	vmul.f32 v44, v3;
	v56 =	vadd.f32 $9.999999960e-13, v54  }
0xec: {  	v61 =	vsub.f32 $1.500000000e+00, v59;
	v50 =	vmul.f32 v17, v1;
	v45 =	vmul.f32 v45, v55  }
0xed: {  	v21 =	vmul.f32 v63, v25;
	v59 =	vshrl.u32 v56, $0x1;
	v25 =	vmul.f32 $5.000000000e-01, v56  }
0xee: {  	v41 =	vmul.f32 v61, v41;
	v58 =	vmul.f32 v45, v48;
	v49 =	vsub.s32 $0x5F3759DF, v59  }
0xef: {  	v11 =	vadd.f32 v11, v5;
	v22 =	vmul.f32 v63, v22;
	v60 =	vmul.f32 v49, v25  }
0xf0: {  	v8 =	vadd.f32 v8, v7;
	v57 =	vmul.f32 v41, v47;
	v47 =	vmul.f32 v58, v45  }
0xf1: {  	v24 =	vmul.f32 v63, v24;
	v55 =	vadd.f32 v40, v7;
	v23 =	vmul.f32 v49, v60  }
0xf2: {  	v14 =	vadd.f32 v50, v5;
	v43 =	vmul.f32 v57, v41;
	v47 =	vsub.f32 $1.500000000e+00, v47  }
0xf3: {  	[tilespmem:s31+$0x8000] =	vst v38;
	v19 =	vmul.f32 v63, v19;
	v50 =	vsub.f32 v31, v10;
	v23 =	vsub.f32 $1.500000000e+00, v23  }
0xf4: {  	[tilespmem:s30+$0x8000] =	vst v20;
	v40 =	vmul.f32 v24, v3;
	v43 =	vsub.f32 $1.500000000e+00, v43;
	v61 =	vmul.f32 v47, v45  }
0xf5: {  	[tilespmem:s0+$0x8010] =	vst v0;
	v60 =	vsub.f32 v34, v46;
	v34 =	vmul.f32 v21, v1;
	v45 =	vld [tilespmem:$0x1FFE0];
	v23 =	vmul.f32 v49, v23  }
0xf6: {  	[tilespmem:s2+$0x8000] =	vst v11;
	v58 =	vsub.f32 v33, v46;
	v41 =	vmul.f32 v43, v41;
	v63 =	vmul.f32 v61, v48  }
0xf7: {  	[tilespmem:s2+$0x8020] =	vst v8;
	v59 =	vsub.f32 v32, v46;
	v48 =	vmul.f32 v39, v4;
	v57 =	vmul.f32 v23, v25  }
0xf8: {  	[tilespmem:s30+$0x8020] =	vst v55;
	v43 =	vadd.f32 v62, v7;
	v51 =	vmul.f32 v41, v27;
	v26 =	vmul.f32 v41, v26  }
0xf9: {  	[tilespmem:s0+$0x8000] =	vst v14;
	v62 =	vadd.f32 v15, v7;
	v52 =	vmul.f32 v41, v28;
	v28 =	vmul.f32 v57, v23  }
0xfa: {  	[tilespmem:s31+$0x8020] =	vst v43;
	v54 =	vmul.f32 v41, v29;
	v41 =	vmul.f32 v19, v4;
	v18 =	vadd.f32 v18, v45  }
0xfb: {  	[tilespmem:s0+$0x8020] =	vst v62;
	v49 =	vmul.f32 v63, v61;
	v38 =	vadd.f32 v48, v45;
	v63 =	vsub.f32 $1.500000000e+00, v28  }
0xfc: {  	v42 =	vmul.f32 v51, v1;
	v43 =	vmul.f32 v26, v2;
	v0 =	vadd.f32 v13, v45;
	[tilespmem:s31+$0x8030] =	vst v18  }
0xfd: {  	v15 =	vadd.f32 v41, v45;
	v53 =	vsub.f32 $1.500000000e+00, v49;
	[tilespmem:s30+$0x8030] =	vst v38;
	v28 =	vmul.f32 v63, v23  }
0xfe: {  	v11 =	vadd.f32 v43, v6;
	v49 =	vmul.f32 v54, v4;
	[tilespmem:s0+$0x8030] =	vst v0;
	v0 =	vadd.f32 v9, v6  }
0xff: {  	v9 =	vadd.f32 v40, v7;
	[tilespmem:s3+$0x8030] =	vst v15;
	v56 =	vmul.f32 v53, v61;
	v39 =	vmul.f32 v28, v25  }
0x100: {  	v61 =	vsub.f32 v35, v46;
	v35 =	vadd.f32 v12, v45;
	v46 =	vmul.f32 v52, v3;
	[tilespmem:s1+$0x8010] =	vst v11  }
0x101: {  	v12 =	vadd.f32 v42, v5;
	v52 =	vsub.f32 v30, v10;
	[tilespmem:s2+$0x8010] =	vst v0;
	v14 =	vmul.f32 v39, v28  }
0x102: {  	v38 =	vmul.f32 v22, v2;
	v53 =	vsub.f32 v36, v10;
	v0 =	vadd.f32 v34, v5;
	[tilespmem:s3+$0x8020] =	vst v9  }
0x103: {  	v10 =	vsub.f32 v37, v10;
	[tilespmem:s2+$0x8030] =	vst v35;
	v16 =	vmul.f32 v56, v58;
	v14 =	vsub.f32 $1.500000000e+00, v14  }
0x104: {  	v8 =	vadd.f32 v38, v6;
	v44 =	vmul.f32 v56, v60;
	[tilespmem:s3+$0x8000] =	vst v0;
	v0 =	vmul.f32 v56, v59  }
0x105: {  	v54 =	vadd.f32 v49, v45;
	[tilespmem:s1+$0x8000] =	vst v12;
	v51 =	vmul.f32 v16, v1;
	v47 =	vmul.f32 v14, v28  }
0x106: {  	v48 =	vadd.f32 v46, v7;
	[tilespmem:s3+$0x8010] =	vst v8;
	v8 =	vmul.f32 v56, v61;
	v0 =	vmul.f32 v0, v2  }
0x107: {  	[tilespmem:s1+$0x8030] =	vst v54;
	v55 =	vmul.f32 v44, v3;
	v12 =	vadd.f32 v51, v5;
	v56 =	vmul.f32 v47, v50  }
0x108: {  	[tilespmem:s1+$0x8020] =	vst v48;
	v8 =	vmul.f32 v8, v4;
	v0 =	vadd.f32 v0, v6;
	v57 =	vmul.f32 v47, v52  }
0x109: {  	v58 =	vadd.f32 v55, v7;
	[tilespmem:s14+$0x8000] =	vst v12;
	v60 =	vmul.f32 v47, v53;
	v59 =	vmul.f32 v56, v1  }
0x10a: {  	[tilespmem:s14+$0x8010] =	vst v0;
	v0 =	vadd.f32 v8, v45;
	v9 =	vmul.f32 v47, v10;
	v8 =	vmul.f32 v57, v2  }
0x10b: {  	p0 =	slt.u32 s29, $0x78;
	[tilespmem:s14+$0x8020] =	vst v58;
	v62 =	vmul.f32 v60, v3;
	v61 =	vadd.f32 v59, v5  }
.Ltmp0:
0x10c: {  	[tilespmem:s14+$0x8030] =	vst v0;
	v0 =	vadd.f32 v8, v6;
	v8 =	vmul.f32 v9, v4;
	(pc) =	sbr.rel @p0 .LBB2_3-.Ltmp0, $4  }
0x10d: {  	v63 =	vadd.f32 v62, v7;
	[tilespmem:s11+$0x8000] =	vst v61  }
0x10e: {  	[tilespmem:s11+$0x8010] =	vst v0;
	v0 =	vadd.f32 v8, v45  }
0x10f: {  	s31 =	sadd.s32 $0x8, s29;
	[tilespmem:s11+$0x8020] =	vst v63  }
0x110: {  	s29 =	smov.u32 s31;
	[tilespmem:s11+$0x8030] =	vst v0  }
0x111: {  	s0 =	sshll.u32 s26, $0xB  }
0x112: {  	s1 =	sand.u32 $0x1F000, s0;
	s0 =	sand.u32 $0x800, s0  }
0x113: {  	s29 =	sor.u32 s10, s1;
	s0 =	sadd.s32 s4, s0  }
0x114: {  	s0 =	sadd.s32 s29, s0  }
0x115: {  	[hbm4b:s0+s5] =	stream.linear.scatter [tilespmem:s17], [sflag:$0x3], $0x2000, $0x38;
	[tilespmem:$0x12080] =	vst v63  }
0x116: {  	p0 =	seq.s32 s26, $0x3F;
	_ =	swait.ge [sflag:s22], $0x2000  }
0x117: {  	s2 =	simm.s32 @!p0 $0x80;
	s0 =	sshll.u32 @!p0 s26, $0x8;
	[sflag:s22] =	ssyncset.done $0x0  }
0x118: {  	s3 =	simm.s32 @!p0 $0x8000;
	s1 =	sadd.s32 @!p0 $0x100, s0;
	[sflag:s22] =	ssyncadd.s32 $0xFFFFE000  }
0x119: {  	[tilespmem:s3], [sflag:$0x1] =	stream.indirect.gather @!p0 [hbm4b:s6+s2], $0x40, s1, s2, $0xb8;
	[tilespmem:$0x12080] =	vst v63  }
0x11a: {  	s0 =	sadd.s32 @!p0 $0x4100, s0;
	s1 =	simm.s32 @!p0 $0xC000  }
0x11b: {  	[tilespmem:s1], [sflag:$0x1] =	stream.indirect.gather @!p0 [hbm4b:s7+s2], $0x40, s0, s2, $0xb8;
	[tilespmem:$0x12080] =	vst v63  }
0x11c: {  	_ =	swait.ge [sflag:s23], $0x2000  }
0x11d: {  	[sflag:s23] =	ssyncset.done $0x0  }
0x11e: {  	[sflag:s23] =	ssyncadd.s32 $0xFFFFE000  }
0x11f: {  	_ =	swait.ge [sflag:s23], $0x2000  }
0x120: {  	v7 =	vmov v6;
	[sflag:s23] =	ssyncset.done $0x0  }
0x121: {  	s30 =	simm.s32 $0x0;
	v6 =	vmovc v5;
	v5 =	vmovc v4;
	v4 =	vmov v3;
	v3 =	vmov v2;
	v2 =	vmov v1;
	[sflag:s23] =	ssyncadd.s32 $0xFFFFE000  }
.LBB2_5:
0x122: {  	s2 =	sshll.u32 s30, $0x6  }
0x123: {  	v0 =	vld [tilespmem:s2+$0xA000]  }
0x124: {  	v8 =	vld [tilespmem:s2+$0xE000]  }
0x125: {  	v9 =	vld [tilespmem:s2+$0xA010]  }
0x126: {  	v10 =	vld [tilespmem:s2+$0xE010]  }
0x127: {  	v11 =	vld [tilespmem:s2+$0xA020]  }
0x128: {  	v12 =	vld [tilespmem:s2+$0xE020]  }
0x129: {  	s0 =	sor.u32 $0x1, s30;
	v13 =	vld [tilespmem:s2+$0xA030]  }
0x12a: {  	v14 =	vld [tilespmem:s2+$0xE030];
	s31 =	sshll.u32 s0, $0x6  }
0x12b: {  	v15 =	vld [tilespmem:s31+$0xA000]  }
0x12c: {  	v16 =	vld [tilespmem:s31+$0xE000]  }
0x12d: {  	v35 =	vld [tilespmem:s31+$0xE010]  }
0x12e: {  	v36 =	vld [tilespmem:s31+$0xA020]  }
0x12f: {  	v31 =	vadd.f32 v8, v0;
	v30 =	vadd.f32 v10, v9;
	v8 =	vld [tilespmem:s31+$0xA010]  }
0x130: {  	v37 =	vld [tilespmem:s31+$0xE020];
	v18 =	vadd.f32 v12, v11  }
0x131: {  	v17 =	vld [tilespmem:s31+$0xA030];
	v10 =	vadd.f32 v30, v31;
	v38 =	vmul.f32 v31, v31;
	v39 =	vmul.f32 v30, v30  }
0x132: {  	v21 =	vld [tilespmem:s31+$0xE030];
	v20 =	vadd.f32 v14, v13;
	v19 =	vadd.f32 v16, v15  }
0x133: {  	v40 =	vmul.f32 v18, v18;
	v10 =	vadd.f32 v18, v10;
	v13 =	vadd.f32 v39, v38  }
0x134: {  	v43 =	vmul.f32 v19, v19;
	v14 =	vadd.f32 v35, v8  }
0x135: {  	s3 =	sor.u32 $0x2, s30;
	v8 =	vmul.f32 v20, v20;
	v22 =	vadd.f32 v20, v10;
	v41 =	vadd.f32 v40, v13  }
0x136: {  	s13 =	sshll.u32 s30, $0x5;
	s1 =	sshll.u32 s3, $0x6;
	v10 =	vadd.f32 v37, v36;
	v42 =	vadd.f32 v14, v19;
	v44 =	vmul.f32 v14, v14  }
0x137: {  	v55 =	vld [tilespmem:s1+$0xA000];
	v0 =	vadd.f32 v21, v17;
	v8 =	vadd.f32 v8, v41;
	[tilespmem:s13+$0x10080] =	vst v22  }
0x138: {  	v56 =	vld [tilespmem:s1+$0xE000];
	v46 =	vmul.f32 v10, v10;
	[tilespmem:s13+$0x10090] =	vst v22;
	v45 =	vadd.f32 v10, v42;
	v12 =	vadd.f32 v44, v43  }
0x139: {  	v47 =	vld [tilespmem:s13+$0x10088];
	[tilespmem:s13+$0x11080] =	vst v8  }
0x13a: {  	v24 =	vld [tilespmem:s1+$0xA010];
	v48 =	vmul.f32 v0, v0;
	[tilespmem:s13+$0x11090] =	vst v8;
	v9 =	vadd.f32 v0, v45;
	v11 =	vadd.f32 v46, v12  }
0x13b: {  	s15 =	sshll.u32 s0, $0x5;
	v49 =	vld [tilespmem:s13+$0x11088]  }
0x13c: {  	v25 =	vld [tilespmem:s1+$0xE010];
	v11 =	vadd.f32 v48, v11;
	[tilespmem:s15+$0x10080] =	vst v9  }
0x13d: {  	v26 =	vld [tilespmem:s1+$0xA020];
	[tilespmem:s15+$0x10090] =	vst v9  }
0x13e: {  	v50 =	vld [tilespmem:s15+$0x10088];
	v13 =	vadd.f32 v47, v22;
	[tilespmem:s15+$0x11080] =	vst v11  }
0x13f: {  	v27 =	vld [tilespmem:s1+$0xE020];
	[tilespmem:s15+$0x11090] =	vst v11  }
0x140: {  	v51 =	vld [tilespmem:s15+$0x11088];
	v8 =	vadd.f32 v49, v8;
	[tilespmem:s13+$0x10080] =	vst v13  }
0x141: {  	v28 =	vld [tilespmem:s1+$0xA030];
	[tilespmem:s13+$0x10090] =	vst v13  }
0x142: {  	v52 =	vld [tilespmem:s13+$0x10084];
	[tilespmem:s13+$0x11080] =	vst v8  }
0x143: {  	s8 =	sor.u32 $0x3, s30;
	v29 =	vld [tilespmem:s1+$0xE030];
	[tilespmem:s13+$0x11090] =	vst v8;
	v9 =	vadd.f32 v50, v9  }
0x144: {  	s0 =	sshll.u32 s8, $0x6;
	v17 =	vadd.f32 v56, v55;
	v16 =	vadd.f32 v25, v24;
	v53 =	vld [tilespmem:s13+$0x11084]  }
0x145: {  	v32 =	vld [tilespmem:s0+$0xA000];
	v11 =	vadd.f32 v51, v11;
	[tilespmem:s15+$0x10080] =	vst v9  }
0x146: {  	v33 =	vld [tilespmem:s0+$0xE000];
	v15 =	vadd.f32 v27, v26;
	v60 =	vadd.f32 v16, v17;
	[tilespmem:s15+$0x10090] =	vst v9  }
0x147: {  	v57 =	vld [tilespmem:s0+$0xA010];
	v58 =	vadd.f32 v52, v13;
	[tilespmem:s15+$0x11080] =	vst v11  }
0x148: {  	v26 =	vadd.f32 v15, v60;
	v54 =	vld [tilespmem:s15+$0x10084];
	v13 =	vadd.f32 v29, v28;
	[tilespmem:s15+$0x11090] =	vst v11  }
0x149: {  	v59 =	vld [tilespmem:s0+$0xE010];
	v21 =	vadd.f32 v53, v8;
	[tilespmem:s13+$0x10080] =	vst v58  }
0x14a: {  	v62 =	vmul.f32 v17, v17;
	v63 =	vmul.f32 v16, v16;
	v23 =	vld [tilespmem:s15+$0x11084];
	[tilespmem:s13+$0x10090] =	vst v58;
	v26 =	vadd.f32 v13, v26  }
0x14b: {  	s18 =	sshll.u32 s3, $0x5;
	v61 =	vld [tilespmem:s0+$0xA020];
	[tilespmem:s13+$0x11080] =	vst v21  }
0x14c: {  	v34 =	vld [tilespmem:s0+$0xA030];
	v36 =	vmul.f32 v15, v15;
	v28 =	vadd.f32 v63, v62;
	[tilespmem:s18+$0x10080] =	vst v26  }
0x14d: {  	v8 =	vld [tilespmem:s0+$0xE020];
	[tilespmem:s18+$0x10090] =	vst v26;
	v22 =	vadd.f32 v54, v9  }
0x14e: {  	v37 =	vadd.f32 v36, v28;
	[tilespmem:s13+$0x11090] =	vst v21;
	v42 =	vld [tilespmem:s18+$0x10088]  }
0x14f: {  	v35 =	vld [tilespmem:s0+$0xE030];
	v23 =	vadd.f32 v23, v11;
	v11 =	vadd.f32 v33, v32;
	[tilespmem:s15+$0x10080] =	vst v22;
	v33 =	vmul.f32 v13, v13  }
0x150: {  	v48 =	vld [tilespmem:s13+$0x11082];
	[tilespmem:s15+$0x10090] =	vst v22  }
0x151: {  	s11 =	sor.u32 $0x5, s30;
	v9 =	vadd.f32 v59, v57;
	[tilespmem:s15+$0x11080] =	vst v23;
	v24 =	vadd.f32 v33, v37  }
0x152: {  	s3 =	sshll.u32 s11, $0x6;
	v8 =	vadd.f32 v8, v61;
	[tilespmem:s15+$0x11090] =	vst v23  }
0x153: {  	v55 =	vld [tilespmem:s3+$0xA010];
	v38 =	vadd.f32 v9, v11;
	v26 =	vadd.f32 v42, v26;
	[tilespmem:s18+$0x11080] =	vst v24  }
0x154: {  	s9 =	sor.u32 $0x4, s30;
	v12 =	vadd.f32 v35, v34;
	v40 =	vmul.f32 v9, v9;
	v49 =	vld [tilespmem:s15+$0x10082];
	[tilespmem:s18+$0x11090] =	vst v24  }
0x155: {  	s14 =	sshll.u32 s9, $0x6;
	v56 =	vld [tilespmem:s3+$0xE010];
	v39 =	vmul.f32 v11, v11;
	v21 =	vadd.f32 v48, v21;
	v27 =	vadd.f32 v8, v38;
	[tilespmem:s18+$0x10080] =	vst v26  }
0x156: {  	v53 =	vld [tilespmem:s14+$0xA020];
	[tilespmem:s18+$0x10090] =	vst v26  }
0x157: {  	v47 =	vld [tilespmem:s13+$0x10082];
	v41 =	vmul.f32 v8, v8;
	v28 =	vadd.f32 v40, v39;
	[tilespmem:s13+$0x11080] =	vst v21;
	v27 =	vadd.f32 v12, v27  }
0x158: {  	s8 =	sshll.u32 s8, $0x5;
	v50 =	vld [tilespmem:s15+$0x11082];
	[tilespmem:s13+$0x11090] =	vst v21  }
0x159: {  	v43 =	vmul.f32 v12, v12;
	v42 =	vld [tilespmem:s14+$0xE010];
	v28 =	vadd.f32 v41, v28;
	v33 =	vadd.f32 v49, v22;
	[tilespmem:s8+$0x10080] =	vst v27  }
0x15a: {  	v44 =	vld [tilespmem:s18+$0x11088];
	[tilespmem:s8+$0x10090] =	vst v27  }
0x15b: {  	v39 =	vld [tilespmem:s14+$0xA000];
	v28 =	vadd.f32 v43, v28;
	[tilespmem:s15+$0x10080] =	vst v33  }
0x15c: {  	v40 =	vld [tilespmem:s14+$0xE000];
	[tilespmem:s15+$0x10090] =	vst v33  }
0x15d: {  	v51 =	vld [tilespmem:s18+$0x10084];
	v43 =	vadd.f32 v47, v58;
	[tilespmem:s8+$0x11080] =	vst v28  }
0x15e: {  	v41 =	vld [tilespmem:s14+$0xA010];
	[tilespmem:s8+$0x11090] =	vst v28  }
0x15f: {  	v45 =	vld [tilespmem:s8+$0x10088];
	v32 =	vadd.f32 v44, v24;
	[tilespmem:s13+$0x10080] =	vst v43  }
0x160: {  	v44 =	vld [tilespmem:s14+$0xE020];
	[tilespmem:s13+$0x10090] =	vst v43  }
0x161: {  	v35 =	vadd.f32 v50, v23;
	v46 =	vld [tilespmem:s8+$0x11088];
	[tilespmem:s18+$0x11080] =	vst v32  }
0x162: {  	v54 =	vld [tilespmem:s14+$0xA030];
	v25 =	vadd.f32 v40, v39;
	[tilespmem:s18+$0x11090] =	vst v32  }
0x163: {  	[tilespmem:s15+$0x11080] =	vst v35;
	v22 =	vadd.f32 v42, v41;
	v41 =	vadd.f32 v51, v26;
	v52 =	vld [tilespmem:s18+$0x11084]  }
0x164: {  	[tilespmem:s15+$0x11090] =	vst v35;
	v27 =	vadd.f32 v45, v27;
	v45 =	vld [tilespmem:s14+$0xE030]  }
0x165: {  	v59 =	vld [tilespmem:s3+$0xE020];
	v57 =	vadd.f32 v22, v25;
	[tilespmem:s18+$0x10080] =	vst v41  }
0x166: {  	v47 =	vld [tilespmem:s3+$0xE000];
	v24 =	vadd.f32 v44, v53;
	v28 =	vadd.f32 v46, v28;
	[tilespmem:s8+$0x10080] =	vst v27  }
0x167: {  	v58 =	vld [tilespmem:s3+$0xA020];
	[tilespmem:s8+$0x10090] =	vst v27  }
0x168: {  	v37 =	vld [tilespmem:s8+$0x10084];
	v29 =	vadd.f32 v24, v57;
	[tilespmem:s8+$0x11080] =	vst v28  }
0x169: {  	v46 =	vld [tilespmem:s3+$0xA000];
	[tilespmem:s8+$0x11090] =	vst v28;
	v32 =	vadd.f32 v52, v32;
	v23 =	vadd.f32 v45, v54  }
0x16a: {  	v60 =	vmul.f32 v25, v25;
	v42 =	vmul.f32 v22, v22;
	[tilespmem:s18+$0x10090] =	vst v41;
	v38 =	vld [tilespmem:s8+$0x11084]  }
0x16b: {  	v62 =	vld [tilespmem:s3+$0xE030];
	[tilespmem:s18+$0x11080] =	vst v32;
	v48 =	vadd.f32 v23, v29  }
0x16c: {  	s9 =	sshll.u32 s9, $0x5;
	v61 =	vld [tilespmem:s3+$0xA030];
	v42 =	vadd.f32 v42, v60;
	v63 =	vmul.f32 v24, v24;
	[tilespmem:s18+$0x11090] =	vst v32  }
0x16d: {  	v26 =	vadd.f32 v56, v55;
	v54 =	vld [tilespmem:s13+$0x11081];
	v37 =	vadd.f32 v37, v27;
	[tilespmem:s9+$0x10080] =	vst v48  }
0x16e: {  	v29 =	vadd.f32 v63, v42;
	v63 =	vld [tilespmem:s18+$0x10082];
	v27 =	vadd.f32 v47, v46;
	v47 =	vmul.f32 v23, v23;
	[tilespmem:s9+$0x10090] =	vst v48  }
0x16f: {  	v38 =	vadd.f32 v38, v28;
	[tilespmem:s8+$0x10080] =	vst v37;
	v28 =	vadd.f32 v59, v58  }
0x170: {  	v52 =	vld [tilespmem:s13+$0x10081];
	[tilespmem:s8+$0x10090] =	vst v37;
	v49 =	vadd.f32 v26, v27;
	v36 =	vadd.f32 v47, v29  }
0x171: {  	v51 =	vmul.f32 v26, v26;
	v55 =	vld [tilespmem:s9+$0x10088];
	[tilespmem:s8+$0x11080] =	vst v38  }
0x172: {  	s13 =	sshll.u32 s11, $0x5;
	s11 =	sor.u32 $0x6, s30;
	v50 =	vmul.f32 v27, v27;
	v29 =	vadd.f32 v62, v61;
	v59 =	vld [tilespmem:s15+$0x10081];
	v34 =	vadd.f32 v28, v49;
	[tilespmem:s9+$0x11080] =	vst v36  }
0x173: {  	v21 =	vadd.f32 v54, v21;
	v62 =	vld [tilespmem:s15+$0x11081];
	s15 =	sshll.u32 s11, $0x6;
	[tilespmem:s9+$0x11090] =	vst v36;
	v41 =	vadd.f32 v63, v41  }
0x174: {  	v54 =	vld [tilespmem:s15+$0xA010];
	v53 =	vmul.f32 v28, v28;
	v39 =	vadd.f32 v51, v50;
	[tilespmem:s8+$0x11090] =	vst v38;
	v34 =	vadd.f32 v29, v34  }
0x175: {  	v42 =	vadd.f32 v52, v43;
	v57 =	vld [tilespmem:s9+$0x11088];
	[tilespmem:s18+$0x10080] =	vst v41  }
0x176: {  	v56 =	vmul.f32 v29, v29;
	v63 =	vld [tilespmem:s15+$0xE020];
	v39 =	vadd.f32 v53, v39;
	v45 =	vadd.f32 v55, v48;
	[tilespmem:s13+$0x10080] =	vst v34  }
0x177: {  	v40 =	vmul.f32 $1.562500000e-02, v42;
	v49 =	vld [tilespmem:s8+$0x11082];
	[tilespmem:s13+$0x10090] =	vst v34  }
0x178: {  	v39 =	vadd.f32 v56, v39;
	v58 =	vld [tilespmem:s13+$0x10088];
	[tilespmem:s9+$0x10080] =	vst v45  }
0x179: {  	v21 =	vmul.f32 $1.562500000e-02, v21;
	v60 =	vmul.f32 v40, v40;
	v56 =	vld [tilespmem:s18+$0x11082];
	[tilespmem:s9+$0x10090] =	vst v45  }
0x17a: {  	[tilespmem:s13+$0x11080] =	vst v39;
	v36 =	vadd.f32 v57, v36;
	v50 =	vld [tilespmem:s9+$0x10084]  }
0x17b: {  	v21 =	vsub.f32 v21, v60;
	[tilespmem:s13+$0x11090] =	vst v39;
	v57 =	vld [tilespmem:s8+$0x10082]  }
0x17c: {  	v35 =	vadd.f32 v62, v35;
	v61 =	vld [tilespmem:s13+$0x11088];
	[tilespmem:s9+$0x11080] =	vst v36  }
0x17d: {  	v62 =	vld [tilespmem:s15+$0xA020];
	v21 =	vadd.f32 $9.999999960e-13, v21;
	[tilespmem:s9+$0x11090] =	vst v36;
	v34 =	vadd.f32 v58, v34  }
0x17e: {  	[tilespmem:s18+$0x10090] =	vst v41;
	v52 =	vld [tilespmem:s9+$0x11084];
	v46 =	vadd.f32 v56, v32  }
0x17f: {  	v32 =	vld [tilespmem:s15+$0xE000];
	v58 =	vshrl.u32 v21, $0x1;
	v21 =	vmul.f32 $5.000000000e-01, v21;
	v45 =	vadd.f32 v50, v45;
	[tilespmem:s13+$0x10080] =	vst v34  }
0x180: {  	v51 =	vsub.s32 $0x5F3759DF, v58;
	v37 =	vadd.f32 v57, v37;
	v57 =	vld [tilespmem:s18+$0x10081];
	[tilespmem:s13+$0x10090] =	vst v34  }
0x181: {  	v33 =	vadd.f32 v59, v33;
	v47 =	vadd.f32 v61, v39;
	v39 =	vmul.f32 v51, v21;
	v61 =	vld [tilespmem:s15+$0xE010];
	[tilespmem:s9+$0x10080] =	vst v45  }
0x182: {  	v31 =	vsub.f32 v31, v40;
	v1 =	vsub.f32 v30, v40;
	v44 =	vld [tilespmem:s13+$0x10084];
	[tilespmem:s9+$0x10090] =	vst v45  }
0x183: {  	v18 =	vsub.f32 v18, v40;
	[tilespmem:s13+$0x11080] =	vst v47;
	v53 =	vmul.f32 v51, v39;
	v39 =	vmul.f32 $1.562500000e-02, v33;
	v33 =	vld [tilespmem:s15+$0xA000]  }
0x184: {  	v35 =	vmul.f32 $1.562500000e-02, v35;
	v38 =	vadd.f32 v49, v38;
	[tilespmem:s13+$0x11090] =	vst v47;
	v36 =	vadd.f32 v52, v36;
	v50 =	vld [tilespmem:s9+$0x10082]  }
0x185: {  	v43 =	vld [tilespmem:s13+$0x11084];
	v59 =	vsub.f32 $1.500000000e+00, v53;
	v60 =	vmul.f32 v39, v39;
	v41 =	vadd.f32 v57, v41  }
0x186: {  	v14 =	vsub.f32 v14, v39;
	v10 =	vsub.f32 v10, v39  }
0x187: {  	v55 =	vld [tilespmem:s15+$0xA030];
	[tilespmem:s8+$0x11080] =	vst v38;
	v35 =	vsub.f32 v35, v60;
	v42 =	vadd.f32 v44, v34  }
0x188: {  	[tilespmem:s8+$0x11090] =	vst v38;
	v48 =	vmul.f32 v51, v59;
	v60 =	vld [tilespmem:s15+$0xE030];
	v34 =	vadd.f32 v63, v62;
	v33 =	vadd.f32 v32, v33  }
0x189: {  	[tilespmem:s18+$0x11080] =	vst v46;
	v41 =	vmul.f32 $1.562500000e-02, v41;
	v32 =	vadd.f32 v61, v54;
	v45 =	vadd.f32 v50, v45  }
0x18a: {  	[tilespmem:s18+$0x11090] =	vst v46;
	v59 =	vmul.f32 v48, v21;
	v35 =	vadd.f32 $9.999999960e-13, v35;
	v43 =	vadd.f32 v43, v47  }
0x18b: {  	[tilespmem:s8+$0x10080] =	vst v37;
	v17 =	vsub.f32 v17, v41;
	v61 =	vadd.f32 v32, v33;
	v62 =	vmul.f32 v33, v33  }
0x18c: {  	v47 =	vld [tilespmem:s18+$0x11081];
	[tilespmem:s13+$0x10080] =	vst v42;
	v53 =	vmul.f32 v59, v48;
	v56 =	vshrl.u32 v35, $0x1;
	v54 =	vmul.f32 $5.000000000e-01, v35  }
0x18d: {  	[tilespmem:s13+$0x10090] =	vst v42;
	v52 =	vsub.s32 $0x5F3759DF, v56;
	v35 =	vadd.f32 v60, v55;
	v44 =	vadd.f32 v34, v61  }
0x18e: {  	[tilespmem:s8+$0x10090] =	vst v37;
	v16 =	vsub.f32 v16, v41;
	v63 =	vmul.f32 v32, v32;
	v57 =	vld [tilespmem:s13+$0x10082];
	v56 =	vmul.f32 v52, v54  }
0x18f: {  	[tilespmem:s9+$0x11080] =	vst v36;
	v55 =	vld [tilespmem:s8+$0x10081];
	v61 =	vsub.f32 $1.500000000e+00, v53;
	v44 =	vadd.f32 v35, v44  }
0x190: {  	[tilespmem:s9+$0x11090] =	vst v36;
	v60 =	vmul.f32 v34, v34;
	v49 =	vadd.f32 v63, v62;
	v62 =	vmul.f32 v52, v56;
	v56 =	vld [tilespmem:s8+$0x11081];
	s8 =	sshll.u32 s11, $0x5  }
0x191: {  	v15 =	vsub.f32 v15, v41;
	v46 =	vadd.f32 v47, v46;
	v48 =	vmul.f32 v61, v48;
	[tilespmem:s8+$0x10080] =	vst v44  }
0x192: {  	v53 =	vld [tilespmem:s9+$0x11082];
	v49 =	vadd.f32 v60, v49;
	v60 =	vmul.f32 v41, v41;
	s11 =	sor.u32 $0x7, s30;
	[tilespmem:s8+$0x10090] =	vst v44;
	v63 =	vsub.f32 $1.500000000e+00, v62  }
0x193: {  	v13 =	vsub.f32 v13, v41;
	s18 =	sshll.u32 s11, $0x6;
	v46 =	vmul.f32 $1.562500000e-02, v46;
	v21 =	vmul.f32 v48, v21;
	v47 =	vld [tilespmem:s8+$0x10088]  }
0x194: {  	v58 =	vmul.f32 v35, v35;
	v61 =	vld [tilespmem:s18+$0xA000];
	v37 =	vadd.f32 v55, v37;
	v51 =	vmul.f32 v52, v63  }
0x195: {  	v57 =	vadd.f32 v57, v42;
	v46 =	vsub.f32 v46, v60;
	v60 =	vld [tilespmem:s18+$0xA010];
	v21 =	vmul.f32 v21, v48  }
0x196: {  	v49 =	vadd.f32 v58, v49;
	v63 =	vld [tilespmem:s18+$0xE010];
	v42 =	vmul.f32 $1.562500000e-02, v37;
	v58 =	vmul.f32 v51, v54  }
0x197: {  	[tilespmem:s13+$0x11080] =	vst v43;
	v62 =	vld [tilespmem:s18+$0xE000];
	v53 =	vadd.f32 v53, v36;
	v21 =	vsub.f32 $1.500000000e+00, v21  }
0x198: {  	[tilespmem:s13+$0x11090] =	vst v43;
	v55 =	vld [tilespmem:s18+$0xE020];
	v46 =	vadd.f32 $9.999999960e-13, v46;
	v11 =	vsub.f32 v11, v42;
	v58 =	vmul.f32 v58, v51  }
0x199: {  	[tilespmem:s8+$0x11080] =	vst v49;
	v9 =	vsub.f32 v9, v42;
	v8 =	vsub.f32 v8, v42;
	v21 =	vmul.f32 v21, v48;
	v48 =	vld [tilespmem:s18+$0xA020]  }
0x19a: {  	[tilespmem:s8+$0x11090] =	vst v49;
	v52 =	vld [tilespmem:s13+$0x11082];
	v12 =	vsub.f32 v12, v42;
	v58 =	vsub.f32 $1.500000000e+00, v58  }
0x19b: {  	v59 =	vld [tilespmem:s8+$0x11088];
	v44 =	vadd.f32 v47, v44;
	v30 =	vadd.f32 v63, v60;
	v60 =	vmul.f32 v42, v42  }
0x19c: {  	[tilespmem:$0x1FFC0] =	vst v0;
	v50 =	vmul.f32 v58, v51;
	v51 =	vadd.f32 v56, v38;
	v56 =	vshrl.u32 v46, $0x1  }
0x19d: {  	[tilespmem:s9+$0x10080] =	vst v45;
	v0 =	vld [tilespmem:s18+$0xE030];
	v46 =	vmul.f32 $5.000000000e-01, v46;
	v38 =	vmul.f32 v21, v31;
	v31 =	vadd.f32 v62, v61  }
0x19e: {  	[tilespmem:s9+$0x10090] =	vst v45;
	v58 =	vld [tilespmem:s18+$0xA030];
	v56 =	vsub.s32 $0x5F3759DF, v56;
	v36 =	vadd.f32 v55, v48;
	v55 =	vmul.f32 v30, v30  }
0x19f: {  	[tilespmem:s13+$0x10080] =	vst v57;
	v52 =	vadd.f32 v52, v43;
	v43 =	vmul.f32 v56, v46;
	v48 =	vmul.f32 v31, v31  }
0x1a0: {  	[tilespmem:s13+$0x10090] =	vst v57;
	v49 =	vadd.f32 v59, v49;
	v51 =	vmul.f32 $1.562500000e-02, v51;
	v54 =	vmul.f32 v50, v54  }
0x1a1: {  	[tilespmem:s9+$0x11080] =	vst v53;
	v47 =	vadd.f32 v30, v31;
	v38 =	vmul.f32 v38, v2;
	v48 =	vadd.f32 v55, v48  }
0x1a2: {  	[tilespmem:s9+$0x11090] =	vst v53;
	v43 =	vmul.f32 v56, v43;
	v51 =	vsub.f32 v51, v60;
	v54 =	vmul.f32 v54, v50  }
0x1a3: {  	[tilespmem:s8+$0x10080] =	vst v44;
	v37 =	vadd.f32 v0, v58;
	v0 =	vadd.f32 v36, v47;
	v47 =	vmul.f32 v36, v36  }
0x1a4: {  	[tilespmem:s8+$0x10090] =	vst v44;
	v55 =	vld [tilespmem:s9+$0x10081];
	v61 =	vsub.f32 $1.500000000e+00, v43;
	v43 =	vmul.f32 v21, v18;
	v18 =	vsub.f32 v20, v40  }
0x1a5: {  	[tilespmem:s13+$0x11080] =	vst v52;
	v58 =	vld [tilespmem:s8+$0x10084];
	v20 =	vsub.f32 $1.500000000e+00, v54;
	v59 =	vadd.f32 v37, v0;
	v60 =	vmul.f32 v37, v37  }
0x1a6: {  	[tilespmem:s8+$0x11080] =	vst v49;
	v47 =	vadd.f32 v47, v48;
	v0 =	vmul.f32 v21, v1;
	v1 =	vadd.f32 $9.999999960e-13, v51  }
0x1a7: {  	[tilespmem:s8+$0x11090] =	vst v49;
	v38 =	vadd.f32 v38, v6;
	v48 =	vld [tilespmem:s9+$0x11081];
	v40 =	vmul.f32 v56, v61;
	v50 =	vmul.f32 v20, v50  }
0x1a8: {  	s11 =	sshll.u32 s11, $0x5;
	[tilespmem:s13+$0x11090] =	vst v52;
	v51 =	vld [tilespmem:s8+$0x11084];
	v18 =	vmul.f32 v21, v18;
	v47 =	vadd.f32 v60, v47;
	v60 =	vshrl.u32 v1, $0x1  }
0x1a9: {  	[tilespmem:s11+$0x10080] =	vst v59;
	v1 =	vmul.f32 $5.000000000e-01, v1;
	v45 =	vadd.f32 v55, v45;
	v0 =	vmul.f32 v0, v3  }
0x1aa: {  	[tilespmem:s11+$0x10090] =	vst v59;
	v54 =	vsub.s32 $0x5F3759DF, v60;
	v44 =	vadd.f32 v58, v44;
	v55 =	vmul.f32 v40, v46  }
0x1ab: {  	v56 =	vld [tilespmem:s11+$0x10088];
	v60 =	vsub.f32 v19, v39;
	v14 =	vmul.f32 v50, v14;
	[tilespmem:s11+$0x11080] =	vst v47;
	v58 =	vmul.f32 v54, v1  }
0x1ac: {  	[tilespmem:s11+$0x11090] =	vst v47;
	v19 =	vmul.f32 $1.562500000e-02, v45;
	v0 =	vadd.f32 v0, v7;
	v48 =	vadd.f32 v48, v53  }
0x1ad: {  	v53 =	vld [tilespmem:s11+$0x11088];
	v45 =	vadd.f32 v51, v49;
	[tilespmem:s8+$0x10080] =	vst v44;
	v61 =	vmul.f32 v55, v40;
	v62 =	vmul.f32 v54, v58  }
0x1ae: {  	[tilespmem:s8+$0x10090] =	vst v44;
	v63 =	vmul.f32 v19, v19;
	v25 =	vsub.f32 v25, v19;
	v22 =	vsub.f32 v22, v19  }
0x1af: {  	v58 =	vld [tilespmem:s8+$0x10082];
	v24 =	vsub.f32 v24, v19;
	v19 =	vsub.f32 v23, v19;
	[tilespmem:s2+$0xA010] =	vst v0;
	v48 =	vmul.f32 $1.562500000e-02, v48  }
0x1b0: {  	v14 =	vmul.f32 v14, v3;
	[tilespmem:s8+$0x11080] =	vst v45;
	v20 =	vsub.f32 $1.500000000e+00, v61;
	v56 =	vadd.f32 v56, v59  }
0x1b1: {  	v18 =	vmul.f32 v18, v5;
	[tilespmem:s8+$0x11090] =	vst v45;
	v61 =	vsub.f32 $1.500000000e+00, v62;
	v59 =	vld [tilespmem:s13+$0x10081];
	v62 =	vsub.f32 v48, v63  }
0x1b2: {  	v0 =	vadd.f32 v14, v7;
	v63 =	vld [tilespmem:s8+$0x11082];
	v55 =	vmul.f32 v20, v40;
	v47 =	vadd.f32 v53, v47;
	[tilespmem:s11+$0x10080] =	vst v56  }
0x1b3: {  	v20 =	vmul.f32 v50, v60;
	v40 =	vmul.f32 v50, v10;
	v53 =	vld [tilespmem:s13+$0x11081];
	[tilespmem:s11+$0x10090] =	vst v56;
	v21 =	vadd.f32 $9.999999960e-13, v62  }
0x1b4: {  	v49 =	vmul.f32 v54, v61;
	v54 =	vld [tilespmem:s11+$0x10084];
	v60 =	vmul.f32 v55, v46;
	v44 =	vadd.f32 v58, v44;
	[tilespmem:s11+$0x11080] =	vst v47  }
0x1b5: {  	v62 =	vld [tilespmem:$0x1FFC0];
	v20 =	vmul.f32 v20, v2;
	v40 =	vmul.f32 v40, v4;
	[tilespmem:s11+$0x11090] =	vst v47;
	v61 =	vshrl.u32 v21, $0x1  }
0x1b6: {  	v21 =	vmul.f32 $5.000000000e-01, v21;
	v51 =	vadd.f32 v59, v57;
	v57 =	vld [tilespmem:s11+$0x11084];
	v10 =	vmul.f32 v60, v55  }
0x1b7: {  	[tilespmem:s8+$0x10080] =	vst v44;
	v46 =	vsub.s32 $0x5F3759DF, v61;
	v45 =	vadd.f32 v63, v45;
	v63 =	vmul.f32 v49, v1  }
0x1b8: {  	[tilespmem:s8+$0x10090] =	vst v44;
	v60 =	vmul.f32 v46, v21;
	v52 =	vadd.f32 v53, v52;
	v51 =	vmul.f32 $1.562500000e-02, v51  }
0x1b9: {  	v10 =	vsub.f32 $1.500000000e+00, v10;
	[tilespmem:s8+$0x11080] =	vst v45;
	v53 =	vadd.f32 v54, v56;
	v48 =	vmul.f32 v63, v49  }
0x1ba: {  	v39 =	vsub.f32 v62, v39;
	[tilespmem:s8+$0x11090] =	vst v45;
	v63 =	vld [tilespmem:s8+$0x10081];
	v61 =	vmul.f32 v46, v60;
	v52 =	vmul.f32 $1.562500000e-02, v52  }
0x1bb: {  	v62 =	vmul.f32 v51, v51;
	v10 =	vmul.f32 v10, v55;
	v47 =	vadd.f32 v57, v47;
	[tilespmem:s11+$0x10080] =	vst v53  }
0x1bc: {  	v57 =	vld [tilespmem:s8+$0x11081];
	v39 =	vmul.f32 v50, v39;
	v48 =	vsub.f32 $1.500000000e+00, v48;
	[tilespmem:s11+$0x10090] =	vst v53;
	v59 =	vsub.f32 $1.500000000e+00, v61  }
0x1bd: {  	v52 =	vsub.f32 v52, v62;
	v60 =	vld [tilespmem:s11+$0x10082];
	v17 =	vmul.f32 v10, v17;
	v16 =	vmul.f32 v10, v16;
	[tilespmem:s11+$0x11080] =	vst v47  }
0x1be: {  	v20 =	vadd.f32 v20, v6;
	v48 =	vmul.f32 v48, v49;
	[tilespmem:s11+$0x11090] =	vst v47;
	v46 =	vmul.f32 v46, v59  }
0x1bf: {  	v15 =	vmul.f32 v10, v15;
	v61 =	vadd.f32 $9.999999960e-13, v52;
	v62 =	vld [tilespmem:s11+$0x11082];
	v44 =	vadd.f32 v63, v44  }
0x1c0: {  	v27 =	vsub.f32 v27, v51;
	v1 =	vmul.f32 v48, v1;
	v63 =	vmul.f32 v46, v21  }
0x1c1: {  	v45 =	vadd.f32 v57, v45;
	v58 =	vshrl.u32 v61, $0x1;
	v44 =	vmul.f32 $1.562500000e-02, v44  }
0x1c2: {  	v49 =	vmul.f32 $5.000000000e-01, v61;
	v53 =	vadd.f32 v60, v53;
	v1 =	vmul.f32 v1, v48  }
0x1c3: {  	[tilespmem:s31+$0xA010] =	vst v0;
	v55 =	vsub.s32 $0x5F3759DF, v58;
	v45 =	vmul.f32 $1.562500000e-02, v45;
	v60 =	vmul.f32 v44, v44  }
0x1c4: {  	v52 =	vmul.f32 v63, v46;
	v59 =	vmul.f32 v55, v49;
	v47 =	vadd.f32 v62, v47;
	[tilespmem:s11+$0x10080] =	vst v53  }
0x1c5: {  	v13 =	vmul.f32 v10, v13;
	[tilespmem:s11+$0x10090] =	vst v53;
	v1 =	vsub.f32 $1.500000000e+00, v1;
	v45 =	vsub.f32 v45, v60  }
0x1c6: {  	v0 =	vmul.f32 v16, v3;
	v61 =	vmul.f32 v55, v59;
	v52 =	vsub.f32 $1.500000000e+00, v52;
	v62 =	vld [tilespmem:s11+$0x10081];
	[tilespmem:s11+$0x11080] =	vst v47  }
0x1c7: {  	v15 =	vmul.f32 v15, v4;
	[tilespmem:s11+$0x11090] =	vst v47;
	v1 =	vmul.f32 v1, v48;
	v57 =	vadd.f32 $9.999999960e-13, v45  }
0x1c8: {  	v13 =	vmul.f32 v13, v5;
	v41 =	vsub.f32 $1.500000000e+00, v61;
	v63 =	vld [tilespmem:s11+$0x11081];
	v46 =	vmul.f32 v52, v46  }
0x1c9: {  	v11 =	vmul.f32 v1, v11;
	v45 =	vshrl.u32 v57, $0x1;
	v48 =	vmul.f32 $5.000000000e-01, v57  }
0x1ca: {  	v9 =	vmul.f32 v1, v9;
	v41 =	vmul.f32 v55, v41;
	v45 =	vsub.s32 $0x5F3759DF, v45  }
0x1cb: {  	v8 =	vmul.f32 v1, v8;
	v50 =	vadd.f32 v62, v53;
	v59 =	vmul.f32 v45, v48  }
0x1cc: {  	v26 =	vsub.f32 v26, v51;
	v21 =	vmul.f32 v46, v21;
	v58 =	vmul.f32 v41, v49  }
0x1cd: {  	v47 =	vadd.f32 v63, v47;
	v10 =	vmul.f32 $1.562500000e-02, v50;
	v61 =	vmul.f32 v45, v59  }
0x1ce: {  	v28 =	vsub.f32 v28, v51;
	v21 =	vmul.f32 v21, v46;
	v60 =	vmul.f32 v58, v41  }
0x1cf: {  	v47 =	vmul.f32 $1.562500000e-02, v47;
	v63 =	vmul.f32 v10, v10;
	v55 =	vsub.f32 $1.500000000e+00, v61  }
0x1d0: {  	v1 =	vmul.f32 v1, v12;
	v21 =	vsub.f32 $1.500000000e+00, v21;
	v62 =	vsub.f32 $1.500000000e+00, v60  }
0x1d1: {  	v11 =	vmul.f32 v11, v2;
	v54 =	vsub.f32 v47, v63;
	v45 =	vmul.f32 v45, v55  }
0x1d2: {  	v29 =	vsub.f32 v29, v51;
	v21 =	vmul.f32 v21, v46;
	v41 =	vmul.f32 v62, v41  }
0x1d3: {  	v9 =	vmul.f32 v9, v3;
	v56 =	vadd.f32 $9.999999960e-13, v54;
	v46 =	vmul.f32 v45, v48  }
0x1d4: {  	v0 =	vadd.f32 v0, v7;
	v12 =	vmul.f32 v21, v25;
	v57 =	vmul.f32 v41, v49  }
0x1d5: {  	v58 =	vshrl.u32 v56, $0x1;
	v25 =	vmul.f32 $5.000000000e-01, v56;
	v46 =	vmul.f32 v46, v45  }
0x1d6: {  	v8 =	vmul.f32 v8, v4;
	v42 =	vmul.f32 v57, v41;
	v47 =	vsub.s32 $0x5F3759DF, v58  }
0x1d7: {  	v50 =	vmul.f32 v17, v2;
	v59 =	vmul.f32 v47, v25;
	v46 =	vsub.f32 $1.500000000e+00, v46  }
0x1d8: {  	v1 =	vmul.f32 v1, v5;
	v11 =	vadd.f32 v11, v6;
	v42 =	vsub.f32 $1.500000000e+00, v42  }
0x1d9: {  	v14 =	vadd.f32 v50, v6;
	v60 =	vmul.f32 v47, v59;
	v62 =	vmul.f32 v46, v45;
	v46 =	vld [tilespmem:$0x1FFF0]  }
0x1da: {  	v50 =	vsub.f32 v31, v10;
	v22 =	vmul.f32 v21, v22;
	v61 =	vmul.f32 v42, v41;
	v45 =	vld [tilespmem:$0x1FFE0]  }
0x1db: {  	[tilespmem:s2+$0xA000] =	vst v38;
	v24 =	vmul.f32 v21, v24;
	v19 =	vmul.f32 v21, v19;
	v21 =	vsub.f32 $1.500000000e+00, v60  }
0x1dc: {  	[tilespmem:s31+$0xA000] =	vst v20;
	v63 =	vmul.f32 v43, v4;
	v59 =	vsub.f32 v33, v44;
	v51 =	vmul.f32 v61, v27  }
0x1dd: {  	[tilespmem:s1+$0xA010] =	vst v0;
	v60 =	vsub.f32 v32, v44;
	v26 =	vmul.f32 v61, v26;
	v21 =	vmul.f32 v47, v21  }
0x1de: {  	[tilespmem:s0+$0xA000] =	vst v11;
	v52 =	vmul.f32 v61, v28;
	v47 =	vmul.f32 v62, v48;
	v42 =	vadd.f32 v63, v46  }
0x1df: {  	[tilespmem:s1+$0xA000] =	vst v14;
	v48 =	vmul.f32 v39, v5;
	v18 =	vadd.f32 v18, v45;
	v58 =	vmul.f32 v21, v25  }
0x1e0: {  	v54 =	vmul.f32 v61, v29;
	v61 =	vsub.f32 v34, v44;
	v55 =	vadd.f32 v40, v46;
	[tilespmem:s2+$0xA020] =	vst v42  }
0x1e1: {  	v34 =	vmul.f32 v12, v2;
	v56 =	vadd.f32 v48, v45;
	[tilespmem:s2+$0xA030] =	vst v18;
	v28 =	vmul.f32 v58, v21  }
0x1e2: {  	v39 =	vmul.f32 v24, v4;
	v41 =	vmul.f32 v51, v2;
	v63 =	vadd.f32 v15, v46;
	[tilespmem:s31+$0xA020] =	vst v55  }
0x1e3: {  	v49 =	vmul.f32 v47, v62;
	v0 =	vadd.f32 v13, v45;
	[tilespmem:s31+$0xA030] =	vst v56;
	v28 =	vsub.f32 $1.500000000e+00, v28  }
0x1e4: {  	v8 =	vadd.f32 v8, v46;
	v1 =	vadd.f32 v1, v45;
	v47 =	vmul.f32 v52, v4;
	[tilespmem:s1+$0xA020] =	vst v63  }
0x1e5: {  	v52 =	vsub.f32 v30, v10;
	v11 =	vadd.f32 v41, v6;
	[tilespmem:s1+$0xA030] =	vst v0;
	v33 =	vmul.f32 v28, v21  }
0x1e6: {  	v40 =	vmul.f32 v19, v5;
	v53 =	vsub.f32 $1.500000000e+00, v49;
	v0 =	vadd.f32 v9, v7;
	[tilespmem:s0+$0xA020] =	vst v8  }
0x1e7: {  	[tilespmem:s0+$0xA030] =	vst v1;
	v1 =	vadd.f32 v39, v46;
	v42 =	vmul.f32 v26, v3;
	v38 =	vmul.f32 v33, v25  }
0x1e8: {  	v14 =	vadd.f32 v40, v45;
	v48 =	vadd.f32 v47, v46;
	v49 =	vmul.f32 v54, v5;
	[tilespmem:s3+$0xA000] =	vst v11  }
0x1e9: {  	v54 =	vsub.f32 v37, v10;
	v57 =	vmul.f32 v53, v62;
	[tilespmem:s0+$0xA010] =	vst v0;
	v12 =	vmul.f32 v38, v33  }
0x1ea: {  	v62 =	vsub.f32 v35, v44;
	v35 =	vmul.f32 v22, v3;
	v0 =	vadd.f32 v34, v6;
	[tilespmem:s14+$0xA020] =	vst v1  }
0x1eb: {  	v9 =	vadd.f32 v42, v7;
	[tilespmem:s14+$0xA030] =	vst v14;
	v43 =	vmul.f32 v57, v59;
	v12 =	vsub.f32 $1.500000000e+00, v12  }
0x1ec: {  	v8 =	vadd.f32 v35, v7;
	[tilespmem:s14+$0xA000] =	vst v0;
	v0 =	vmul.f32 v57, v60;
	v44 =	vmul.f32 v57, v61  }
0x1ed: {  	v53 =	vsub.f32 v36, v10;
	[tilespmem:s3+$0xA020] =	vst v48;
	v51 =	vmul.f32 v43, v2;
	v1 =	vmul.f32 v12, v33  }
0x1ee: {  	v55 =	vadd.f32 v49, v45;
	[tilespmem:s14+$0xA010] =	vst v8;
	v8 =	vmul.f32 v57, v62;
	v0 =	vmul.f32 v0, v3  }
0x1ef: {  	[tilespmem:s3+$0xA010] =	vst v9;
	v56 =	vmul.f32 v44, v4;
	v11 =	vadd.f32 v51, v6;
	v57 =	vmul.f32 v1, v50  }
0x1f0: {  	[tilespmem:s3+$0xA030] =	vst v55;
	v0 =	vadd.f32 v0, v7;
	v8 =	vmul.f32 v8, v5;
	v58 =	vmul.f32 v1, v52  }
0x1f1: {  	v59 =	vadd.f32 v56, v46;
	[tilespmem:s15+$0xA000] =	vst v11;
	v61 =	vmul.f32 v1, v53;
	v60 =	vmul.f32 v57, v2  }
0x1f2: {  	[tilespmem:s15+$0xA010] =	vst v0;
	v0 =	vadd.f32 v8, v45;
	v1 =	vmul.f32 v1, v54;
	v8 =	vmul.f32 v58, v3  }
0x1f3: {  	p0 =	slt.u32 s30, $0x78;
	[tilespmem:s15+$0xA020] =	vst v59;
	v63 =	vmul.f32 v61, v4;
	v62 =	vadd.f32 v60, v6  }
.Ltmp1:
0x1f4: {  	[tilespmem:s15+$0xA030] =	vst v0;
	v1 =	vmul.f32 v1, v5;
	v0 =	vadd.f32 v8, v7;
	(pc) =	sbr.rel @p0 .LBB2_5-.Ltmp1, $4  }
0x1f5: {  	v8 =	vadd.f32 v63, v46;
	[tilespmem:s18+$0xA000] =	vst v62  }
0x1f6: {  	[tilespmem:s18+$0xA010] =	vst v0;
	v0 =	vadd.f32 v1, v45  }
0x1f7: {  	s31 =	sadd.s32 $0x8, s30;
	[tilespmem:s18+$0xA020] =	vst v8  }
0x1f8: {  	s30 =	smov.u32 s31;
	[tilespmem:s18+$0xA030] =	vst v0  }
0x1f9: {  	s26 =	sadd.s32 $0x1, s26  }
0x1fa: {  	p0 =	sne.s32 s26, $0x40  }
.Ltmp2:
0x1fb: {  	_ = 	snop;
	(pc) =	sbr.rel @p0 .LBB2_2-.Ltmp2, $4  }
0x1fc: {  	s0 =	sshll.u32 s28, $0xA  }
0x1fd: {  	s1 =	sadd.s32 s4, s29;
	s0 =	sand.u32 $0xC00, s0  }
0x1fe: {  	v1 =	vmov v2;
	s0 =	sadd.s32 s0, s1  }
0x1ff: {  	v2 =	vmovc v3;
	v3 =	vmovc v4;
	v4 =	vmov v5;
	v5 =	vmov v6;
	v6 =	vmov v7;
	v7 =	vld [tilespmem:$0x1FFF0];
	[hbm4b:s0+s5] =	stream.linear.scatter [tilespmem:s19], [sflag:$0x4], $0x2000, $0x38  }
0x200: {  	_ =	swait.ge [sflag:s24], $0x2000  }
0x201: {  	s25 =	sadd.s32 $0x1, s25;
	s0 =	rddreg [dreg:$0x7]  }
0x202: {  	p0 =	sne.s32 s25, s0  }
.Ltmp3:
0x203: {  	_ = 	snop;
	(pc) =	sbr.rel @p0 .LBB2_1-.Ltmp3, $3  }
0x204: {  	_ =	sdelay $0x1  }
0x205: {  	[sflag:s24] =	ssyncset.done $0x0  }
0x206: {  	[sflag:s24] =	ssyncadd.s32 $0xFFFFE000  }
0x207: {  	_ =	sfence.sel $0x180000  }
0x208: {  	[bflag:$0x0] =	sbarrier.arrive $0xFFFF  }
0x209: {  	_ =	strace $0x90000047  }
0x20a: {  	s0 =	stileid.u32;
	[bflag:$0x2] =	sbarrier.arrive $0xFFFF  }
0x20b: {  	p0 =	sne.s32 s0, $0x0;
	s0 =	rddreg [dreg:$0x4]  }
0x20c: {  	s0 =	sadd.s32 @!p0 $0x100000, s0  }
0x20d: {  	[sflag:s0] =	ssyncadd.tile.s32 @!p0 $0x1;
	_ =	shalt  }
.Lfunc_end2:
_tile_overlayer_lowered:
.L_overlay_start_2:
0x20e: {  	(tag) =	ssettag $0x2  }
0x20f: {  	s0 =	rddreg [dreg:$0x0];
	s2 =	stileid.u32  }
0x210: {  	s1 =	rddreg [dreg:$0x1];
	p0 =	sne.s32 s2, $0x0  }
0x211: {  	s3 =	rddreg [dreg:$0x2];
	[bflag:$0x3] =	sbarrier.arrive $0xFFFF;
	s2 =	simm.s32 @!p0 $0x1C05  }
0x212: {  	[timem:s3], [sflag:s2] =	dma.local @!p0 [hbm:s0], s1  }
0x213: {  	s0 =	simm.s32 @!p0 $0x5  }
0x214: {  	_ =	swait.ge @!p0 [sflag:s0], s1  }
0x215: {  	s1 =	ssub.s32 @!p0 $0x0, s1;
	[sflag:s0] =	ssyncset.done @!p0 $0x0  }
0x216: {  	[sflag:s0] =	ssyncadd.s32 @!p0 s1  }
0x217: {  	[bflag:$0x3] =	sbarrier.arrive $0xFFFF  }
0x218: {  	_ =	shalt  }

// kernel: sparse-core-data-format-call.cloned.1.call-start
scs
called_computation_lowered:
.L_overlay_start_0:
0x0: {  	s2 =	sld [smem:$0x3FD9]  }
0x1: {  	s3 =	sld [smem:$0x3FFE];
	_ =	sdelay $0x1  }
0x2: {  	s1 =	srdreg.scid  }
0x3: {  	s0 =	sand.u32 $0x1, s1  }
0x4: {  	s18 =	sshll.u32 s0, $0xA;
	s2 =	sadd.s32 s3, s2  }
0x5: {  	s2 =	sadd.s32 s2, s18  }
0x6: {  	[smem:$0x3FC1] =	sst s2  }
0x7: {  	_ = 	snop  }
0x8: {  	s2 =	sld [smem:$0x3FD0];
	(tm) =	ssettm $0x1  }
0x9: {  	s19 =	sld [smem:$0x3FFB];
	_ =	sdelay $0x3  }
0xa: {  	_ =	strace s19  }
0xb: {  	s3 =	sld [smem:$0x3FFC];
	_ =	sdelay $0x3  }
0xc: {  	_ =	strace s3  }
0xd: {  	s3 =	sld [smem:$0x3FFD];
	_ =	sdelay $0x3  }
0xe: {  	_ =	strace s3  }
0xf: {  	_ =	strace $0x8FFFFFFF  }
0x10: {  	s20 =	sld [smem:$0x3FDB];
	_ =	sdelay $0x1  }
0x11: {  	s4 =	simm.s32 $_scs_section_size  }
0x12: {  	s5 =	simm.s32 $_size__tile_overlayer_lowered;
	s6 =	simm.s32 $_tile_overlayer_lowered  }
0x13: {  	s23 =	simm.s32 $0x1BFF;
	s22 =	sshll.u32 s6, $0x1;
	s3 =	sadd.s32 s4, s20  }
0x14: {  	s7 =	simm.s32 $0x0;
	s21 =	sshll.u32 s5, $0x1;
	s5 =	sadd.s32 s22, s3  }
0x15: {  	[timem:s7], [sflag:s23] =	dma.local [hbm:s5], s21  }
0x16: {  	_ =	swait.ge [sflag:s23], s21  }
0x17: {  	s4 =	ssub.s32 $0x0, s21;
	[sflag:s23] =	ssyncset.done $0x0  }
0x18: {  	[sflag:s23] =	ssyncadd.s32 s4;
	_ =	sdelay $0x1  }
0x19: {  	s24 =	simm.s32 $0x1B8B  }
0x1a: {  	_ =	swait.ge [sflag:s24], $0x1  }
0x1b: {  	[sflag:s24] =	ssyncset.done $0x0  }
0x1c: {  	s26 =	simm.s32 $0x1B8E;
	s25 =	sld [smem:$0x3FFE];
	[sflag:s24] =	ssyncadd.s32 $0xFFFFFFFF  }
0x1d: {  	s27 =	simm.s32 $execute0_lowered;
	[smem:$0x3FD2] =	sst s26  }
0x1e: {  	s5 =	sshll.u32 s27, $0x1;
	_ =	strace $0x80000049;
	[dreg:$0x1] =	wrdreg $0xFFFFFFFF  }
0x1f: {  	s28 =	simm.s32 $_size_execute0_lowered;
	s3 =	sadd.s32 s3, s5;
	[dreg:$0x0] =	wrdreg $0x0  }
0x20: {  	s5 =	sshll.u32 s28, $0x1;
	[dreg:$0x2] =	wrdreg s3  }
0x21: {  	[dreg:$0x3] =	wrdreg s5  }
0x22: {  	[dreg:$0x4] =	wrdreg $0xC0  }
0x23: {  	_ =	task [dreg:s7], $0x5FFFF  }
0x24: {  	[dreg:$0x1] =	wrdreg $0xFFFFFFFF  }
0x25: {  	[dreg:$0x0] =	wrdreg $0x60  }
0x26: {  	[dreg:$0x2] =	wrdreg s25  }
0x27: {  	[dreg:$0x3] =	wrdreg s2  }
0x28: {  	[dreg:$0x4] =	wrdreg $0x9  }
0x29: {  	_ =	task.clear_ibuf [dreg:s7], $0x5FFFF;
	_ =	strace $0x90000049  }
0x2a: {  	s29 =	simm.s32 $0x9;
	_ =	strace $0x8000004B  }
0x2b: {  	_ =	swait.ge [sflag:s29], $0x1  }
0x2c: {  	[sflag:s29] =	ssyncadd.s32 $0xFFFFFFFF  }
0x2d: {  	_ =	strace $0x9000004B  }
0x2e: {  	_ =	sfence  }
0x2f: {  	s30 =	sld [smem:$0x0];
	_ =	sdelay $0x2  }
0x30: {  	s31 =	sshll.u32 s1, $0xD;
	s1 =	sshrl.u32 s1, $0x2  }
0x31: {  	s3 =	sand.u32 $0x4000, s31;
	s1 =	sadd.s32 s1, s30  }
0x32: {  	s0 =	sor.u32 s3, s0;
	s1 =	sshll.u32 s1, $0x11  }
0x33: {  	s0 =	sor.u32 s1, s0  }
0x34: {  	s0 =	sadd.s32 $0x8F2B, s0  }
0x35: {  	[sflag:s0] =	ssyncadd.remote.s32 $0x1  }
0x36: {  	_ =	sfence.sel $0xFFFF  }
0x37: {  	[dreg:$0x0] =	wrdreg $0xFFFFFFFF;
	(pc) =	sbr.abs _section_cstart, $3  }
0x38: {  	[dreg:$0x1] =	wrdreg $0xFFFFFFFF  }
0x39: {  	_ =	task.clear_ibuf [dreg:s7], $0x2FFFF;
	_ =	strace $0x9FFFFFFF  }
0x3a: {  	(tm) =	ssettm $0x7FFFFFFF  }
0x3b: {  	_ =	shalt  }
tec
execute0_lowered:
.L_overlay_start_1:
0x0: {  	(tag) =	ssettag $0x1  }
0x1: {  	s0 =	srdreg.scid  }
0x2: {  	s7 =	rddreg [dreg:$0x0];
	s1 =	sshll.u32 s0, $0x4  }
0x3: {  	s3 =	rddreg [dreg:$0x1];
	s0 =	stileid.u32;
	s1 =	sand.u32 $0x10, s1  }
0x4: {  	s6 =	simm.s32 $0x1;
	s31 =	simm.s32 $0x2;
	s1 =	sor.u32 s0, s1  }
0x5: {  	s13 =	simm.s32 $0x0;
	s9 =	simm.s32 $0x1000;
	s2 =	sshll.u32 s1, $0x1  }
0x6: {  	s14 =	simm.s32 $0x0;
	s10 =	simm.s32 $0x0;
	s4 =	ssub.s32 $0x400, s2  }
0x7: {  	s12 =	simm.s32 $0x0;
	s1 =	rddreg [dreg:$0x2];
	s5 =	sand.u32 $0x3E, s4  }
.Ltmp0:
0x8: {  	_ =	strace $0x8000004A;
	p0 =	sne.s32 s5, $0x0;
	(pc) =	sbr.rel .LBB1_1-.Ltmp0, $4  }
0x9: {  	s11 =	smov.u32 s2;
	s8 =	sshrl.u32 s4, $0x6;
	s6 =	simm.s32 @!p0 $0x0  }
0xa: {  	s4 =	sadd.s32 $0x1200, s7;
	s5 =	simm.s32 $0x1;
	s6 =	sadd.s32 s6, s8  }
0xb: {  	s7 =	sadd.s32 $0x3200, s7;
	[sflag:s5] =	ssyncpa.u1 $0x0;
	s6 =	sshll.u32 s6, $0x2  }
0xc: {  	p0 =	por $0x0, $0x0;
	[sflag:s31] =	ssyncpa.u1 $0x0;
	s8 =	sor.u32 $0x1, s6  }
.LBB1_7:
0xd: {  	s15 =	sadd.s32 $0x80, s10  }
0xe: {  	s13 =	sadd.s32 $0x40, s11;
	s17 =	smov.u32 s11;
	p2 =	sgt.s32 s15, $0x1FF  }
0xf: {  	s17 =	smov.u32 @p2 s13  }
0x10: {  	s15 =	simm.s32 @p2 $0x0;
	p2 =	sgt.s32 s17, $0x3FF  }
0x11: {  	s17 =	smov.u32 @p2 s2;
	p2 =	sne.s32 s12, s8  }
.Ltmp1:
0x12: {  	p1 =	slt.u32 s12, $0x2;
	(pc) =	sbr.rel @!p2 .LBB1_8-.Ltmp1, $4  }
0x13: {  	s16 =	simm.s32 @!p1 $0x2  }
0x14: {  	s14 =	smov.u32 s11;
	p0 =	por !p0, !p0;
	_ =	swait.ge @!p1 [sflag:s16], $0x4000  }
0x15: {  	s13 =	smov.u32 s10;
	[sflag:s16] =	ssyncset.done @!p1 $0x0;
	s10 =	smov.u32 s15  }
0x16: {  	s12 =	sadd.s32 $0x1, s12;
	[sflag:s16] =	ssyncadd.s32 @!p1 $0xFFFFC000;
	s11 =	smov.u32 s17  }
.LBB1_1:
0x17: {  	p1 =	sge.u32 s12, s6  }
0x18: {  	s15 =	sxor.u32 @!p1 $0xFFFFFFFF, s12;
	s16 =	sshll.u32 @!p1 s11, $0xD  }
0x19: {  	s17 =	sshll.u32 @!p1 s10, $0x4;
	s19 =	simm.s32 @!p1 $0x40;
	s20 =	simm.s32 @!p1 $0x80  }
0x1a: {  	s15 =	sshll.u32 @!p1 s15, $0xE;
	s17 =	sand.u32 @!p1 $0x1FF0, s17;
	s18 =	sadd.s32 @!p1 s4, s16  }
0x1b: {  	s16 =	sadd.s32 @!p1 s16, s7;
	s15 =	sand.u32 @!p1 $0x4000, s15;
	s18 =	sadd.s32 @!p1 s17, s18  }
0x1c: {  	[tilespmem:s15], [sflag:$0x1] =	stream.strided.gather @!p1 [hbm4b:s18+s19], $0x2000, s20, s19, $0x38;
	[tilespmem:$0x10100] =	vst v63  }
0x1d: {  	s31 =	sadd.s32 $0xFFFFFFFF, s12;
	s16 =	sadd.s32 @!p1 s17, s16;
	s15 =	sor.u32 @!p1 $0x2000, s15  }
0x1e: {  	[tilespmem:s15], [sflag:$0x1] =	stream.strided.gather @!p1 [hbm4b:s16+s19], $0x2000, s20, s19, $0x38;
	[tilespmem:$0x10100] =	vst v63  }
0x1f: {  	p1 =	sge.u32 s31, s6  }
.Ltmp2:
0x20: {  	_ = 	snop;
	(pc) =	sbr.rel @p1 .LBB1_7-.Ltmp2, $1  }
0x21: {  	_ =	sdelay $0x3  }
0x22: {  	s15 =	simm.s32 $0x1;
	s17 =	sand.u32 $0x1, s12  }
0x23: {  	_ =	swait.ge [sflag:s5], $0x4000;
	s15 =	simm.s32 @!p0 $0x0;
	s17 =	smul.u32 $0x10200, s17  }
0x24: {  	p2 =	por $0x1, $0x1;
	[sflag:s5] =	ssyncset.done $0x0;
	s16 =	smul.u32 $0x10200, s15  }
0x25: {  	s18 =	sshll.u32 s15, $0x10;
	[sflag:s5] =	ssyncadd.s32 $0xFFFFC000;
	s30 =	sshrl.u32 s17, $0x2  }
0x26: {  	s31 =	sshrl.u32 s18, $0x2;
	s18 =	simm.s32 $0x0;
	s16 =	sshrl.u32 s16, $0x2  }
0x27: {  	s15 =	sor.u32 $0x8000, s30;
	s17 =	sadd.s32 $0x20, s31;
	s16 =	sor.u32 $0x8000, s16  }
.LBB1_3:
0x28: {  	s19 =	sshll.u32 s18, $0xD  }
0x29: {  	s19 =	sand.u32 $0x3FFFE000, s19  }
0x2a: {  	s21 =	sadd.s32 s19, s17  }
0x2b: {  	s31 =	smul.u32 $0x8100, s18;
	v3 =	vld [tilespmem:s21+$0x10]  }
0x2c: {  	v1 =	vld [tilespmem:s21+$0xFFFFFFF0]  }
0x2d: {  	s18 =	sshra.s32 s31, $0x2;
	v0 =	vld [tilespmem:s21+$0x0]  }
0x2e: {  	s18 =	sadd.s32 s18, s16;
	v2 =	vld [tilespmem:s21+$0xFFFFFFE0]  }
0x2f: {  	s19 =	sadd.s32 $0x0, s18  }
0x30: {  	p1 =	por p2, p2;
	s20 =	simm.s32 $0x4;
	s21 =	sadd.s32 $0x40, s21;
	[tilespmem:s19+$0x1830 ss:$0x81] =	vst.msk $0xffff, v3  }
.LBB1_4:
0x31: {  	v3 =	vld [tilespmem:s21+$0x10];
	p2 =	sne.s32 s20, $0x1FC;
	[tilespmem:s19+$0x810 ss:$0x81] =	vst.msk $0xffff, v1;
	s22 =	smov.u32 s20;
	s20 =	sadd.s32 $0x4, s20  }
.Ltmp3:
0x32: {  	v1 =	vld [tilespmem:s21+$0xFFFFFFF0];
	[tilespmem:s19+$0x1020 ss:$0x81] =	vst.msk $0xffff, v0;
	(pc) =	sbr.rel @p2 .LBB1_4-.Ltmp3, $4  }
0x33: {  	v0 =	vld [tilespmem:s21+$0x0];
	[tilespmem:s19+$0x0 ss:$0x81] =	vst.msk $0xffff, v2  }
0x34: {  	s19 =	sshra.s32 s22, $0x2;
	v2 =	vld [tilespmem:s21+$0xFFFFFFE0]  }
0x35: {  	s19 =	sadd.s32 s19, s18  }
0x36: {  	s21 =	sadd.s32 $0x40, s21;
	[tilespmem:s19+$0x1830 ss:$0x81] =	vst.msk $0xffff, v3  }
.Ltmp4:
0x37: {  	(pc) =	sbr.rel @p1 .LBB1_3-.Ltmp4, $4  }
0x38: {  	_ = 	snop  }
0x39: {  	[tilespmem:s19+$0x810 ss:$0x81] =	vst.msk $0xffff, v1  }
0x3a: {  	[tilespmem:s19+$0x1020 ss:$0x81] =	vst.msk $0xffff, v0  }
0x3b: {  	s18 =	simm.s32 $0x1;
	p2 =	por $0x0, $0x0;
	[tilespmem:s19+$0x0 ss:$0x81] =	vst.msk $0xffff, v2  }
.Ltmp5:
0x3c: {  	s16 =	sand.u32 $0xF80, s13;
	s14 =	sshll.u32 s14, $0xC;
	(pc) =	sbr.rel .LBB1_7-.Ltmp5, $4  }
0x3d: {  	s17 =	sshrl.u32 s13, $0x3;
	s31 =	sand.u32 $0x7, s13;
	s14 =	sadd.s32 s3, s14  }
0x3e: {  	s17 =	sand.u32 $0xF, s17;
	s13 =	sshll.u32 s31, $0x12;
	s14 =	sadd.s32 s16, s14  }
0x3f: {  	s13 =	sor.u32 $0x400, s13;
	s14 =	sadd.s32 s17, s14  }
0x40: {  	[hbm4b:s14+s13] =	stream.strided.scatter [tilespmem:s15], [sflag:$0x2], $0x4000, s9, s13, $0x20;
	[tilespmem:$0x10100] =	vst v63  }
.LBB1_8:
0x41: {  	_ =	sfence.sel $0x180000  }
0x42: {  	s2 =	simm.s32 $0x1;
	[bflag:$0x0] =	sbarrier.arrive $0xFFFF  }
0x43: {  	s31 =	simm.s32 $0x2;
	[sflag:s2] =	ssyncpa.u1 $0x1  }
0x44: {  	[sflag:s31] =	ssyncpa.u1 $0x1  }
0x45: {  	p0 =	sne.s32 s0, $0x0;
	_ =	strace $0x9000004A  }
0x46: {  	s0 =	sadd.s32 @!p0 $0x100000, s1;
	[bflag:$0x2] =	sbarrier.arrive $0xFFFF  }
0x47: {  	[sflag:s0] =	ssyncadd.tile.s32 @!p0 $0x1;
	_ =	shalt  }
.Lfunc_end1:
_tile_overlayer_lowered:
.L_overlay_start_2:
0x48: {  	(tag) =	ssettag $0x2  }
0x49: {  	s0 =	rddreg [dreg:$0x0];
	s2 =	stileid.u32  }
0x4a: {  	s1 =	rddreg [dreg:$0x1];
	p0 =	sne.s32 s2, $0x0  }
0x4b: {  	s3 =	rddreg [dreg:$0x2];
	[bflag:$0x3] =	sbarrier.arrive $0xFFFF;
	s2 =	simm.s32 @!p0 $0x1C01  }
0x4c: {  	[timem:s3], [sflag:s2] =	dma.local @!p0 [hbm:s0], s1  }
0x4d: {  	s0 =	simm.s32 @!p0 $0x1  }
0x4e: {  	_ =	swait.ge @!p0 [sflag:s0], s1  }
0x4f: {  	s1 =	ssub.s32 @!p0 $0x0, s1;
	[sflag:s0] =	ssyncset.done @!p0 $0x0  }
0x50: {  	[sflag:s0] =	ssyncadd.s32 @!p0 s1  }
0x51: {  	[bflag:$0x3] =	sbarrier.arrive $0xFFFF  }
0x52: {  	_ =	shalt  }

</sc_bundles>
